<compile_context>
chip_gen: v7x
topology: tpu7x:2x2x1
jax: 0.10.2.dev20260603
libtpu: 0.0.44.dev20260713+nightly
codegen_flags: <defaults>
</compile_context>

<pallas_src>
import functools

import jax
import jax.numpy as jnp
from jax import lax
from jax.experimental import pallas as pl
from jax.experimental.pallas import tpu as pltpu
from jax.experimental.pallas import tpu_sc as plsc

D = 64
SEQ = 20
B = 16384
NC = 2
NS = 16
NW = NC * NS
ROWS_PER_W = B // NW
CHUNK = 32
NCHUNK = ROWS_PER_W // CHUNK
TOK_PER_CHUNK = CHUNK * SEQ
IDX_PER_STREAM = 128
NSTREAM = TOK_PER_CHUNK // IDX_PER_STREAM


def _lanes():
    return lax.broadcasted_iota(jnp.int32, (16,), 0)


_mesh = plsc.VectorSubcoreMesh(core_axis_name="c", subcore_axis_name="s")


@functools.partial(
    pl.kernel,
    mesh=_mesh,
    compiler_params=pltpu.CompilerParams(needs_layout_passes=False,
                                         use_tc_tiling_on_sc=False),
    out_type=jax.ShapeDtypeStruct((B, 2 * D), jnp.float32),
    scratch_types=[
        pltpu.VMEM((2, TOK_PER_CHUNK), jnp.int32),
        pltpu.VMEM((2, CHUNK), jnp.int32),
        pltpu.VMEM((2, TOK_PER_CHUNK, D), jnp.float32),
        pltpu.VMEM((2, CHUNK, D), jnp.float32),
        pltpu.VMEM((2, CHUNK, 2 * D), jnp.float32),
        pltpu.VMEM((1, D), jnp.float32),
        pltpu.SemaphoreType.DMA,
        pltpu.SemaphoreType.DMA,
        pltpu.SemaphoreType.DMA,
        pltpu.SemaphoreType.DMA,
    ],
)
def _movie_sc_kernel(title_ids, tok_flat, title_table, token_table, out,
                     tok_v, tid_v, rows_v, trows_v, outb_v, row0_v,
                     sem_tok0, sem_tok1, sem_title0, sem_title1):
    wid = lax.axis_index("s") * NC + lax.axis_index("c")
    base0 = wid * ROWS_PER_W
    sem_tok = (sem_tok0, sem_tok1)
    sem_title = (sem_title0, sem_title1)

    pltpu.sync_copy(token_table.at[pl.ds(0, 1), :], row0_v)

    def stage_and_fire(c, b):
        base = base0 + c * CHUNK
        pltpu.sync_copy(tok_flat.at[pl.ds(base * SEQ, TOK_PER_CHUNK)],
                        tok_v.at[b])
        pltpu.sync_copy(title_ids.at[pl.ds(base, CHUNK)], tid_v.at[b])
        for j in range(NSTREAM):
            pltpu.async_copy(
                token_table.at[tok_v.at[b, pl.ds(j * IDX_PER_STREAM,
                                                 IDX_PER_STREAM)]],
                rows_v.at[b, pl.ds(j * IDX_PER_STREAM, IDX_PER_STREAM), :],
                sem_tok[b],
            )
        pltpu.async_copy(title_table.at[tid_v.at[b]], trows_v.at[b],
                         sem_title[b])

    def drain(b):
        pltpu.make_async_copy(token_table.at[pl.ds(0, TOK_PER_CHUNK), :],
                              rows_v.at[b], sem_tok[b]).wait()
        pltpu.make_async_copy(title_table.at[pl.ds(0, CHUNK), :],
                              trows_v.at[b], sem_title[b]).wait()

    def compute_and_write(c, b):
        base = base0 + c * CHUNK

        def row_body(r, rcarry):
            accs = [rows_v[b, r * SEQ, pl.ds(q * 16, 16)] for q in range(4)]
            for t in range(1, SEQ):
                for q in range(4):
                    accs[q] = accs[q] + rows_v[b, r * SEQ + t,
                                               pl.ds(q * 16, 16)]
            v1 = tok_v[b, pl.ds(r * SEQ, 16)]
            v2 = tok_v[b, pl.ds(r * SEQ + 4, 16)]
            lanes = _lanes()
            nz1 = jnp.sum(jnp.where(v1 == 0, 1, 0))
            nz2 = jnp.sum(jnp.where((v2 == 0) & (lanes >= 12), 1, 0))
            nzf = (nz1 + nz2).astype(jnp.float32)
            nzs = jnp.zeros((16,), jnp.float32) + nzf
            invs = 1.0 / jnp.maximum(jnp.float32(SEQ) - nzs, 1.0)
            for q in range(4):
                r0 = row0_v[0, pl.ds(q * 16, 16)]
                outb_v[b, r, pl.ds(D + q * 16, 16)] = \
                    (accs[q] - nzs * r0) * invs
                outb_v[b, r, pl.ds(q * 16, 16)] = \
                    trows_v[b, r, pl.ds(q * 16, 16)]
            return rcarry

        lax.fori_loop(0, CHUNK, row_body, 0)
        pltpu.sync_copy(outb_v.at[b], out.at[pl.ds(base, CHUNK), :])

    stage_and_fire(jnp.int32(0), 0)
    stage_and_fire(jnp.int32(1), 1)

    def pair_body(i, carry):
        for bb in range(2):
            c = i * 2 + bb
            drain(bb)
            compute_and_write(c, bb)

            @pl.when(c + 2 < NCHUNK)
            def _():
                stage_and_fire(c + 2, bb)
        return carry

    lax.fori_loop(0, NCHUNK // 2, pair_body, 0)


def kernel(title_ids, token_ids, title_table, token_table):
    tok_flat = token_ids.reshape(-1)
    return _movie_sc_kernel(title_ids, tok_flat, title_table, token_table)

# --- scband reference (transcript-rebuilt; emitter-appended) ---
"""Pipeline reference for scband-movie-model-31009663877811 (READ-ONLY COPY).

The authoritative reference and input builder live on the scoring server;
editing this copy changes nothing except your own understanding.
"""

import jax, jax.numpy as jnp
import numpy as np

NUM_MOVIES = 100000   # len(unique_movie_titles); table has NUM_MOVIES+1 rows (StringLookup OOV row)
TITLE_EMBED = 64
TEXT_EMBED = 64
MAX_TOKENS = 10000    # TextVectorization max_tokens; token id 0 is the mask token
BATCH = 16384
SEQ = 20

def setup_inputs(seed: int = 0) -> dict:
    key = jax.random.key(seed)
    k1, k2, k3, k4 = jax.random.split(key, 4)
    # StringLookup(title) -> integer id in [0, NUM_MOVIES] (0 reserved for OOV)
    title_ids = jax.random.randint(k1, (BATCH,), 0, NUM_MOVIES + 1, dtype=jnp.int32)
    # TextVectorization(title) -> padded token ids in [0, MAX_TOKENS); 0 = padding/mask
    token_ids = jax.random.randint(k2, (BATCH, SEQ), 0, MAX_TOKENS, dtype=jnp.int32)
    title_table = jax.random.normal(k3, (NUM_MOVIES + 1, TITLE_EMBED), dtype=jnp.float32) * 0.05
    token_table = jax.random.normal(k4, (MAX_TOKENS, TEXT_EMBED), dtype=jnp.float32) * 0.05
    return {"title_ids": title_ids, "token_ids": token_ids,
            "title_table": title_table, "token_table": token_table}

def reference(title_ids, token_ids, title_table, token_table):
    # Branch 1: StringLookup -> Embedding (plain row gather)
    title_emb = jnp.take(title_table, title_ids, axis=0)              # [B, TITLE_EMBED]
    # Branch 2: TextVectorization -> Embedding(mask_zero=True) -> GlobalAveragePooling1D
    tok_emb = jnp.take(token_table, token_ids, axis=0)                # [B, S, TEXT_EMBED]
    mask = (token_ids != 0).astype(jnp.float32)[..., None]            # [B, S, 1]
    summed = jnp.sum(tok_emb * mask, axis=1)                          # [B, TEXT_EMBED]
    count = jnp.maximum(jnp.sum(mask, axis=1), 1.0)                   # avoid div-by-zero
    text_emb = summed / count                                         # masked mean (Keras GAP1D w/ mask)
    return jnp.concatenate([title_emb, text_emb], axis=1)             # [B, 128]

if __name__ == "__main__":
    import jax
    _d = setup_inputs()
    print(jax.jit(kernel)(*tuple(_d.values())))

</pallas_src>

<mosaic_0001>
#map = affine_map<(d0, d1) -> (0)>
#map1 = affine_map<(d0, d1) -> (0, 0)>
module attributes {stable_mosaic.version = 14 : i64} {
  func.func @_movie_sc_kernel(%arg0: i32, %arg1: i32, %arg2: memref<16384xi32, #tpu.memory_space<hbm>>, %arg3: memref<327680xi32, #tpu.memory_space<hbm>>, %arg4: memref<100001x64xf32, #tpu.memory_space<hbm>>, %arg5: memref<10000x64xf32, #tpu.memory_space<hbm>>, %arg6: memref<16384x128xf32, #tpu.memory_space<hbm>>, %arg7: memref<2x640xi32, #tpu.memory_space<vmem>>, %arg8: memref<2x32xi32, #tpu.memory_space<vmem>>, %arg9: memref<2x640x64xf32, #tpu.memory_space<vmem>>, %arg10: memref<2x32x64xf32, #tpu.memory_space<vmem>>, %arg11: memref<2x32x128xf32, #tpu.memory_space<vmem>>, %arg12: memref<1x64xf32, #tpu.memory_space<vmem>>, %arg13: memref<!tpu.dma_semaphore, #tpu.memory_space<semaphore_mem>>, %arg14: memref<!tpu.dma_semaphore, #tpu.memory_space<semaphore_mem>>, %arg15: memref<!tpu.dma_semaphore, #tpu.memory_space<semaphore_mem>>, %arg16: memref<!tpu.dma_semaphore, #tpu.memory_space<semaphore_mem>>) attributes {dimension_semantics = [#tpu.dimension_semantics<core_parallel>, #tpu.dimension_semantics<subcore_parallel>], iteration_bounds = array<i64: 2, 16>, scalar_prefetch = 0 : i64, scratch_operands = 10 : i64, tpu.core_type = #tpu.core_type<sc_vector_subcore>, window_params = [{transform_indices = #map}, {transform_indices = #map}, {transform_indices = #map1}, {transform_indices = #map1}, {transform_indices = #map1}]} {
    %mul3A = arith.constant 2 : i32
    %mul3A_0 = arith.muli %arg1, %mul3A : i32
    %add3A = arith.addi %mul3A_0, %arg0 : i32
    %mul3A_1 = arith.constant 512 : i32
    %mul3A_2 = arith.muli %add3A, %mul3A_1 : i32
    "tpu.region"() ({
      %run_scoped3A_166 = tpu.sem_alloc : memref<!tpu.dma_semaphore, #tpu.memory_space<semaphore_mem>>
      %dma_start3A_167 = arith.constant 0 : i32
      %dma_start3A_168 = arith.constant 0 : i32
      %dma_start3A_169 = tpu.memref_slice %arg5[%dma_start3A_167, %dma_start3A_168] : memref<10000x64xf32, #tpu.memory_space<hbm>> -> memref<1x64xf32, #tpu.memory_space<hbm>>
      %dma_start3A_170 = arith.constant 0 : i32
      %dma_start3A_171 = arith.constant 0 : i32
      %dma_start3A_172 = tpu.memref_slice %arg5[%dma_start3A_170, %dma_start3A_171] : memref<10000x64xf32, #tpu.memory_space<hbm>> -> memref<1x64xf32, #tpu.memory_space<hbm>>
      tpu.enqueue_dma source(%dma_start3A_172 : memref<1x64xf32, #tpu.memory_space<hbm>>) target(%arg12 : memref<1x64xf32, #tpu.memory_space<vmem>>) target_semaphore(%run_scoped3A_166 : memref<!tpu.dma_semaphore, #tpu.memory_space<semaphore_mem>>)
      %dma_wait3A = arith.constant 0 : i32
      %dma_wait3A_173 = arith.constant 0 : i32
      %dma_wait3A_174 = tpu.memref_slice %arg5[%dma_wait3A, %dma_wait3A_173] : memref<10000x64xf32, #tpu.memory_space<hbm>> -> memref<1x64xf32, #tpu.memory_space<hbm>>
      %dma_wait3A_175 = arith.constant 0 : i32
      %dma_wait3A_176 = arith.constant 0 : i32
      %dma_wait3A_177 = tpu.memref_slice %arg5[%dma_wait3A_175, %dma_wait3A_176] : memref<10000x64xf32, #tpu.memory_space<hbm>> -> memref<1x64xf32, #tpu.memory_space<hbm>>
      tpu.wait_dma2 semaphore(%run_scoped3A_166 : memref<!tpu.dma_semaphore, #tpu.memory_space<semaphore_mem>>) src(%dma_wait3A_177 : memref<1x64xf32, #tpu.memory_space<hbm>>) dst(%arg12 : memref<1x64xf32, #tpu.memory_space<vmem>>)
      tpu.yield
    }) : () -> ()
    %mul3A_3 = arith.constant 0 : i32
    %mul3A_4 = arith.constant 32 : i32
    %mul3A_5 = arith.muli %mul3A_3, %mul3A_4 : i32
    %add3A_6 = arith.addi %mul3A_2, %mul3A_5 : i32
    %mul3A_7 = arith.constant 20 : i32
    %mul3A_8 = arith.muli %add3A_6, %mul3A_7 : i32
    %run_scoped3A = arith.constant 0 : i32
    "tpu.region"() ({
      %run_scoped3A_166 = tpu.sem_alloc : memref<!tpu.dma_semaphore, #tpu.memory_space<semaphore_mem>>
      %dma_start3A_167 = arith.constant 0 : i32
      %dma_start3A_168 = tpu.memref_slice %arg7[%run_scoped3A, %dma_start3A_167] : memref<2x640xi32, #tpu.memory_space<vmem>> -> memref<1x640xi32, #tpu.memory_space<vmem>>
      %dma_start3A_169 = tpu.memref_squeeze %dma_start3A_168 : memref<1x640xi32, #tpu.memory_space<vmem>> -> memref<640xi32, #tpu.memory_space<vmem>>
      %dma_start3A_170 = tpu.memref_slice %arg3[%mul3A_8] : memref<327680xi32, #tpu.memory_space<hbm>> -> memref<640xi32, #tpu.memory_space<hbm>>
      %dma_start3A_171 = arith.constant 0 : i32
      %dma_start3A_172 = tpu.memref_slice %arg7[%run_scoped3A, %dma_start3A_171] : memref<2x640xi32, #tpu.memory_space<vmem>> -> memref<1x640xi32, #tpu.memory_space<vmem>>
      %dma_start3A_173 = tpu.memref_squeeze %dma_start3A_172 : memref<1x640xi32, #tpu.memory_space<vmem>> -> memref<640xi32, #tpu.memory_space<vmem>>
      %dma_start3A_174 = tpu.memref_slice %arg3[%mul3A_8] : memref<327680xi32, #tpu.memory_space<hbm>> -> memref<640xi32, #tpu.memory_space<hbm>>
      tpu.enqueue_dma source(%dma_start3A_174 : memref<640xi32, #tpu.memory_space<hbm>>) target(%dma_start3A_173 : memref<640xi32, #tpu.memory_space<vmem>>) target_semaphore(%run_scoped3A_166 : memref<!tpu.dma_semaphore, #tpu.memory_space<semaphore_mem>>)
      %dma_wait3A = arith.constant 0 : i32
      %dma_wait3A_175 = tpu.memref_slice %arg7[%run_scoped3A, %dma_wait3A] : memref<2x640xi32, #tpu.memory_space<vmem>> -> memref<1x640xi32, #tpu.memory_space<vmem>>
      %dma_wait3A_176 = tpu.memref_squeeze %dma_wait3A_175 : memref<1x640xi32, #tpu.memory_space<vmem>> -> memref<640xi32, #tpu.memory_space<vmem>>
      %dma_wait3A_177 = tpu.memref_slice %arg3[%mul3A_8] : memref<327680xi32, #tpu.memory_space<hbm>> -> memref<640xi32, #tpu.memory_space<hbm>>
      %dma_wait3A_178 = arith.constant 0 : i32
      %dma_wait3A_179 = tpu.memref_slice %arg7[%run_scoped3A, %dma_wait3A_178] : memref<2x640xi32, #tpu.memory_space<vmem>> -> memref<1x640xi32, #tpu.memory_space<vmem>>
      %dma_wait3A_180 = tpu.memref_squeeze %dma_wait3A_179 : memref<1x640xi32, #tpu.memory_space<vmem>> -> memref<640xi32, #tpu.memory_space<vmem>>
      %dma_wait3A_181 = tpu.memref_slice %arg3[%mul3A_8] : memref<327680xi32, #tpu.memory_space<hbm>> -> memref<640xi32, #tpu.memory_space<hbm>>
      tpu.wait_dma2 semaphore(%run_scoped3A_166 : memref<!tpu.dma_semaphore, #tpu.memory_space<semaphore_mem>>) src(%dma_wait3A_181 : memref<640xi32, #tpu.memory_space<hbm>>) dst(%dma_wait3A_180 : memref<640xi32, #tpu.memory_space<vmem>>)
      tpu.yield
    }) : () -> ()
    %run_scoped3A_9 = arith.constant 0 : i32
    "tpu.region"() ({
      %run_scoped3A_166 = tpu.sem_alloc : memref<!tpu.dma_semaphore, #tpu.memory_space<semaphore_mem>>
      %dma_start3A_167 = arith.constant 0 : i32
      %dma_start3A_168 = tpu.memref_slice %arg8[%run_scoped3A_9, %dma_start3A_167] : memref<2x32xi32, #tpu.memory_space<vmem>> -> memref<1x32xi32, #tpu.memory_space<vmem>>
      %dma_start3A_169 = tpu.memref_squeeze %dma_start3A_168 : memref<1x32xi32, #tpu.memory_space<vmem>> -> memref<32xi32, #tpu.memory_space<vmem>>
      %dma_start3A_170 = tpu.memref_slice %arg2[%add3A_6] : memref<16384xi32, #tpu.memory_space<hbm>> -> memref<32xi32, #tpu.memory_space<hbm>>
      %dma_start3A_171 = arith.constant 0 : i32
      %dma_start3A_172 = tpu.memref_slice %arg8[%run_scoped3A_9, %dma_start3A_171] : memref<2x32xi32, #tpu.memory_space<vmem>> -> memref<1x32xi32, #tpu.memory_space<vmem>>
      %dma_start3A_173 = tpu.memref_squeeze %dma_start3A_172 : memref<1x32xi32, #tpu.memory_space<vmem>> -> memref<32xi32, #tpu.memory_space<vmem>>
      %dma_start3A_174 = tpu.memref_slice %arg2[%add3A_6] : memref<16384xi32, #tpu.memory_space<hbm>> -> memref<32xi32, #tpu.memory_space<hbm>>
      tpu.enqueue_dma source(%dma_start3A_174 : memref<32xi32, #tpu.memory_space<hbm>>) target(%dma_start3A_173 : memref<32xi32, #tpu.memory_space<vmem>>) target_semaphore(%run_scoped3A_166 : memref<!tpu.dma_semaphore, #tpu.memory_space<semaphore_mem>>)
      %dma_wait3A = arith.constant 0 : i32
      %dma_wait3A_175 = tpu.memref_slice %arg8[%run_scoped3A_9, %dma_wait3A] : memref<2x32xi32, #tpu.memory_space<vmem>> -> memref<1x32xi32, #tpu.memory_space<vmem>>
      %dma_wait3A_176 = tpu.memref_squeeze %dma_wait3A_175 : memref<1x32xi32, #tpu.memory_space<vmem>> -> memref<32xi32, #tpu.memory_space<vmem>>
      %dma_wait3A_177 = tpu.memref_slice %arg2[%add3A_6] : memref<16384xi32, #tpu.memory_space<hbm>> -> memref<32xi32, #tpu.memory_space<hbm>>
      %dma_wait3A_178 = arith.constant 0 : i32
      %dma_wait3A_179 = tpu.memref_slice %arg8[%run_scoped3A_9, %dma_wait3A_178] : memref<2x32xi32, #tpu.memory_space<vmem>> -> memref<1x32xi32, #tpu.memory_space<vmem>>
      %dma_wait3A_180 = tpu.memref_squeeze %dma_wait3A_179 : memref<1x32xi32, #tpu.memory_space<vmem>> -> memref<32xi32, #tpu.memory_space<vmem>>
      %dma_wait3A_181 = tpu.memref_slice %arg2[%add3A_6] : memref<16384xi32, #tpu.memory_space<hbm>> -> memref<32xi32, #tpu.memory_space<hbm>>
      tpu.wait_dma2 semaphore(%run_scoped3A_166 : memref<!tpu.dma_semaphore, #tpu.memory_space<semaphore_mem>>) src(%dma_wait3A_181 : memref<32xi32, #tpu.memory_space<hbm>>) dst(%dma_wait3A_180 : memref<32xi32, #tpu.memory_space<vmem>>)
      tpu.yield
    }) : () -> ()
    %dma_start3A = arith.constant 0 : i32
    %dma_start3A_10 = arith.constant 0 : i32
    %dma_start3A_11 = arith.constant 0 : i32
    %dma_start3A_12 = arith.constant 0 : i32
    %dma_start3A_13 = tpu.memref_slice %arg9[%dma_start3A_10, %dma_start3A_11, %dma_start3A_12] : memref<2x640x64xf32, #tpu.memory_space<vmem>> -> memref<1x128x64xf32, #tpu.memory_space<vmem>>
    %dma_start3A_14 = tpu.memref_squeeze %dma_start3A_13 : memref<1x128x64xf32, #tpu.memory_space<vmem>> -> memref<128x64xf32, #tpu.memory_space<vmem>>
    %dma_start3A_15 = arith.constant 0 : i32
    %dma_start3A_16 = tpu.memref_slice %arg7[%dma_start3A, %dma_start3A_15] : memref<2x640xi32, #tpu.memory_space<vmem>> -> memref<1x128xi32, #tpu.memory_space<vmem>>
    %dma_start3A_17 = tpu.memref_squeeze %dma_start3A_16 : memref<1x128xi32, #tpu.memory_space<vmem>> -> memref<128xi32, #tpu.memory_space<vmem>>
    %dma_start3A_18 = arith.constant 0 : i32
    %dma_start3A_19 = arith.constant 0 : i32
    %dma_start3A_20 = tpu.memref_slice %arg5[%dma_start3A_18, %dma_start3A_19] : memref<10000x64xf32, #tpu.memory_space<hbm>> -> memref<10000x64xf32, #tpu.memory_space<hbm>>
    tpu.enqueue_indirect_dma source(%dma_start3A_20 : memref<10000x64xf32, #tpu.memory_space<hbm>>) target(%dma_start3A_14 : memref<128x64xf32, #tpu.memory_space<vmem>>) offsets(%dma_start3A_17 : memref<128xi32, #tpu.memory_space<vmem>>) semaphore(%arg13 : memref<!tpu.dma_semaphore, #tpu.memory_space<semaphore_mem>>)
    %dma_start3A_21 = arith.constant 0 : i32
    %dma_start3A_22 = arith.constant 0 : i32
    %dma_start3A_23 = arith.constant 128 : i32
    %dma_start3A_24 = arith.constant 0 : i32
    %dma_start3A_25 = tpu.memref_slice %arg9[%dma_start3A_22, %dma_start3A_23, %dma_start3A_24] : memref<2x640x64xf32, #tpu.memory_space<vmem>> -> memref<1x128x64xf32, #tpu.memory_space<vmem>>
    %dma_start3A_26 = tpu.memref_squeeze %dma_start3A_25 : memref<1x128x64xf32, #tpu.memory_space<vmem>> -> memref<128x64xf32, #tpu.memory_space<vmem>>
    %dma_start3A_27 = arith.constant 128 : i32
    %dma_start3A_28 = tpu.memref_slice %arg7[%dma_start3A_21, %dma_start3A_27] : memref<2x640xi32, #tpu.memory_space<vmem>> -> memref<1x128xi32, #tpu.memory_space<vmem>>
    %dma_start3A_29 = tpu.memref_squeeze %dma_start3A_28 : memref<1x128xi32, #tpu.memory_space<vmem>> -> memref<128xi32, #tpu.memory_space<vmem>>
    %dma_start3A_30 = arith.constant 0 : i32
    %dma_start3A_31 = arith.constant 0 : i32
    %dma_start3A_32 = tpu.memref_slice %arg5[%dma_start3A_30, %dma_start3A_31] : memref<10000x64xf32, #tpu.memory_space<hbm>> -> memref<10000x64xf32, #tpu.memory_space<hbm>>
    tpu.enqueue_indirect_dma source(%dma_start3A_32 : memref<10000x64xf32, #tpu.memory_space<hbm>>) target(%dma_start3A_26 : memref<128x64xf32, #tpu.memory_space<vmem>>) offsets(%dma_start3A_29 : memref<128xi32, #tpu.memory_space<vmem>>) semaphore(%arg13 : memref<!tpu.dma_semaphore, #tpu.memory_space<semaphore_mem>>)
    %dma_start3A_33 = arith.constant 0 : i32
    %dma_start3A_34 = arith.constant 0 : i32
    %dma_start3A_35 = arith.constant 256 : i32
    %dma_start3A_36 = arith.constant 0 : i32
    %dma_start3A_37 = tpu.memref_slice %arg9[%dma_start3A_34, %dma_start3A_35, %dma_start3A_36] : memref<2x640x64xf32, #tpu.memory_space<vmem>> -> memref<1x128x64xf32, #tpu.memory_space<vmem>>
    %dma_start3A_38 = tpu.memref_squeeze %dma_start3A_37 : memref<1x128x64xf32, #tpu.memory_space<vmem>> -> memref<128x64xf32, #tpu.memory_space<vmem>>
    %dma_start3A_39 = arith.constant 256 : i32
    %dma_start3A_40 = tpu.memref_slice %arg7[%dma_start3A_33, %dma_start3A_39] : memref<2x640xi32, #tpu.memory_space<vmem>> -> memref<1x128xi32, #tpu.memory_space<vmem>>
    %dma_start3A_41 = tpu.memref_squeeze %dma_start3A_40 : memref<1x128xi32, #tpu.memory_space<vmem>> -> memref<128xi32, #tpu.memory_space<vmem>>
    %dma_start3A_42 = arith.constant 0 : i32
    %dma_start3A_43 = arith.constant 0 : i32
    %dma_start3A_44 = tpu.memref_slice %arg5[%dma_start3A_42, %dma_start3A_43] : memref<10000x64xf32, #tpu.memory_space<hbm>> -> memref<10000x64xf32, #tpu.memory_space<hbm>>
    tpu.enqueue_indirect_dma source(%dma_start3A_44 : memref<10000x64xf32, #tpu.memory_space<hbm>>) target(%dma_start3A_38 : memref<128x64xf32, #tpu.memory_space<vmem>>) offsets(%dma_start3A_41 : memref<128xi32, #tpu.memory_space<vmem>>) semaphore(%arg13 : memref<!tpu.dma_semaphore, #tpu.memory_space<semaphore_mem>>)
    %dma_start3A_45 = arith.constant 0 : i32
    %dma_start3A_46 = arith.constant 0 : i32
    %dma_start3A_47 = arith.constant 384 : i32
    %dma_start3A_48 = arith.constant 0 : i32
    %dma_start3A_49 = tpu.memref_slice %arg9[%dma_start3A_46, %dma_start3A_47, %dma_start3A_48] : memref<2x640x64xf32, #tpu.memory_space<vmem>> -> memref<1x128x64xf32, #tpu.memory_space<vmem>>
    %dma_start3A_50 = tpu.memref_squeeze %dma_start3A_49 : memref<1x128x64xf32, #tpu.memory_space<vmem>> -> memref<128x64xf32, #tpu.memory_space<vmem>>
    %dma_start3A_51 = arith.constant 384 : i32
    %dma_start3A_52 = tpu.memref_slice %arg7[%dma_start3A_45, %dma_start3A_51] : memref<2x640xi32, #tpu.memory_space<vmem>> -> memref<1x128xi32, #tpu.memory_space<vmem>>
    %dma_start3A_53 = tpu.memref_squeeze %dma_start3A_52 : memref<1x128xi32, #tpu.memory_space<vmem>> -> memref<128xi32, #tpu.memory_space<vmem>>
    %dma_start3A_54 = arith.constant 0 : i32
    %dma_start3A_55 = arith.constant 0 : i32
    %dma_start3A_56 = tpu.memref_slice %arg5[%dma_start3A_54, %dma_start3A_55] : memref<10000x64xf32, #tpu.memory_space<hbm>> -> memref<10000x64xf32, #tpu.memory_space<hbm>>
    tpu.enqueue_indirect_dma source(%dma_start3A_56 : memref<10000x64xf32, #tpu.memory_space<hbm>>) target(%dma_start3A_50 : memref<128x64xf32, #tpu.memory_space<vmem>>) offsets(%dma_start3A_53 : memref<128xi32, #tpu.memory_space<vmem>>) semaphore(%arg13 : memref<!tpu.dma_semaphore, #tpu.memory_space<semaphore_mem>>)
    %dma_start3A_57 = arith.constant 0 : i32
    %dma_start3A_58 = arith.constant 0 : i32
    %dma_start3A_59 = arith.constant 512 : i32
    %dma_start3A_60 = arith.constant 0 : i32
    %dma_start3A_61 = tpu.memref_slice %arg9[%dma_start3A_58, %dma_start3A_59, %dma_start3A_60] : memref<2x640x64xf32, #tpu.memory_space<vmem>> -> memref<1x128x64xf32, #tpu.memory_space<vmem>>
    %dma_start3A_62 = tpu.memref_squeeze %dma_start3A_61 : memref<1x128x64xf32, #tpu.memory_space<vmem>> -> memref<128x64xf32, #tpu.memory_space<vmem>>
    %dma_start3A_63 = arith.constant 512 : i32
    %dma_start3A_64 = tpu.memref_slice %arg7[%dma_start3A_57, %dma_start3A_63] : memref<2x640xi32, #tpu.memory_space<vmem>> -> memref<1x128xi32, #tpu.memory_space<vmem>>
    %dma_start3A_65 = tpu.memref_squeeze %dma_start3A_64 : memref<1x128xi32, #tpu.memory_space<vmem>> -> memref<128xi32, #tpu.memory_space<vmem>>
    %dma_start3A_66 = arith.constant 0 : i32
    %dma_start3A_67 = arith.constant 0 : i32
    %dma_start3A_68 = tpu.memref_slice %arg5[%dma_start3A_66, %dma_start3A_67] : memref<10000x64xf32, #tpu.memory_space<hbm>> -> memref<10000x64xf32, #tpu.memory_space<hbm>>
    tpu.enqueue_indirect_dma source(%dma_start3A_68 : memref<10000x64xf32, #tpu.memory_space<hbm>>) target(%dma_start3A_62 : memref<128x64xf32, #tpu.memory_space<vmem>>) offsets(%dma_start3A_65 : memref<128xi32, #tpu.memory_space<vmem>>) semaphore(%arg13 : memref<!tpu.dma_semaphore, #tpu.memory_space<semaphore_mem>>)
    %dma_start3A_69 = arith.constant 0 : i32
    %dma_start3A_70 = arith.constant 0 : i32
    %dma_start3A_71 = arith.constant 0 : i32
    %dma_start3A_72 = arith.constant 0 : i32
    %dma_start3A_73 = tpu.memref_slice %arg10[%dma_start3A_70, %dma_start3A_71, %dma_start3A_72] : memref<2x32x64xf32, #tpu.memory_space<vmem>> -> memref<1x32x64xf32, #tpu.memory_space<vmem>>
    %dma_start3A_74 = tpu.memref_squeeze %dma_start3A_73 : memref<1x32x64xf32, #tpu.memory_space<vmem>> -> memref<32x64xf32, #tpu.memory_space<vmem>>
    %dma_start3A_75 = arith.constant 0 : i32
    %dma_start3A_76 = tpu.memref_slice %arg8[%dma_start3A_69, %dma_start3A_75] : memref<2x32xi32, #tpu.memory_space<vmem>> -> memref<1x32xi32, #tpu.memory_space<vmem>>
    %dma_start3A_77 = tpu.memref_squeeze %dma_start3A_76 : memref<1x32xi32, #tpu.memory_space<vmem>> -> memref<32xi32, #tpu.memory_space<vmem>>
    %dma_start3A_78 = arith.constant 0 : i32
    %dma_start3A_79 = arith.constant 0 : i32
    %dma_start3A_80 = tpu.memref_slice %arg4[%dma_start3A_78, %dma_start3A_79] : memref<100001x64xf32, #tpu.memory_space<hbm>> -> memref<100001x64xf32, #tpu.memory_space<hbm>>
    tpu.enqueue_indirect_dma source(%dma_start3A_80 : memref<100001x64xf32, #tpu.memory_space<hbm>>) target(%dma_start3A_74 : memref<32x64xf32, #tpu.memory_space<vmem>>) offsets(%dma_start3A_77 : memref<32xi32, #tpu.memory_space<vmem>>) semaphore(%arg15 : memref<!tpu.dma_semaphore, #tpu.memory_space<semaphore_mem>>)
    %mul3A_81 = arith.constant 1 : i32
    %mul3A_82 = arith.constant 32 : i32
    %mul3A_83 = arith.muli %mul3A_81, %mul3A_82 : i32
    %add3A_84 = arith.addi %mul3A_2, %mul3A_83 : i32
    %mul3A_85 = arith.constant 20 : i32
    %mul3A_86 = arith.muli %add3A_84, %mul3A_85 : i32
    %run_scoped3A_87 = arith.constant 1 : i32
    "tpu.region"() ({
      %run_scoped3A_166 = tpu.sem_alloc : memref<!tpu.dma_semaphore, #tpu.memory_space<semaphore_mem>>
      %dma_start3A_167 = arith.constant 0 : i32
      %dma_start3A_168 = tpu.memref_slice %arg7[%run_scoped3A_87, %dma_start3A_167] : memref<2x640xi32, #tpu.memory_space<vmem>> -> memref<1x640xi32, #tpu.memory_space<vmem>>
      %dma_start3A_169 = tpu.memref_squeeze %dma_start3A_168 : memref<1x640xi32, #tpu.memory_space<vmem>> -> memref<640xi32, #tpu.memory_space<vmem>>
      %dma_start3A_170 = tpu.memref_slice %arg3[%mul3A_86] : memref<327680xi32, #tpu.memory_space<hbm>> -> memref<640xi32, #tpu.memory_space<hbm>>
      %dma_start3A_171 = arith.constant 0 : i32
      %dma_start3A_172 = tpu.memref_slice %arg7[%run_scoped3A_87, %dma_start3A_171] : memref<2x640xi32, #tpu.memory_space<vmem>> -> memref<1x640xi32, #tpu.memory_space<vmem>>
      %dma_start3A_173 = tpu.memref_squeeze %dma_start3A_172 : memref<1x640xi32, #tpu.memory_space<vmem>> -> memref<640xi32, #tpu.memory_space<vmem>>
      %dma_start3A_174 = tpu.memref_slice %arg3[%mul3A_86] : memref<327680xi32, #tpu.memory_space<hbm>> -> memref<640xi32, #tpu.memory_space<hbm>>
      tpu.enqueue_dma source(%dma_start3A_174 : memref<640xi32, #tpu.memory_space<hbm>>) target(%dma_start3A_173 : memref<640xi32, #tpu.memory_space<vmem>>) target_semaphore(%run_scoped3A_166 : memref<!tpu.dma_semaphore, #tpu.memory_space<semaphore_mem>>)
      %dma_wait3A = arith.constant 0 : i32
      %dma_wait3A_175 = tpu.memref_slice %arg7[%run_scoped3A_87, %dma_wait3A] : memref<2x640xi32, #tpu.memory_space<vmem>> -> memref<1x640xi32, #tpu.memory_space<vmem>>
      %dma_wait3A_176 = tpu.memref_squeeze %dma_wait3A_175 : memref<1x640xi32, #tpu.memory_space<vmem>> -> memref<640xi32, #tpu.memory_space<vmem>>
      %dma_wait3A_177 = tpu.memref_slice %arg3[%mul3A_86] : memref<327680xi32, #tpu.memory_space<hbm>> -> memref<640xi32, #tpu.memory_space<hbm>>
      %dma_wait3A_178 = arith.constant 0 : i32
      %dma_wait3A_179 = tpu.memref_slice %arg7[%run_scoped3A_87, %dma_wait3A_178] : memref<2x640xi32, #tpu.memory_space<vmem>> -> memref<1x640xi32, #tpu.memory_space<vmem>>
      %dma_wait3A_180 = tpu.memref_squeeze %dma_wait3A_179 : memref<1x640xi32, #tpu.memory_space<vmem>> -> memref<640xi32, #tpu.memory_space<vmem>>
      %dma_wait3A_181 = tpu.memref_slice %arg3[%mul3A_86] : memref<327680xi32, #tpu.memory_space<hbm>> -> memref<640xi32, #tpu.memory_space<hbm>>
      tpu.wait_dma2 semaphore(%run_scoped3A_166 : memref<!tpu.dma_semaphore, #tpu.memory_space<semaphore_mem>>) src(%dma_wait3A_181 : memref<640xi32, #tpu.memory_space<hbm>>) dst(%dma_wait3A_180 : memref<640xi32, #tpu.memory_space<vmem>>)
      tpu.yield
    }) : () -> ()
    %run_scoped3A_88 = arith.constant 1 : i32
    "tpu.region"() ({
      %run_scoped3A_166 = tpu.sem_alloc : memref<!tpu.dma_semaphore, #tpu.memory_space<semaphore_mem>>
      %dma_start3A_167 = arith.constant 0 : i32
      %dma_start3A_168 = tpu.memref_slice %arg8[%run_scoped3A_88, %dma_start3A_167] : memref<2x32xi32, #tpu.memory_space<vmem>> -> memref<1x32xi32, #tpu.memory_space<vmem>>
      %dma_start3A_169 = tpu.memref_squeeze %dma_start3A_168 : memref<1x32xi32, #tpu.memory_space<vmem>> -> memref<32xi32, #tpu.memory_space<vmem>>
      %dma_start3A_170 = tpu.memref_slice %arg2[%add3A_84] : memref<16384xi32, #tpu.memory_space<hbm>> -> memref<32xi32, #tpu.memory_space<hbm>>
      %dma_start3A_171 = arith.constant 0 : i32
      %dma_start3A_172 = tpu.memref_slice %arg8[%run_scoped3A_88, %dma_start3A_171] : memref<2x32xi32, #tpu.memory_space<vmem>> -> memref<1x32xi32, #tpu.memory_space<vmem>>
      %dma_start3A_173 = tpu.memref_squeeze %dma_start3A_172 : memref<1x32xi32, #tpu.memory_space<vmem>> -> memref<32xi32, #tpu.memory_space<vmem>>
      %dma_start3A_174 = tpu.memref_slice %arg2[%add3A_84] : memref<16384xi32, #tpu.memory_space<hbm>> -> memref<32xi32, #tpu.memory_space<hbm>>
      tpu.enqueue_dma source(%dma_start3A_174 : memref<32xi32, #tpu.memory_space<hbm>>) target(%dma_start3A_173 : memref<32xi32, #tpu.memory_space<vmem>>) target_semaphore(%run_scoped3A_166 : memref<!tpu.dma_semaphore, #tpu.memory_space<semaphore_mem>>)
      %dma_wait3A = arith.constant 0 : i32
      %dma_wait3A_175 = tpu.memref_slice %arg8[%run_scoped3A_88, %dma_wait3A] : memref<2x32xi32, #tpu.memory_space<vmem>> -> memref<1x32xi32, #tpu.memory_space<vmem>>
      %dma_wait3A_176 = tpu.memref_squeeze %dma_wait3A_175 : memref<1x32xi32, #tpu.memory_space<vmem>> -> memref<32xi32, #tpu.memory_space<vmem>>
      %dma_wait3A_177 = tpu.memref_slice %arg2[%add3A_84] : memref<16384xi32, #tpu.memory_space<hbm>> -> memref<32xi32, #tpu.memory_space<hbm>>
      %dma_wait3A_178 = arith.constant 0 : i32
      %dma_wait3A_179 = tpu.memref_slice %arg8[%run_scoped3A_88, %dma_wait3A_178] : memref<2x32xi32, #tpu.memory_space<vmem>> -> memref<1x32xi32, #tpu.memory_space<vmem>>
      %dma_wait3A_180 = tpu.memref_squeeze %dma_wait3A_179 : memref<1x32xi32, #tpu.memory_space<vmem>> -> memref<32xi32, #tpu.memory_space<vmem>>
      %dma_wait3A_181 = tpu.memref_slice %arg2[%add3A_84] : memref<16384xi32, #tpu.memory_space<hbm>> -> memref<32xi32, #tpu.memory_space<hbm>>
      tpu.wait_dma2 semaphore(%run_scoped3A_166 : memref<!tpu.dma_semaphore, #tpu.memory_space<semaphore_mem>>) src(%dma_wait3A_181 : memref<32xi32, #tpu.memory_space<hbm>>) dst(%dma_wait3A_180 : memref<32xi32, #tpu.memory_space<vmem>>)
      tpu.yield
    }) : () -> ()
    %dma_start3A_89 = arith.constant 1 : i32
    %dma_start3A_90 = arith.constant 1 : i32
    %dma_start3A_91 = arith.constant 0 : i32
    %dma_start3A_92 = arith.constant 0 : i32
    %dma_start3A_93 = tpu.memref_slice %arg9[%dma_start3A_90, %dma_start3A_91, %dma_start3A_92] : memref<2x640x64xf32, #tpu.memory_space<vmem>> -> memref<1x128x64xf32, #tpu.memory_space<vmem>>
    %dma_start3A_94 = tpu.memref_squeeze %dma_start3A_93 : memref<1x128x64xf32, #tpu.memory_space<vmem>> -> memref<128x64xf32, #tpu.memory_space<vmem>>
    %dma_start3A_95 = arith.constant 0 : i32
    %dma_start3A_96 = tpu.memref_slice %arg7[%dma_start3A_89, %dma_start3A_95] : memref<2x640xi32, #tpu.memory_space<vmem>> -> memref<1x128xi32, #tpu.memory_space<vmem>>
    %dma_start3A_97 = tpu.memref_squeeze %dma_start3A_96 : memref<1x128xi32, #tpu.memory_space<vmem>> -> memref<128xi32, #tpu.memory_space<vmem>>
    %dma_start3A_98 = arith.constant 0 : i32
    %dma_start3A_99 = arith.constant 0 : i32
    %dma_start3A_100 = tpu.memref_slice %arg5[%dma_start3A_98, %dma_start3A_99] : memref<10000x64xf32, #tpu.memory_space<hbm>> -> memref<10000x64xf32, #tpu.memory_space<hbm>>
    tpu.enqueue_indirect_dma source(%dma_start3A_100 : memref<10000x64xf32, #tpu.memory_space<hbm>>) target(%dma_start3A_94 : memref<128x64xf32, #tpu.memory_space<vmem>>) offsets(%dma_start3A_97 : memref<128xi32, #tpu.memory_space<vmem>>) semaphore(%arg14 : memref<!tpu.dma_semaphore, #tpu.memory_space<semaphore_mem>>)
    %dma_start3A_101 = arith.constant 1 : i32
    %dma_start3A_102 = arith.constant 1 : i32
    %dma_start3A_103 = arith.constant 128 : i32
    %dma_start3A_104 = arith.constant 0 : i32
    %dma_start3A_105 = tpu.memref_slice %arg9[%dma_start3A_102, %dma_start3A_103, %dma_start3A_104] : memref<2x640x64xf32, #tpu.memory_space<vmem>> -> memref<1x128x64xf32, #tpu.memory_space<vmem>>
    %dma_start3A_106 = tpu.memref_squeeze %dma_start3A_105 : memref<1x128x64xf32, #tpu.memory_space<vmem>> -> memref<128x64xf32, #tpu.memory_space<vmem>>
    %dma_start3A_107 = arith.constant 128 : i32
    %dma_start3A_108 = tpu.memref_slice %arg7[%dma_start3A_101, %dma_start3A_107] : memref<2x640xi32, #tpu.memory_space<vmem>> -> memref<1x128xi32, #tpu.memory_space<vmem>>
    %dma_start3A_109 = tpu.memref_squeeze %dma_start3A_108 : memref<1x128xi32, #tpu.memory_space<vmem>> -> memref<128xi32, #tpu.memory_space<vmem>>
    %dma_start3A_110 = arith.constant 0 : i32
    %dma_start3A_111 = arith.constant 0 : i32
    %dma_start3A_112 = tpu.memref_slice %arg5[%dma_start3A_110, %dma_start3A_111] : memref<10000x64xf32, #tpu.memory_space<hbm>> -> memref<10000x64xf32, #tpu.memory_space<hbm>>
    tpu.enqueue_indirect_dma source(%dma_start3A_112 : memref<10000x64xf32, #tpu.memory_space<hbm>>) target(%dma_start3A_106 : memref<128x64xf32, #tpu.memory_space<vmem>>) offsets(%dma_start3A_109 : memref<128xi32, #tpu.memory_space<vmem>>) semaphore(%arg14 : memref<!tpu.dma_semaphore, #tpu.memory_space<semaphore_mem>>)
    %dma_start3A_113 = arith.constant 1 : i32
    %dma_start3A_114 = arith.constant 1 : i32
    %dma_start3A_115 = arith.constant 256 : i32
    %dma_start3A_116 = arith.constant 0 : i32
    %dma_start3A_117 = tpu.memref_slice %arg9[%dma_start3A_114, %dma_start3A_115, %dma_start3A_116] : memref<2x640x64xf32, #tpu.memory_space<vmem>> -> memref<1x128x64xf32, #tpu.memory_space<vmem>>
    %dma_start3A_118 = tpu.memref_squeeze %dma_start3A_117 : memref<1x128x64xf32, #tpu.memory_space<vmem>> -> memref<128x64xf32, #tpu.memory_space<vmem>>
    %dma_start3A_119 = arith.constant 256 : i32
    %dma_start3A_120 = tpu.memref_slice %arg7[%dma_start3A_113, %dma_start3A_119] : memref<2x640xi32, #tpu.memory_space<vmem>> -> memref<1x128xi32, #tpu.memory_space<vmem>>
    %dma_start3A_121 = tpu.memref_squeeze %dma_start3A_120 : memref<1x128xi32, #tpu.memory_space<vmem>> -> memref<128xi32, #tpu.memory_space<vmem>>
    %dma_start3A_122 = arith.constant 0 : i32
    %dma_start3A_123 = arith.constant 0 : i32
    %dma_start3A_124 = tpu.memref_slice %arg5[%dma_start3A_122, %dma_start3A_123] : memref<10000x64xf32, #tpu.memory_space<hbm>> -> memref<10000x64xf32, #tpu.memory_space<hbm>>
    tpu.enqueue_indirect_dma source(%dma_start3A_124 : memref<10000x64xf32, #tpu.memory_space<hbm>>) target(%dma_start3A_118 : memref<128x64xf32, #tpu.memory_space<vmem>>) offsets(%dma_start3A_121 : memref<128xi32, #tpu.memory_space<vmem>>) semaphore(%arg14 : memref<!tpu.dma_semaphore, #tpu.memory_space<semaphore_mem>>)
    %dma_start3A_125 = arith.constant 1 : i32
    %dma_start3A_126 = arith.constant 1 : i32
    %dma_start3A_127 = arith.constant 384 : i32
    %dma_start3A_128 = arith.constant 0 : i32
    %dma_start3A_129 = tpu.memref_slice %arg9[%dma_start3A_126, %dma_start3A_127, %dma_start3A_128] : memref<2x640x64xf32, #tpu.memory_space<vmem>> -> memref<1x128x64xf32, #tpu.memory_space<vmem>>
    %dma_start3A_130 = tpu.memref_squeeze %dma_start3A_129 : memref<1x128x64xf32, #tpu.memory_space<vmem>> -> memref<128x64xf32, #tpu.memory_space<vmem>>
    %dma_start3A_131 = arith.constant 384 : i32
    %dma_start3A_132 = tpu.memref_slice %arg7[%dma_start3A_125, %dma_start3A_131] : memref<2x640xi32, #tpu.memory_space<vmem>> -> memref<1x128xi32, #tpu.memory_space<vmem>>
    %dma_start3A_133 = tpu.memref_squeeze %dma_start3A_132 : memref<1x128xi32, #tpu.memory_space<vmem>> -> memref<128xi32, #tpu.memory_space<vmem>>
    %dma_start3A_134 = arith.constant 0 : i32
    %dma_start3A_135 = arith.constant 0 : i32
    %dma_start3A_136 = tpu.memref_slice %arg5[%dma_start3A_134, %dma_start3A_135] : memref<10000x64xf32, #tpu.memory_space<hbm>> -> memref<10000x64xf32, #tpu.memory_space<hbm>>
    tpu.enqueue_indirect_dma source(%dma_start3A_136 : memref<10000x64xf32, #tpu.memory_space<hbm>>) target(%dma_start3A_130 : memref<128x64xf32, #tpu.memory_space<vmem>>) offsets(%dma_start3A_133 : memref<128xi32, #tpu.memory_space<vmem>>) semaphore(%arg14 : memref<!tpu.dma_semaphore, #tpu.memory_space<semaphore_mem>>)
    %dma_start3A_137 = arith.constant 1 : i32
    %dma_start3A_138 = arith.constant 1 : i32
    %dma_start3A_139 = arith.constant 512 : i32
    %dma_start3A_140 = arith.constant 0 : i32
    %dma_start3A_141 = tpu.memref_slice %arg9[%dma_start3A_138, %dma_start3A_139, %dma_start3A_140] : memref<2x640x64xf32, #tpu.memory_space<vmem>> -> memref<1x128x64xf32, #tpu.memory_space<vmem>>
    %dma_start3A_142 = tpu.memref_squeeze %dma_start3A_141 : memref<1x128x64xf32, #tpu.memory_space<vmem>> -> memref<128x64xf32, #tpu.memory_space<vmem>>
    %dma_start3A_143 = arith.constant 512 : i32
    %dma_start3A_144 = tpu.memref_slice %arg7[%dma_start3A_137, %dma_start3A_143] : memref<2x640xi32, #tpu.memory_space<vmem>> -> memref<1x128xi32, #tpu.memory_space<vmem>>
    %dma_start3A_145 = tpu.memref_squeeze %dma_start3A_144 : memref<1x128xi32, #tpu.memory_space<vmem>> -> memref<128xi32, #tpu.memory_space<vmem>>
    %dma_start3A_146 = arith.constant 0 : i32
    %dma_start3A_147 = arith.constant 0 : i32
    %dma_start3A_148 = tpu.memref_slice %arg5[%dma_start3A_146, %dma_start3A_147] : memref<10000x64xf32, #tpu.memory_space<hbm>> -> memref<10000x64xf32, #tpu.memory_space<hbm>>
    tpu.enqueue_indirect_dma source(%dma_start3A_148 : memref<10000x64xf32, #tpu.memory_space<hbm>>) target(%dma_start3A_142 : memref<128x64xf32, #tpu.memory_space<vmem>>) offsets(%dma_start3A_145 : memref<128xi32, #tpu.memory_space<vmem>>) semaphore(%arg14 : memref<!tpu.dma_semaphore, #tpu.memory_space<semaphore_mem>>)
    %dma_start3A_149 = arith.constant 1 : i32
    %dma_start3A_150 = arith.constant 1 : i32
    %dma_start3A_151 = arith.constant 0 : i32
    %dma_start3A_152 = arith.constant 0 : i32
    %dma_start3A_153 = tpu.memref_slice %arg10[%dma_start3A_150, %dma_start3A_151, %dma_start3A_152] : memref<2x32x64xf32, #tpu.memory_space<vmem>> -> memref<1x32x64xf32, #tpu.memory_space<vmem>>
    %dma_start3A_154 = tpu.memref_squeeze %dma_start3A_153 : memref<1x32x64xf32, #tpu.memory_space<vmem>> -> memref<32x64xf32, #tpu.memory_space<vmem>>
    %dma_start3A_155 = arith.constant 0 : i32
    %dma_start3A_156 = tpu.memref_slice %arg8[%dma_start3A_149, %dma_start3A_155] : memref<2x32xi32, #tpu.memory_space<vmem>> -> memref<1x32xi32, #tpu.memory_space<vmem>>
    %dma_start3A_157 = tpu.memref_squeeze %dma_start3A_156 : memref<1x32xi32, #tpu.memory_space<vmem>> -> memref<32xi32, #tpu.memory_space<vmem>>
    %dma_start3A_158 = arith.constant 0 : i32
    %dma_start3A_159 = arith.constant 0 : i32
    %dma_start3A_160 = tpu.memref_slice %arg4[%dma_start3A_158, %dma_start3A_159] : memref<100001x64xf32, #tpu.memory_space<hbm>> -> memref<100001x64xf32, #tpu.memory_space<hbm>>
    tpu.enqueue_indirect_dma source(%dma_start3A_160 : memref<100001x64xf32, #tpu.memory_space<hbm>>) target(%dma_start3A_154 : memref<32x64xf32, #tpu.memory_space<vmem>>) offsets(%dma_start3A_157 : memref<32xi32, #tpu.memory_space<vmem>>) semaphore(%arg16 : memref<!tpu.dma_semaphore, #tpu.memory_space<semaphore_mem>>)
    %scan3A = arith.constant 0 : i32
    %scan3A_161 = arith.constant 0 : i32
    %scan3A_162 = arith.constant 8 : i32
    %scan3A_163 = arith.addi %scan3A_161, %scan3A_162 : i32
    %scan3A_164 = arith.constant 1 : i32
    scf.for %scan3A_166 = %scan3A_161 to %scan3A_163 step %scan3A_164  : i32 {
      %mul3A_167 = arith.constant 2 : i32
      %mul3A_168 = arith.muli %scan3A_166, %mul3A_167 : i32
      %add3A_169 = arith.constant 0 : i32
      %add3A_170 = arith.addi %mul3A_168, %add3A_169 : i32
      %dma_wait3A = arith.constant 0 : i32
      %dma_wait3A_171 = arith.constant 0 : i32
      %dma_wait3A_172 = arith.constant 0 : i32
      %dma_wait3A_173 = tpu.memref_slice %arg9[%dma_wait3A, %dma_wait3A_171, %dma_wait3A_172] : memref<2x640x64xf32, #tpu.memory_space<vmem>> -> memref<1x640x64xf32, #tpu.memory_space<vmem>>
      %dma_wait3A_174 = tpu.memref_squeeze %dma_wait3A_173 : memref<1x640x64xf32, #tpu.memory_space<vmem>> -> memref<640x64xf32, #tpu.memory_space<vmem>>
      %dma_wait3A_175 = arith.constant 0 : i32
      %dma_wait3A_176 = arith.constant 0 : i32
      %dma_wait3A_177 = tpu.memref_slice %arg5[%dma_wait3A_175, %dma_wait3A_176] : memref<10000x64xf32, #tpu.memory_space<hbm>> -> memref<640x64xf32, #tpu.memory_space<hbm>>
      %dma_wait3A_178 = arith.constant 0 : i32
      %dma_wait3A_179 = arith.constant 0 : i32
      %dma_wait3A_180 = tpu.memref_slice %arg9[%dma_wait3A, %dma_wait3A_178, %dma_wait3A_179] : memref<2x640x64xf32, #tpu.memory_space<vmem>> -> memref<1x640x64xf32, #tpu.memory_space<vmem>>
      %dma_wait3A_181 = tpu.memref_squeeze %dma_wait3A_180 : memref<1x640x64xf32, #tpu.memory_space<vmem>> -> memref<640x64xf32, #tpu.memory_space<vmem>>
      %dma_wait3A_182 = arith.constant 0 : i32
      %dma_wait3A_183 = arith.constant 0 : i32
      %dma_wait3A_184 = tpu.memref_slice %arg5[%dma_wait3A_182, %dma_wait3A_183] : memref<10000x64xf32, #tpu.memory_space<hbm>> -> memref<640x64xf32, #tpu.memory_space<hbm>>
      tpu.wait_dma2 semaphore(%arg13 : memref<!tpu.dma_semaphore, #tpu.memory_space<semaphore_mem>>) src(%dma_wait3A_184 : memref<640x64xf32, #tpu.memory_space<hbm>>) dst(%dma_wait3A_181 : memref<640x64xf32, #tpu.memory_space<vmem>>)
      %dma_wait3A_185 = arith.constant 0 : i32
      %dma_wait3A_186 = arith.constant 0 : i32
      %dma_wait3A_187 = arith.constant 0 : i32
      %dma_wait3A_188 = tpu.memref_slice %arg10[%dma_wait3A_185, %dma_wait3A_186, %dma_wait3A_187] : memref<2x32x64xf32, #tpu.memory_space<vmem>> -> memref<1x32x64xf32, #tpu.memory_space<vmem>>
      %dma_wait3A_189 = tpu.memref_squeeze %dma_wait3A_188 : memref<1x32x64xf32, #tpu.memory_space<vmem>> -> memref<32x64xf32, #tpu.memory_space<vmem>>
      %dma_wait3A_190 = arith.constant 0 : i32
      %dma_wait3A_191 = arith.constant 0 : i32
      %dma_wait3A_192 = tpu.memref_slice %arg4[%dma_wait3A_190, %dma_wait3A_191] : memref<100001x64xf32, #tpu.memory_space<hbm>> -> memref<32x64xf32, #tpu.memory_space<hbm>>
      %dma_wait3A_193 = arith.constant 0 : i32
      %dma_wait3A_194 = arith.constant 0 : i32
      %dma_wait3A_195 = tpu.memref_slice %arg10[%dma_wait3A_185, %dma_wait3A_193, %dma_wait3A_194] : memref<2x32x64xf32, #tpu.memory_space<vmem>> -> memref<1x32x64xf32, #tpu.memory_space<vmem>>
      %dma_wait3A_196 = tpu.memref_squeeze %dma_wait3A_195 : memref<1x32x64xf32, #tpu.memory_space<vmem>> -> memref<32x64xf32, #tpu.memory_space<vmem>>
      %dma_wait3A_197 = arith.constant 0 : i32
      %dma_wait3A_198 = arith.constant 0 : i32
      %dma_wait3A_199 = tpu.memref_slice %arg4[%dma_wait3A_197, %dma_wait3A_198] : memref<100001x64xf32, #tpu.memory_space<hbm>> -> memref<32x64xf32, #tpu.memory_space<hbm>>
      tpu.wait_dma2 semaphore(%arg15 : memref<!tpu.dma_semaphore, #tpu.memory_space<semaphore_mem>>) src(%dma_wait3A_199 : memref<32x64xf32, #tpu.memory_space<hbm>>) dst(%dma_wait3A_196 : memref<32x64xf32, #tpu.memory_space<vmem>>)
      %mul3A_200 = arith.constant 32 : i32
      %mul3A_201 = arith.muli %add3A_170, %mul3A_200 : i32
      %add3A_202 = arith.addi %mul3A_2, %mul3A_201 : i32
      %scan3A_203 = arith.constant 0 : i32
      %scan3A_204 = arith.constant 0 : i32
      %scan3A_205 = arith.constant 32 : i32
      %scan3A_206 = arith.addi %scan3A_204, %scan3A_205 : i32
      %scan3A_207 = arith.constant 1 : i32
      scf.for %scan3A_265 = %scan3A_204 to %scan3A_206 step %scan3A_207  : i32 {
        %mul3A_266 = arith.constant 20 : i32
        %mul3A_267 = arith.muli %scan3A_265, %mul3A_266 : i32
        %get3A = arith.constant 0 : i32
        %get3A_268 = arith.index_cast %get3A : i32 to index
        %get3A_269 = arith.index_cast %mul3A_267 : i32 to index
        %get3A_270 = arith.constant 0 : index
        %get3A_271 = tpu.vector_load %arg9[%get3A_268, %get3A_269, %get3A_270] {strides = array<i32>} : memref<2x640x64xf32, #tpu.memory_space<vmem>>, vector<16xf32>,
        %mul3A_272 = arith.constant 20 : i32
        %mul3A_273 = arith.muli %scan3A_265, %mul3A_272 : i32
        %get3A_274 = arith.constant 0 : i32
        %get3A_275 = arith.index_cast %get3A_274 : i32 to index
        %get3A_276 = arith.index_cast %mul3A_273 : i32 to index
        %get3A_277 = arith.constant 16 : index
        %get3A_278 = tpu.vector_load %arg9[%get3A_275, %get3A_276, %get3A_277] {strides = array<i32>} : memref<2x640x64xf32, #tpu.memory_space<vmem>>, vector<16xf32>,
        %mul3A_279 = arith.constant 20 : i32
        %mul3A_280 = arith.muli %scan3A_265, %mul3A_279 : i32
        %get3A_281 = arith.constant 0 : i32
        %get3A_282 = arith.index_cast %get3A_281 : i32 to index
        %get3A_283 = arith.index_cast %mul3A_280 : i32 to index
        %get3A_284 = arith.constant 32 : index
        %get3A_285 = tpu.vector_load %arg9[%get3A_282, %get3A_283, %get3A_284] {strides = array<i32>} : memref<2x640x64xf32, #tpu.memory_space<vmem>>, vector<16xf32>,
        %mul3A_286 = arith.constant 20 : i32
        %mul3A_287 = arith.muli %scan3A_265, %mul3A_286 : i32
        %get3A_288 = arith.constant 0 : i32
        %get3A_289 = arith.index_cast %get3A_288 : i32 to index
        %get3A_290 = arith.index_cast %mul3A_287 : i32 to index
        %get3A_291 = arith.constant 48 : index
        %get3A_292 = tpu.vector_load %arg9[%get3A_289, %get3A_290, %get3A_291] {strides = array<i32>} : memref<2x640x64xf32, #tpu.memory_space<vmem>>, vector<16xf32>,
        %mul3A_293 = arith.constant 20 : i32
        %mul3A_294 = arith.muli %scan3A_265, %mul3A_293 : i32
        %add3A_295 = arith.constant 1 : i32
        %add3A_296 = arith.addi %mul3A_294, %add3A_295 : i32
        %get3A_297 = arith.constant 0 : i32
        %get3A_298 = arith.index_cast %get3A_297 : i32 to index
        %get3A_299 = arith.index_cast %add3A_296 : i32 to index
        %get3A_300 = arith.constant 0 : index
        %get3A_301 = tpu.vector_load %arg9[%get3A_298, %get3A_299, %get3A_300] {strides = array<i32>} : memref<2x640x64xf32, #tpu.memory_space<vmem>>, vector<16xf32>,
        %add3A_302 = arith.addf %get3A_271, %get3A_301 : vector<16xf32>
        %mul3A_303 = arith.constant 20 : i32
        %mul3A_304 = arith.muli %scan3A_265, %mul3A_303 : i32
        %add3A_305 = arith.constant 1 : i32
        %add3A_306 = arith.addi %mul3A_304, %add3A_305 : i32
        %get3A_307 = arith.constant 0 : i32
        %get3A_308 = arith.index_cast %get3A_307 : i32 to index
        %get3A_309 = arith.index_cast %add3A_306 : i32 to index
        %get3A_310 = arith.constant 16 : index
        %get3A_311 = tpu.vector_load %arg9[%get3A_308, %get3A_309, %get3A_310] {strides = array<i32>} : memref<2x640x64xf32, #tpu.memory_space<vmem>>, vector<16xf32>,
        %add3A_312 = arith.addf %get3A_278, %get3A_311 : vector<16xf32>
        %mul3A_313 = arith.constant 20 : i32
        %mul3A_314 = arith.muli %scan3A_265, %mul3A_313 : i32
        %add3A_315 = arith.constant 1 : i32
        %add3A_316 = arith.addi %mul3A_314, %add3A_315 : i32
        %get3A_317 = arith.constant 0 : i32
        %get3A_318 = arith.index_cast %get3A_317 : i32 to index
        %get3A_319 = arith.index_cast %add3A_316 : i32 to index
        %get3A_320 = arith.constant 32 : index
        %get3A_321 = tpu.vector_load %arg9[%get3A_318, %get3A_319, %get3A_320] {strides = array<i32>} : memref<2x640x64xf32, #tpu.memory_space<vmem>>, vector<16xf32>,
        %add3A_322 = arith.addf %get3A_285, %get3A_321 : vector<16xf32>
        %mul3A_323 = arith.constant 20 : i32
        %mul3A_324 = arith.muli %scan3A_265, %mul3A_323 : i32
        %add3A_325 = arith.constant 1 : i32
        %add3A_326 = arith.addi %mul3A_324, %add3A_325 : i32
        %get3A_327 = arith.constant 0 : i32
        %get3A_328 = arith.index_cast %get3A_327 : i32 to index
        %get3A_329 = arith.index_cast %add3A_326 : i32 to index
        %get3A_330 = arith.constant 48 : index
        %get3A_331 = tpu.vector_load %arg9[%get3A_328, %get3A_329, %get3A_330] {strides = array<i32>} : memref<2x640x64xf32, #tpu.memory_space<vmem>>, vector<16xf32>,
        %add3A_332 = arith.addf %get3A_292, %get3A_331 : vector<16xf32>
        %mul3A_333 = arith.constant 20 : i32
        %mul3A_334 = arith.muli %scan3A_265, %mul3A_333 : i32
        %add3A_335 = arith.constant 2 : i32
        %add3A_336 = arith.addi %mul3A_334, %add3A_335 : i32
        %get3A_337 = arith.constant 0 : i32
        %get3A_338 = arith.index_cast %get3A_337 : i32 to index
        %get3A_339 = arith.index_cast %add3A_336 : i32 to index
        %get3A_340 = arith.constant 0 : index
        %get3A_341 = tpu.vector_load %arg9[%get3A_338, %get3A_339, %get3A_340] {strides = array<i32>} : memref<2x640x64xf32, #tpu.memory_space<vmem>>, vector<16xf32>,
        %add3A_342 = arith.addf %add3A_302, %get3A_341 : vector<16xf32>
        %mul3A_343 = arith.constant 20 : i32
        %mul3A_344 = arith.muli %scan3A_265, %mul3A_343 : i32
        %add3A_345 = arith.constant 2 : i32
        %add3A_346 = arith.addi %mul3A_344, %add3A_345 : i32
        %get3A_347 = arith.constant 0 : i32
        %get3A_348 = arith.index_cast %get3A_347 : i32 to index
        %get3A_349 = arith.index_cast %add3A_346 : i32 to index
        %get3A_350 = arith.constant 16 : index
        %get3A_351 = tpu.vector_load %arg9[%get3A_348, %get3A_349, %get3A_350] {strides = array<i32>} : memref<2x640x64xf32, #tpu.memory_space<vmem>>, vector<16xf32>,
        %add3A_352 = arith.addf %add3A_312, %get3A_351 : vector<16xf32>
        %mul3A_353 = arith.constant 20 : i32
        %mul3A_354 = arith.muli %scan3A_265, %mul3A_353 : i32
        %add3A_355 = arith.constant 2 : i32
        %add3A_356 = arith.addi %mul3A_354, %add3A_355 : i32
        %get3A_357 = arith.constant 0 : i32
        %get3A_358 = arith.index_cast %get3A_357 : i32 to index
        %get3A_359 = arith.index_cast %add3A_356 : i32 to index
        %get3A_360 = arith.constant 32 : index
        %get3A_361 = tpu.vector_load %arg9[%get3A_358, %get3A_359, %get3A_360] {strides = array<i32>} : memref<2x640x64xf32, #tpu.memory_space<vmem>>, vector<16xf32>,
        %add3A_362 = arith.addf %add3A_322, %get3A_361 : vector<16xf32>
        %mul3A_363 = arith.constant 20 : i32
        %mul3A_364 = arith.muli %scan3A_265, %mul3A_363 : i32
        %add3A_365 = arith.constant 2 : i32
        %add3A_366 = arith.addi %mul3A_364, %add3A_365 : i32
        %get3A_367 = arith.constant 0 : i32
        %get3A_368 = arith.index_cast %get3A_367 : i32 to index
        %get3A_369 = arith.index_cast %add3A_366 : i32 to index
        %get3A_370 = arith.constant 48 : index
        %get3A_371 = tpu.vector_load %arg9[%get3A_368, %get3A_369, %get3A_370] {strides = array<i32>} : memref<2x640x64xf32, #tpu.memory_space<vmem>>, vector<16xf32>,
        %add3A_372 = arith.addf %add3A_332, %get3A_371 : vector<16xf32>
        %mul3A_373 = arith.constant 20 : i32
        %mul3A_374 = arith.muli %scan3A_265, %mul3A_373 : i32
        %add3A_375 = arith.constant 3 : i32
        %add3A_376 = arith.addi %mul3A_374, %add3A_375 : i32
        %get3A_377 = arith.constant 0 : i32
        %get3A_378 = arith.index_cast %get3A_377 : i32 to index
        %get3A_379 = arith.index_cast %add3A_376 : i32 to index
        %get3A_380 = arith.constant 0 : index
        %get3A_381 = tpu.vector_load %arg9[%get3A_378, %get3A_379, %get3A_380] {strides = array<i32>} : memref<2x640x64xf32, #tpu.memory_space<vmem>>, vector<16xf32>,
        %add3A_382 = arith.addf %add3A_342, %get3A_381 : vector<16xf32>
        %mul3A_383 = arith.constant 20 : i32
        %mul3A_384 = arith.muli %scan3A_265, %mul3A_383 : i32
        %add3A_385 = arith.constant 3 : i32
        %add3A_386 = arith.addi %mul3A_384, %add3A_385 : i32
        %get3A_387 = arith.constant 0 : i32
        %get3A_388 = arith.index_cast %get3A_387 : i32 to index
        %get3A_389 = arith.index_cast %add3A_386 : i32 to index
        %get3A_390 = arith.constant 16 : index
        %get3A_391 = tpu.vector_load %arg9[%get3A_388, %get3A_389, %get3A_390] {strides = array<i32>} : memref<2x640x64xf32, #tpu.memory_space<vmem>>, vector<16xf32>,
        %add3A_392 = arith.addf %add3A_352, %get3A_391 : vector<16xf32>
        %mul3A_393 = arith.constant 20 : i32
        %mul3A_394 = arith.muli %scan3A_265, %mul3A_393 : i32
        %add3A_395 = arith.constant 3 : i32
        %add3A_396 = arith.addi %mul3A_394, %add3A_395 : i32
        %get3A_397 = arith.constant 0 : i32
        %get3A_398 = arith.index_cast %get3A_397 : i32 to index
        %get3A_399 = arith.index_cast %add3A_396 : i32 to index
        %get3A_400 = arith.constant 32 : index
        %get3A_401 = tpu.vector_load %arg9[%get3A_398, %get3A_399, %get3A_400] {strides = array<i32>} : memref<2x640x64xf32, #tpu.memory_space<vmem>>, vector<16xf32>,
        %add3A_402 = arith.addf %add3A_362, %get3A_401 : vector<16xf32>
        %mul3A_403 = arith.constant 20 : i32
        %mul3A_404 = arith.muli %scan3A_265, %mul3A_403 : i32
        %add3A_405 = arith.constant 3 : i32
        %add3A_406 = arith.addi %mul3A_404, %add3A_405 : i32
        %get3A_407 = arith.constant 0 : i32
        %get3A_408 = arith.index_cast %get3A_407 : i32 to index
        %get3A_409 = arith.index_cast %add3A_406 : i32 to index
        %get3A_410 = arith.constant 48 : index
        %get3A_411 = tpu.vector_load %arg9[%get3A_408, %get3A_409, %get3A_410] {strides = array<i32>} : memref<2x640x64xf32, #tpu.memory_space<vmem>>, vector<16xf32>,
        %add3A_412 = arith.addf %add3A_372, %get3A_411 : vector<16xf32>
        %mul3A_413 = arith.constant 20 : i32
        %mul3A_414 = arith.muli %scan3A_265, %mul3A_413 : i32
        %add3A_415 = arith.constant 4 : i32
        %add3A_416 = arith.addi %mul3A_414, %add3A_415 : i32
        %get3A_417 = arith.constant 0 : i32
        %get3A_418 = arith.index_cast %get3A_417 : i32 to index
        %get3A_419 = arith.index_cast %add3A_416 : i32 to index
        %get3A_420 = arith.constant 0 : index
        %get3A_421 = tpu.vector_load %arg9[%get3A_418, %get3A_419, %get3A_420] {strides = array<i32>} : memref<2x640x64xf32, #tpu.memory_space<vmem>>, vector<16xf32>,
        %add3A_422 = arith.addf %add3A_382, %get3A_421 : vector<16xf32>
        %mul3A_423 = arith.constant 20 : i32
        %mul3A_424 = arith.muli %scan3A_265, %mul3A_423 : i32
        %add3A_425 = arith.constant 4 : i32
        %add3A_426 = arith.addi %mul3A_424, %add3A_425 : i32
        %get3A_427 = arith.constant 0 : i32
        %get3A_428 = arith.index_cast %get3A_427 : i32 to index
        %get3A_429 = arith.index_cast %add3A_426 : i32 to index
        %get3A_430 = arith.constant 16 : index
        %get3A_431 = tpu.vector_load %arg9[%get3A_428, %get3A_429, %get3A_430] {strides = array<i32>} : memref<2x640x64xf32, #tpu.memory_space<vmem>>, vector<16xf32>,
        %add3A_432 = arith.addf %add3A_392, %get3A_431 : vector<16xf32>
        %mul3A_433 = arith.constant 20 : i32
        %mul3A_434 = arith.muli %scan3A_265, %mul3A_433 : i32
        %add3A_435 = arith.constant 4 : i32
        %add3A_436 = arith.addi %mul3A_434, %add3A_435 : i32
        %get3A_437 = arith.constant 0 : i32
        %get3A_438 = arith.index_cast %get3A_437 : i32 to index
        %get3A_439 = arith.index_cast %add3A_436 : i32 to index
        %get3A_440 = arith.constant 32 : index
        %get3A_441 = tpu.vector_load %arg9[%get3A_438, %get3A_439, %get3A_440] {strides = array<i32>} : memref<2x640x64xf32, #tpu.memory_space<vmem>>, vector<16xf32>,
        %add3A_442 = arith.addf %add3A_402, %get3A_441 : vector<16xf32>
        %mul3A_443 = arith.constant 20 : i32
        %mul3A_444 = arith.muli %scan3A_265, %mul3A_443 : i32
        %add3A_445 = arith.constant 4 : i32
        %add3A_446 = arith.addi %mul3A_444, %add3A_445 : i32
        %get3A_447 = arith.constant 0 : i32
        %get3A_448 = arith.index_cast %get3A_447 : i32 to index
        %get3A_449 = arith.index_cast %add3A_446 : i32 to index
        %get3A_450 = arith.constant 48 : index
        %get3A_451 = tpu.vector_load %arg9[%get3A_448, %get3A_449, %get3A_450] {strides = array<i32>} : memref<2x640x64xf32, #tpu.memory_space<vmem>>, vector<16xf32>,
        %add3A_452 = arith.addf %add3A_412, %get3A_451 : vector<16xf32>
        %mul3A_453 = arith.constant 20 : i32
        %mul3A_454 = arith.muli %scan3A_265, %mul3A_453 : i32
        %add3A_455 = arith.constant 5 : i32
        %add3A_456 = arith.addi %mul3A_454, %add3A_455 : i32
        %get3A_457 = arith.constant 0 : i32
        %get3A_458 = arith.index_cast %get3A_457 : i32 to index
        %get3A_459 = arith.index_cast %add3A_456 : i32 to index
        %get3A_460 = arith.constant 0 : index
        %get3A_461 = tpu.vector_load %arg9[%get3A_458, %get3A_459, %get3A_460] {strides = array<i32>} : memref<2x640x64xf32, #tpu.memory_space<vmem>>, vector<16xf32>,
        %add3A_462 = arith.addf %add3A_422, %get3A_461 : vector<16xf32>
        %mul3A_463 = arith.constant 20 : i32
        %mul3A_464 = arith.muli %scan3A_265, %mul3A_463 : i32
        %add3A_465 = arith.constant 5 : i32
        %add3A_466 = arith.addi %mul3A_464, %add3A_465 : i32
        %get3A_467 = arith.constant 0 : i32
        %get3A_468 = arith.index_cast %get3A_467 : i32 to index
        %get3A_469 = arith.index_cast %add3A_466 : i32 to index
        %get3A_470 = arith.constant 16 : index
        %get3A_471 = tpu.vector_load %arg9[%get3A_468, %get3A_469, %get3A_470] {strides = array<i32>} : memref<2x640x64xf32, #tpu.memory_space<vmem>>, vector<16xf32>,
        %add3A_472 = arith.addf %add3A_432, %get3A_471 : vector<16xf32>
        %mul3A_473 = arith.constant 20 : i32
        %mul3A_474 = arith.muli %scan3A_265, %mul3A_473 : i32
        %add3A_475 = arith.constant 5 : i32
        %add3A_476 = arith.addi %mul3A_474, %add3A_475 : i32
        %get3A_477 = arith.constant 0 : i32
        %get3A_478 = arith.index_cast %get3A_477 : i32 to index
        %get3A_479 = arith.index_cast %add3A_476 : i32 to index
        %get3A_480 = arith.constant 32 : index
        %get3A_481 = tpu.vector_load %arg9[%get3A_478, %get3A_479, %get3A_480] {strides = array<i32>} : memref<2x640x64xf32, #tpu.memory_space<vmem>>, vector<16xf32>,
        %add3A_482 = arith.addf %add3A_442, %get3A_481 : vector<16xf32>
        %mul3A_483 = arith.constant 20 : i32
        %mul3A_484 = arith.muli %scan3A_265, %mul3A_483 : i32
        %add3A_485 = arith.constant 5 : i32
        %add3A_486 = arith.addi %mul3A_484, %add3A_485 : i32
        %get3A_487 = arith.constant 0 : i32
        %get3A_488 = arith.index_cast %get3A_487 : i32 to index
        %get3A_489 = arith.index_cast %add3A_486 : i32 to index
        %get3A_490 = arith.constant 48 : index
        %get3A_491 = tpu.vector_load %arg9[%get3A_488, %get3A_489, %get3A_490] {strides = array<i32>} : memref<2x640x64xf32, #tpu.memory_space<vmem>>, vector<16xf32>,
        %add3A_492 = arith.addf %add3A_452, %get3A_491 : vector<16xf32>
        %mul3A_493 = arith.constant 20 : i32
        %mul3A_494 = arith.muli %scan3A_265, %mul3A_493 : i32
        %add3A_495 = arith.constant 6 : i32
        %add3A_496 = arith.addi %mul3A_494, %add3A_495 : i32
        %get3A_497 = arith.constant 0 : i32
        %get3A_498 = arith.index_cast %get3A_497 : i32 to index
        %get3A_499 = arith.index_cast %add3A_496 : i32 to index
        %get3A_500 = arith.constant 0 : index
        %get3A_501 = tpu.vector_load %arg9[%get3A_498, %get3A_499, %get3A_500] {strides = array<i32>} : memref<2x640x64xf32, #tpu.memory_space<vmem>>, vector<16xf32>,
        %add3A_502 = arith.addf %add3A_462, %get3A_501 : vector<16xf32>
        %mul3A_503 = arith.constant 20 : i32
        %mul3A_504 = arith.muli %scan3A_265, %mul3A_503 : i32
        %add3A_505 = arith.constant 6 : i32
        %add3A_506 = arith.addi %mul3A_504, %add3A_505 : i32
        %get3A_507 = arith.constant 0 : i32
        %get3A_508 = arith.index_cast %get3A_507 : i32 to index
        %get3A_509 = arith.index_cast %add3A_506 : i32 to index
        %get3A_510 = arith.constant 16 : index
        %get3A_511 = tpu.vector_load %arg9[%get3A_508, %get3A_509, %get3A_510] {strides = array<i32>} : memref<2x640x64xf32, #tpu.memory_space<vmem>>, vector<16xf32>,
        %add3A_512 = arith.addf %add3A_472, %get3A_511 : vector<16xf32>
        %mul3A_513 = arith.constant 20 : i32
        %mul3A_514 = arith.muli %scan3A_265, %mul3A_513 : i32
        %add3A_515 = arith.constant 6 : i32
        %add3A_516 = arith.addi %mul3A_514, %add3A_515 : i32
        %get3A_517 = arith.constant 0 : i32
        %get3A_518 = arith.index_cast %get3A_517 : i32 to index
        %get3A_519 = arith.index_cast %add3A_516 : i32 to index
        %get3A_520 = arith.constant 32 : index
        %get3A_521 = tpu.vector_load %arg9[%get3A_518, %get3A_519, %get3A_520] {strides = array<i32>} : memref<2x640x64xf32, #tpu.memory_space<vmem>>, vector<16xf32>,
        %add3A_522 = arith.addf %add3A_482, %get3A_521 : vector<16xf32>
        %mul3A_523 = arith.constant 20 : i32
        %mul3A_524 = arith.muli %scan3A_265, %mul3A_523 : i32
        %add3A_525 = arith.constant 6 : i32
        %add3A_526 = arith.addi %mul3A_524, %add3A_525 : i32
        %get3A_527 = arith.constant 0 : i32
        %get3A_528 = arith.index_cast %get3A_527 : i32 to index
        %get3A_529 = arith.index_cast %add3A_526 : i32 to index
        %get3A_530 = arith.constant 48 : index
        %get3A_531 = tpu.vector_load %arg9[%get3A_528, %get3A_529, %get3A_530] {strides = array<i32>} : memref<2x640x64xf32, #tpu.memory_space<vmem>>, vector<16xf32>,
        %add3A_532 = arith.addf %add3A_492, %get3A_531 : vector<16xf32>
        %mul3A_533 = arith.constant 20 : i32
        %mul3A_534 = arith.muli %scan3A_265, %mul3A_533 : i32
        %add3A_535 = arith.constant 7 : i32
        %add3A_536 = arith.addi %mul3A_534, %add3A_535 : i32
        %get3A_537 = arith.constant 0 : i32
        %get3A_538 = arith.index_cast %get3A_537 : i32 to index
        %get3A_539 = arith.index_cast %add3A_536 : i32 to index
        %get3A_540 = arith.constant 0 : index
        %get3A_541 = tpu.vector_load %arg9[%get3A_538, %get3A_539, %get3A_540] {strides = array<i32>} : memref<2x640x64xf32, #tpu.memory_space<vmem>>, vector<16xf32>,
        %add3A_542 = arith.addf %add3A_502, %get3A_541 : vector<16xf32>
        %mul3A_543 = arith.constant 20 : i32
        %mul3A_544 = arith.muli %scan3A_265, %mul3A_543 : i32
        %add3A_545 = arith.constant 7 : i32
        %add3A_546 = arith.addi %mul3A_544, %add3A_545 : i32
        %get3A_547 = arith.constant 0 : i32
        %get3A_548 = arith.index_cast %get3A_547 : i32 to index
        %get3A_549 = arith.index_cast %add3A_546 : i32 to index
        %get3A_550 = arith.constant 16 : index
        %get3A_551 = tpu.vector_load %arg9[%get3A_548, %get3A_549, %get3A_550] {strides = array<i32>} : memref<2x640x64xf32, #tpu.memory_space<vmem>>, vector<16xf32>,
        %add3A_552 = arith.addf %add3A_512, %get3A_551 : vector<16xf32>
        %mul3A_553 = arith.constant 20 : i32
        %mul3A_554 = arith.muli %scan3A_265, %mul3A_553 : i32
        %add3A_555 = arith.constant 7 : i32
        %add3A_556 = arith.addi %mul3A_554, %add3A_555 : i32
        %get3A_557 = arith.constant 0 : i32
        %get3A_558 = arith.index_cast %get3A_557 : i32 to index
        %get3A_559 = arith.index_cast %add3A_556 : i32 to index
        %get3A_560 = arith.constant 32 : index
        %get3A_561 = tpu.vector_load %arg9[%get3A_558, %get3A_559, %get3A_560] {strides = array<i32>} : memref<2x640x64xf32, #tpu.memory_space<vmem>>, vector<16xf32>,
        %add3A_562 = arith.addf %add3A_522, %get3A_561 : vector<16xf32>
        %mul3A_563 = arith.constant 20 : i32
        %mul3A_564 = arith.muli %scan3A_265, %mul3A_563 : i32
        %add3A_565 = arith.constant 7 : i32
        %add3A_566 = arith.addi %mul3A_564, %add3A_565 : i32
        %get3A_567 = arith.constant 0 : i32
        %get3A_568 = arith.index_cast %get3A_567 : i32 to index
        %get3A_569 = arith.index_cast %add3A_566 : i32 to index
        %get3A_570 = arith.constant 48 : index
        %get3A_571 = tpu.vector_load %arg9[%get3A_568, %get3A_569, %get3A_570] {strides = array<i32>} : memref<2x640x64xf32, #tpu.memory_space<vmem>>, vector<16xf32>,
        %add3A_572 = arith.addf %add3A_532, %get3A_571 : vector<16xf32>
        %mul3A_573 = arith.constant 20 : i32
        %mul3A_574 = arith.muli %scan3A_265, %mul3A_573 : i32
        %add3A_575 = arith.constant 8 : i32
        %add3A_576 = arith.addi %mul3A_574, %add3A_575 : i32
        %get3A_577 = arith.constant 0 : i32
        %get3A_578 = arith.index_cast %get3A_577 : i32 to index
        %get3A_579 = arith.index_cast %add3A_576 : i32 to index
        %get3A_580 = arith.constant 0 : index
        %get3A_581 = tpu.vector_load %arg9[%get3A_578, %get3A_579, %get3A_580] {strides = array<i32>} : memref<2x640x64xf32, #tpu.memory_space<vmem>>, vector<16xf32>,
        %add3A_582 = arith.addf %add3A_542, %get3A_581 : vector<16xf32>
        %mul3A_583 = arith.constant 20 : i32
        %mul3A_584 = arith.muli %scan3A_265, %mul3A_583 : i32
        %add3A_585 = arith.constant 8 : i32
        %add3A_586 = arith.addi %mul3A_584, %add3A_585 : i32
        %get3A_587 = arith.constant 0 : i32
        %get3A_588 = arith.index_cast %get3A_587 : i32 to index
        %get3A_589 = arith.index_cast %add3A_586 : i32 to index
        %get3A_590 = arith.constant 16 : index
        %get3A_591 = tpu.vector_load %arg9[%get3A_588, %get3A_589, %get3A_590] {strides = array<i32>} : memref<2x640x64xf32, #tpu.memory_space<vmem>>, vector<16xf32>,
        %add3A_592 = arith.addf %add3A_552, %get3A_591 : vector<16xf32>
        %mul3A_593 = arith.constant 20 : i32
        %mul3A_594 = arith.muli %scan3A_265, %mul3A_593 : i32
        %add3A_595 = arith.constant 8 : i32
        %add3A_596 = arith.addi %mul3A_594, %add3A_595 : i32
        %get3A_597 = arith.constant 0 : i32
        %get3A_598 = arith.index_cast %get3A_597 : i32 to index
        %get3A_599 = arith.index_cast %add3A_596 : i32 to index
        %get3A_600 = arith.constant 32 : index
        %get3A_601 = tpu.vector_load %arg9[%get3A_598, %get3A_599, %get3A_600] {strides = array<i32>} : memref<2x640x64xf32, #tpu.memory_space<vmem>>, vector<16xf32>,
        %add3A_602 = arith.addf %add3A_562, %get3A_601 : vector<16xf32>
        %mul3A_603 = arith.constant 20 : i32
        %mul3A_604 = arith.muli %scan3A_265, %mul3A_603 : i32
        %add3A_605 = arith.constant 8 : i32
        %add3A_606 = arith.addi %mul3A_604, %add3A_605 : i32
        %get3A_607 = arith.constant 0 : i32
        %get3A_608 = arith.index_cast %get3A_607 : i32 to index
        %get3A_609 = arith.index_cast %add3A_606 : i32 to index
        %get3A_610 = arith.constant 48 : index
        %get3A_611 = tpu.vector_load %arg9[%get3A_608, %get3A_609, %get3A_610] {strides = array<i32>} : memref<2x640x64xf32, #tpu.memory_space<vmem>>, vector<16xf32>,
        %add3A_612 = arith.addf %add3A_572, %get3A_611 : vector<16xf32>
        %mul3A_613 = arith.constant 20 : i32
        %mul3A_614 = arith.muli %scan3A_265, %mul3A_613 : i32
        %add3A_615 = arith.constant 9 : i32
        %add3A_616 = arith.addi %mul3A_614, %add3A_615 : i32
        %get3A_617 = arith.constant 0 : i32
        %get3A_618 = arith.index_cast %get3A_617 : i32 to index
        %get3A_619 = arith.index_cast %add3A_616 : i32 to index
        %get3A_620 = arith.constant 0 : index
        %get3A_621 = tpu.vector_load %arg9[%get3A_618, %get3A_619, %get3A_620] {strides = array<i32>} : memref<2x640x64xf32, #tpu.memory_space<vmem>>, vector<16xf32>,
        %add3A_622 = arith.addf %add3A_582, %get3A_621 : vector<16xf32>
        %mul3A_623 = arith.constant 20 : i32
        %mul3A_624 = arith.muli %scan3A_265, %mul3A_623 : i32
        %add3A_625 = arith.constant 9 : i32
        %add3A_626 = arith.addi %mul3A_624, %add3A_625 : i32
        %get3A_627 = arith.constant 0 : i32
        %get3A_628 = arith.index_cast %get3A_627 : i32 to index
        %get3A_629 = arith.index_cast %add3A_626 : i32 to index
        %get3A_630 = arith.constant 16 : index
        %get3A_631 = tpu.vector_load %arg9[%get3A_628, %get3A_629, %get3A_630] {strides = array<i32>} : memref<2x640x64xf32, #tpu.memory_space<vmem>>, vector<16xf32>,
        %add3A_632 = arith.addf %add3A_592, %get3A_631 : vector<16xf32>
        %mul3A_633 = arith.constant 20 : i32
        %mul3A_634 = arith.muli %scan3A_265, %mul3A_633 : i32
        %add3A_635 = arith.constant 9 : i32
        %add3A_636 = arith.addi %mul3A_634, %add3A_635 : i32
        %get3A_637 = arith.constant 0 : i32
        %get3A_638 = arith.index_cast %get3A_637 : i32 to index
        %get3A_639 = arith.index_cast %add3A_636 : i32 to index
        %get3A_640 = arith.constant 32 : index
        %get3A_641 = tpu.vector_load %arg9[%get3A_638, %get3A_639, %get3A_640] {strides = array<i32>} : memref<2x640x64xf32, #tpu.memory_space<vmem>>, vector<16xf32>,
        %add3A_642 = arith.addf %add3A_602, %get3A_641 : vector<16xf32>
        %mul3A_643 = arith.constant 20 : i32
        %mul3A_644 = arith.muli %scan3A_265, %mul3A_643 : i32
        %add3A_645 = arith.constant 9 : i32
        %add3A_646 = arith.addi %mul3A_644, %add3A_645 : i32
        %get3A_647 = arith.constant 0 : i32
        %get3A_648 = arith.index_cast %get3A_647 : i32 to index
        %get3A_649 = arith.index_cast %add3A_646 : i32 to index
        %get3A_650 = arith.constant 48 : index
        %get3A_651 = tpu.vector_load %arg9[%get3A_648, %get3A_649, %get3A_650] {strides = array<i32>} : memref<2x640x64xf32, #tpu.memory_space<vmem>>, vector<16xf32>,
        %add3A_652 = arith.addf %add3A_612, %get3A_651 : vector<16xf32>
        %mul3A_653 = arith.constant 20 : i32
        %mul3A_654 = arith.muli %scan3A_265, %mul3A_653 : i32
        %add3A_655 = arith.constant 10 : i32
        %add3A_656 = arith.addi %mul3A_654, %add3A_655 : i32
        %get3A_657 = arith.constant 0 : i32
        %get3A_658 = arith.index_cast %get3A_657 : i32 to index
        %get3A_659 = arith.index_cast %add3A_656 : i32 to index
        %get3A_660 = arith.constant 0 : index
        %get3A_661 = tpu.vector_load %arg9[%get3A_658, %get3A_659, %get3A_660] {strides = array<i32>} : memref<2x640x64xf32, #tpu.memory_space<vmem>>, vector<16xf32>,
        %add3A_662 = arith.addf %add3A_622, %get3A_661 : vector<16xf32>
        %mul3A_663 = arith.constant 20 : i32
        %mul3A_664 = arith.muli %scan3A_265, %mul3A_663 : i32
        %add3A_665 = arith.constant 10 : i32
        %add3A_666 = arith.addi %mul3A_664, %add3A_665 : i32
        %get3A_667 = arith.constant 0 : i32
        %get3A_668 = arith.index_cast %get3A_667 : i32 to index
        %get3A_669 = arith.index_cast %add3A_666 : i32 to index
        %get3A_670 = arith.constant 16 : index
        %get3A_671 = tpu.vector_load %arg9[%get3A_668, %get3A_669, %get3A_670] {strides = array<i32>} : memref<2x640x64xf32, #tpu.memory_space<vmem>>, vector<16xf32>,
        %add3A_672 = arith.addf %add3A_632, %get3A_671 : vector<16xf32>
        %mul3A_673 = arith.constant 20 : i32
        %mul3A_674 = arith.muli %scan3A_265, %mul3A_673 : i32
        %add3A_675 = arith.constant 10 : i32
        %add3A_676 = arith.addi %mul3A_674, %add3A_675 : i32
        %get3A_677 = arith.constant 0 : i32
        %get3A_678 = arith.index_cast %get3A_677 : i32 to index
        %get3A_679 = arith.index_cast %add3A_676 : i32 to index
        %get3A_680 = arith.constant 32 : index
        %get3A_681 = tpu.vector_load %arg9[%get3A_678, %get3A_679, %get3A_680] {strides = array<i32>} : memref<2x640x64xf32, #tpu.memory_space<vmem>>, vector<16xf32>,
        %add3A_682 = arith.addf %add3A_642, %get3A_681 : vector<16xf32>
        %mul3A_683 = arith.constant 20 : i32
        %mul3A_684 = arith.muli %scan3A_265, %mul3A_683 : i32
        %add3A_685 = arith.constant 10 : i32
        %add3A_686 = arith.addi %mul3A_684, %add3A_685 : i32
        %get3A_687 = arith.constant 0 : i32
        %get3A_688 = arith.index_cast %get3A_687 : i32 to index
        %get3A_689 = arith.index_cast %add3A_686 : i32 to index
        %get3A_690 = arith.constant 48 : index
        %get3A_691 = tpu.vector_load %arg9[%get3A_688, %get3A_689, %get3A_690] {strides = array<i32>} : memref<2x640x64xf32, #tpu.memory_space<vmem>>, vector<16xf32>,
        %add3A_692 = arith.addf %add3A_652, %get3A_691 : vector<16xf32>
        %mul3A_693 = arith.constant 20 : i32
        %mul3A_694 = arith.muli %scan3A_265, %mul3A_693 : i32
        %add3A_695 = arith.constant 11 : i32
        %add3A_696 = arith.addi %mul3A_694, %add3A_695 : i32
        %get3A_697 = arith.constant 0 : i32
        %get3A_698 = arith.index_cast %get3A_697 : i32 to index
        %get3A_699 = arith.index_cast %add3A_696 : i32 to index
        %get3A_700 = arith.constant 0 : index
        %get3A_701 = tpu.vector_load %arg9[%get3A_698, %get3A_699, %get3A_700] {strides = array<i32>} : memref<2x640x64xf32, #tpu.memory_space<vmem>>, vector<16xf32>,
        %add3A_702 = arith.addf %add3A_662, %get3A_701 : vector<16xf32>
        %mul3A_703 = arith.constant 20 : i32
        %mul3A_704 = arith.muli %scan3A_265, %mul3A_703 : i32
        %add3A_705 = arith.constant 11 : i32
        %add3A_706 = arith.addi %mul3A_704, %add3A_705 : i32
        %get3A_707 = arith.constant 0 : i32
        %get3A_708 = arith.index_cast %get3A_707 : i32 to index
        %get3A_709 = arith.index_cast %add3A_706 : i32 to index
        %get3A_710 = arith.constant 16 : index
        %get3A_711 = tpu.vector_load %arg9[%get3A_708, %get3A_709, %get3A_710] {strides = array<i32>} : memref<2x640x64xf32, #tpu.memory_space<vmem>>, vector<16xf32>,
        %add3A_712 = arith.addf %add3A_672, %get3A_711 : vector<16xf32>
        %mul3A_713 = arith.constant 20 : i32
        %mul3A_714 = arith.muli %scan3A_265, %mul3A_713 : i32
        %add3A_715 = arith.constant 11 : i32
        %add3A_716 = arith.addi %mul3A_714, %add3A_715 : i32
        %get3A_717 = arith.constant 0 : i32
        %get3A_718 = arith.index_cast %get3A_717 : i32 to index
        %get3A_719 = arith.index_cast %add3A_716 : i32 to index
        %get3A_720 = arith.constant 32 : index
        %get3A_721 = tpu.vector_load %arg9[%get3A_718, %get3A_719, %get3A_720] {strides = array<i32>} : memref<2x640x64xf32, #tpu.memory_space<vmem>>, vector<16xf32>,
        %add3A_722 = arith.addf %add3A_682, %get3A_721 : vector<16xf32>
        %mul3A_723 = arith.constant 20 : i32
        %mul3A_724 = arith.muli %scan3A_265, %mul3A_723 : i32
        %add3A_725 = arith.constant 11 : i32
        %add3A_726 = arith.addi %mul3A_724, %add3A_725 : i32
        %get3A_727 = arith.constant 0 : i32
        %get3A_728 = arith.index_cast %get3A_727 : i32 to index
        %get3A_729 = arith.index_cast %add3A_726 : i32 to index
        %get3A_730 = arith.constant 48 : index
        %get3A_731 = tpu.vector_load %arg9[%get3A_728, %get3A_729, %get3A_730] {strides = array<i32>} : memref<2x640x64xf32, #tpu.memory_space<vmem>>, vector<16xf32>,
        %add3A_732 = arith.addf %add3A_692, %get3A_731 : vector<16xf32>
        %mul3A_733 = arith.constant 20 : i32
        %mul3A_734 = arith.muli %scan3A_265, %mul3A_733 : i32
        %add3A_735 = arith.constant 12 : i32
        %add3A_736 = arith.addi %mul3A_734, %add3A_735 : i32
        %get3A_737 = arith.constant 0 : i32
        %get3A_738 = arith.index_cast %get3A_737 : i32 to index
        %get3A_739 = arith.index_cast %add3A_736 : i32 to index
        %get3A_740 = arith.constant 0 : index
        %get3A_741 = tpu.vector_load %arg9[%get3A_738, %get3A_739, %get3A_740] {strides = array<i32>} : memref<2x640x64xf32, #tpu.memory_space<vmem>>, vector<16xf32>,
        %add3A_742 = arith.addf %add3A_702, %get3A_741 : vector<16xf32>
        %mul3A_743 = arith.constant 20 : i32
        %mul3A_744 = arith.muli %scan3A_265, %mul3A_743 : i32
        %add3A_745 = arith.constant 12 : i32
        %add3A_746 = arith.addi %mul3A_744, %add3A_745 : i32
        %get3A_747 = arith.constant 0 : i32
        %get3A_748 = arith.index_cast %get3A_747 : i32 to index
        %get3A_749 = arith.index_cast %add3A_746 : i32 to index
        %get3A_750 = arith.constant 16 : index
        %get3A_751 = tpu.vector_load %arg9[%get3A_748, %get3A_749, %get3A_750] {strides = array<i32>} : memref<2x640x64xf32, #tpu.memory_space<vmem>>, vector<16xf32>,
        %add3A_752 = arith.addf %add3A_712, %get3A_751 : vector<16xf32>
        %mul3A_753 = arith.constant 20 : i32
        %mul3A_754 = arith.muli %scan3A_265, %mul3A_753 : i32
        %add3A_755 = arith.constant 12 : i32
        %add3A_756 = arith.addi %mul3A_754, %add3A_755 : i32
        %get3A_757 = arith.constant 0 : i32
        %get3A_758 = arith.index_cast %get3A_757 : i32 to index
        %get3A_759 = arith.index_cast %add3A_756 : i32 to index
        %get3A_760 = arith.constant 32 : index
        %get3A_761 = tpu.vector_load %arg9[%get3A_758, %get3A_759, %get3A_760] {strides = array<i32>} : memref<2x640x64xf32, #tpu.memory_space<vmem>>, vector<16xf32>,
        %add3A_762 = arith.addf %add3A_722, %get3A_761 : vector<16xf32>
        %mul3A_763 = arith.constant 20 : i32
        %mul3A_764 = arith.muli %scan3A_265, %mul3A_763 : i32
        %add3A_765 = arith.constant 12 : i32
        %add3A_766 = arith.addi %mul3A_764, %add3A_765 : i32
        %get3A_767 = arith.constant 0 : i32
        %get3A_768 = arith.index_cast %get3A_767 : i32 to index
        %get3A_769 = arith.index_cast %add3A_766 : i32 to index
        %get3A_770 = arith.constant 48 : index
        %get3A_771 = tpu.vector_load %arg9[%get3A_768, %get3A_769, %get3A_770] {strides = array<i32>} : memref<2x640x64xf32, #tpu.memory_space<vmem>>, vector<16xf32>,
        %add3A_772 = arith.addf %add3A_732, %get3A_771 : vector<16xf32>
        %mul3A_773 = arith.constant 20 : i32
        %mul3A_774 = arith.muli %scan3A_265, %mul3A_773 : i32
        %add3A_775 = arith.constant 13 : i32
        %add3A_776 = arith.addi %mul3A_774, %add3A_775 : i32
        %get3A_777 = arith.constant 0 : i32
        %get3A_778 = arith.index_cast %get3A_777 : i32 to index
        %get3A_779 = arith.index_cast %add3A_776 : i32 to index
        %get3A_780 = arith.constant 0 : index
        %get3A_781 = tpu.vector_load %arg9[%get3A_778, %get3A_779, %get3A_780] {strides = array<i32>} : memref<2x640x64xf32, #tpu.memory_space<vmem>>, vector<16xf32>,
        %add3A_782 = arith.addf %add3A_742, %get3A_781 : vector<16xf32>
        %mul3A_783 = arith.constant 20 : i32
        %mul3A_784 = arith.muli %scan3A_265, %mul3A_783 : i32
        %add3A_785 = arith.constant 13 : i32
        %add3A_786 = arith.addi %mul3A_784, %add3A_785 : i32
        %get3A_787 = arith.constant 0 : i32
        %get3A_788 = arith.index_cast %get3A_787 : i32 to index
        %get3A_789 = arith.index_cast %add3A_786 : i32 to index
        %get3A_790 = arith.constant 16 : index
        %get3A_791 = tpu.vector_load %arg9[%get3A_788, %get3A_789, %get3A_790] {strides = array<i32>} : memref<2x640x64xf32, #tpu.memory_space<vmem>>, vector<16xf32>,
        %add3A_792 = arith.addf %add3A_752, %get3A_791 : vector<16xf32>
        %mul3A_793 = arith.constant 20 : i32
        %mul3A_794 = arith.muli %scan3A_265, %mul3A_793 : i32
        %add3A_795 = arith.constant 13 : i32
        %add3A_796 = arith.addi %mul3A_794, %add3A_795 : i32
        %get3A_797 = arith.constant 0 : i32
        %get3A_798 = arith.index_cast %get3A_797 : i32 to index
        %get3A_799 = arith.index_cast %add3A_796 : i32 to index
        %get3A_800 = arith.constant 32 : index
        %get3A_801 = tpu.vector_load %arg9[%get3A_798, %get3A_799, %get3A_800] {strides = array<i32>} : memref<2x640x64xf32, #tpu.memory_space<vmem>>, vector<16xf32>,
        %add3A_802 = arith.addf %add3A_762, %get3A_801 : vector<16xf32>
        %mul3A_803 = arith.constant 20 : i32
        %mul3A_804 = arith.muli %scan3A_265, %mul3A_803 : i32
        %add3A_805 = arith.constant 13 : i32
        %add3A_806 = arith.addi %mul3A_804, %add3A_805 : i32
        %get3A_807 = arith.constant 0 : i32
        %get3A_808 = arith.index_cast %get3A_807 : i32 to index
        %get3A_809 = arith.index_cast %add3A_806 : i32 to index
        %get3A_810 = arith.constant 48 : index
        %get3A_811 = tpu.vector_load %arg9[%get3A_808, %get3A_809, %get3A_810] {strides = array<i32>} : memref<2x640x64xf32, #tpu.memory_space<vmem>>, vector<16xf32>,
        %add3A_812 = arith.addf %add3A_772, %get3A_811 : vector<16xf32>
        %mul3A_813 = arith.constant 20 : i32
        %mul3A_814 = arith.muli %scan3A_265, %mul3A_813 : i32
        %add3A_815 = arith.constant 14 : i32
        %add3A_816 = arith.addi %mul3A_814, %add3A_815 : i32
        %get3A_817 = arith.constant 0 : i32
        %get3A_818 = arith.index_cast %get3A_817 : i32 to index
        %get3A_819 = arith.index_cast %add3A_816 : i32 to index
        %get3A_820 = arith.constant 0 : index
        %get3A_821 = tpu.vector_load %arg9[%get3A_818, %get3A_819, %get3A_820] {strides = array<i32>} : memref<2x640x64xf32, #tpu.memory_space<vmem>>, vector<16xf32>,
        %add3A_822 = arith.addf %add3A_782, %get3A_821 : vector<16xf32>
        %mul3A_823 = arith.constant 20 : i32
        %mul3A_824 = arith.muli %scan3A_265, %mul3A_823 : i32
        %add3A_825 = arith.constant 14 : i32
        %add3A_826 = arith.addi %mul3A_824, %add3A_825 : i32
        %get3A_827 = arith.constant 0 : i32
        %get3A_828 = arith.index_cast %get3A_827 : i32 to index
        %get3A_829 = arith.index_cast %add3A_826 : i32 to index
        %get3A_830 = arith.constant 16 : index
        %get3A_831 = tpu.vector_load %arg9[%get3A_828, %get3A_829, %get3A_830] {strides = array<i32>} : memref<2x640x64xf32, #tpu.memory_space<vmem>>, vector<16xf32>,
        %add3A_832 = arith.addf %add3A_792, %get3A_831 : vector<16xf32>
        %mul3A_833 = arith.constant 20 : i32
        %mul3A_834 = arith.muli %scan3A_265, %mul3A_833 : i32
        %add3A_835 = arith.constant 14 : i32
        %add3A_836 = arith.addi %mul3A_834, %add3A_835 : i32
        %get3A_837 = arith.constant 0 : i32
        %get3A_838 = arith.index_cast %get3A_837 : i32 to index
        %get3A_839 = arith.index_cast %add3A_836 : i32 to index
        %get3A_840 = arith.constant 32 : index
        %get3A_841 = tpu.vector_load %arg9[%get3A_838, %get3A_839, %get3A_840] {strides = array<i32>} : memref<2x640x64xf32, #tpu.memory_space<vmem>>, vector<16xf32>,
        %add3A_842 = arith.addf %add3A_802, %get3A_841 : vector<16xf32>
        %mul3A_843 = arith.constant 20 : i32
        %mul3A_844 = arith.muli %scan3A_265, %mul3A_843 : i32
        %add3A_845 = arith.constant 14 : i32
        %add3A_846 = arith.addi %mul3A_844, %add3A_845 : i32
        %get3A_847 = arith.constant 0 : i32
        %get3A_848 = arith.index_cast %get3A_847 : i32 to index
        %get3A_849 = arith.index_cast %add3A_846 : i32 to index
        %get3A_850 = arith.constant 48 : index
        %get3A_851 = tpu.vector_load %arg9[%get3A_848, %get3A_849, %get3A_850] {strides = array<i32>} : memref<2x640x64xf32, #tpu.memory_space<vmem>>, vector<16xf32>,
        %add3A_852 = arith.addf %add3A_812, %get3A_851 : vector<16xf32>
        %mul3A_853 = arith.constant 20 : i32
        %mul3A_854 = arith.muli %scan3A_265, %mul3A_853 : i32
        %add3A_855 = arith.constant 15 : i32
        %add3A_856 = arith.addi %mul3A_854, %add3A_855 : i32
        %get3A_857 = arith.constant 0 : i32
        %get3A_858 = arith.index_cast %get3A_857 : i32 to index
        %get3A_859 = arith.index_cast %add3A_856 : i32 to index
        %get3A_860 = arith.constant 0 : index
        %get3A_861 = tpu.vector_load %arg9[%get3A_858, %get3A_859, %get3A_860] {strides = array<i32>} : memref<2x640x64xf32, #tpu.memory_space<vmem>>, vector<16xf32>,
        %add3A_862 = arith.addf %add3A_822, %get3A_861 : vector<16xf32>
        %mul3A_863 = arith.constant 20 : i32
        %mul3A_864 = arith.muli %scan3A_265, %mul3A_863 : i32
        %add3A_865 = arith.constant 15 : i32
        %add3A_866 = arith.addi %mul3A_864, %add3A_865 : i32
        %get3A_867 = arith.constant 0 : i32
        %get3A_868 = arith.index_cast %get3A_867 : i32 to index
        %get3A_869 = arith.index_cast %add3A_866 : i32 to index
        %get3A_870 = arith.constant 16 : index
        %get3A_871 = tpu.vector_load %arg9[%get3A_868, %get3A_869, %get3A_870] {strides = array<i32>} : memref<2x640x64xf32, #tpu.memory_space<vmem>>, vector<16xf32>,
        %add3A_872 = arith.addf %add3A_832, %get3A_871 : vector<16xf32>
        %mul3A_873 = arith.constant 20 : i32
        %mul3A_874 = arith.muli %scan3A_265, %mul3A_873 : i32
        %add3A_875 = arith.constant 15 : i32
        %add3A_876 = arith.addi %mul3A_874, %add3A_875 : i32
        %get3A_877 = arith.constant 0 : i32
        %get3A_878 = arith.index_cast %get3A_877 : i32 to index
        %get3A_879 = arith.index_cast %add3A_876 : i32 to index
        %get3A_880 = arith.constant 32 : index
        %get3A_881 = tpu.vector_load %arg9[%get3A_878, %get3A_879, %get3A_880] {strides = array<i32>} : memref<2x640x64xf32, #tpu.memory_space<vmem>>, vector<16xf32>,
        %add3A_882 = arith.addf %add3A_842, %get3A_881 : vector<16xf32>
        %mul3A_883 = arith.constant 20 : i32
        %mul3A_884 = arith.muli %scan3A_265, %mul3A_883 : i32
        %add3A_885 = arith.constant 15 : i32
        %add3A_886 = arith.addi %mul3A_884, %add3A_885 : i32
        %get3A_887 = arith.constant 0 : i32
        %get3A_888 = arith.index_cast %get3A_887 : i32 to index
        %get3A_889 = arith.index_cast %add3A_886 : i32 to index
        %get3A_890 = arith.constant 48 : index
        %get3A_891 = tpu.vector_load %arg9[%get3A_888, %get3A_889, %get3A_890] {strides = array<i32>} : memref<2x640x64xf32, #tpu.memory_space<vmem>>, vector<16xf32>,
        %add3A_892 = arith.addf %add3A_852, %get3A_891 : vector<16xf32>
        %mul3A_893 = arith.constant 20 : i32
        %mul3A_894 = arith.muli %scan3A_265, %mul3A_893 : i32
        %add3A_895 = arith.constant 16 : i32
        %add3A_896 = arith.addi %mul3A_894, %add3A_895 : i32
        %get3A_897 = arith.constant 0 : i32
        %get3A_898 = arith.index_cast %get3A_897 : i32 to index
        %get3A_899 = arith.index_cast %add3A_896 : i32 to index
        %get3A_900 = arith.constant 0 : index
        %get3A_901 = tpu.vector_load %arg9[%get3A_898, %get3A_899, %get3A_900] {strides = array<i32>} : memref<2x640x64xf32, #tpu.memory_space<vmem>>, vector<16xf32>,
        %add3A_902 = arith.addf %add3A_862, %get3A_901 : vector<16xf32>
        %mul3A_903 = arith.constant 20 : i32
        %mul3A_904 = arith.muli %scan3A_265, %mul3A_903 : i32
        %add3A_905 = arith.constant 16 : i32
        %add3A_906 = arith.addi %mul3A_904, %add3A_905 : i32
        %get3A_907 = arith.constant 0 : i32
        %get3A_908 = arith.index_cast %get3A_907 : i32 to index
        %get3A_909 = arith.index_cast %add3A_906 : i32 to index
        %get3A_910 = arith.constant 16 : index
        %get3A_911 = tpu.vector_load %arg9[%get3A_908, %get3A_909, %get3A_910] {strides = array<i32>} : memref<2x640x64xf32, #tpu.memory_space<vmem>>, vector<16xf32>,
        %add3A_912 = arith.addf %add3A_872, %get3A_911 : vector<16xf32>
        %mul3A_913 = arith.constant 20 : i32
        %mul3A_914 = arith.muli %scan3A_265, %mul3A_913 : i32
        %add3A_915 = arith.constant 16 : i32
        %add3A_916 = arith.addi %mul3A_914, %add3A_915 : i32
        %get3A_917 = arith.constant 0 : i32
        %get3A_918 = arith.index_cast %get3A_917 : i32 to index
        %get3A_919 = arith.index_cast %add3A_916 : i32 to index
        %get3A_920 = arith.constant 32 : index
        %get3A_921 = tpu.vector_load %arg9[%get3A_918, %get3A_919, %get3A_920] {strides = array<i32>} : memref<2x640x64xf32, #tpu.memory_space<vmem>>, vector<16xf32>,
        %add3A_922 = arith.addf %add3A_882, %get3A_921 : vector<16xf32>
        %mul3A_923 = arith.constant 20 : i32
        %mul3A_924 = arith.muli %scan3A_265, %mul3A_923 : i32
        %add3A_925 = arith.constant 16 : i32
        %add3A_926 = arith.addi %mul3A_924, %add3A_925 : i32
        %get3A_927 = arith.constant 0 : i32
        %get3A_928 = arith.index_cast %get3A_927 : i32 to index
        %get3A_929 = arith.index_cast %add3A_926 : i32 to index
        %get3A_930 = arith.constant 48 : index
        %get3A_931 = tpu.vector_load %arg9[%get3A_928, %get3A_929, %get3A_930] {strides = array<i32>} : memref<2x640x64xf32, #tpu.memory_space<vmem>>, vector<16xf32>,
        %add3A_932 = arith.addf %add3A_892, %get3A_931 : vector<16xf32>
        %mul3A_933 = arith.constant 20 : i32
        %mul3A_934 = arith.muli %scan3A_265, %mul3A_933 : i32
        %add3A_935 = arith.constant 17 : i32
        %add3A_936 = arith.addi %mul3A_934, %add3A_935 : i32
        %get3A_937 = arith.constant 0 : i32
        %get3A_938 = arith.index_cast %get3A_937 : i32 to index
        %get3A_939 = arith.index_cast %add3A_936 : i32 to index
        %get3A_940 = arith.constant 0 : index
        %get3A_941 = tpu.vector_load %arg9[%get3A_938, %get3A_939, %get3A_940] {strides = array<i32>} : memref<2x640x64xf32, #tpu.memory_space<vmem>>, vector<16xf32>,
        %add3A_942 = arith.addf %add3A_902, %get3A_941 : vector<16xf32>
        %mul3A_943 = arith.constant 20 : i32
        %mul3A_944 = arith.muli %scan3A_265, %mul3A_943 : i32
        %add3A_945 = arith.constant 17 : i32
        %add3A_946 = arith.addi %mul3A_944, %add3A_945 : i32
        %get3A_947 = arith.constant 0 : i32
        %get3A_948 = arith.index_cast %get3A_947 : i32 to index
        %get3A_949 = arith.index_cast %add3A_946 : i32 to index
        %get3A_950 = arith.constant 16 : index
        %get3A_951 = tpu.vector_load %arg9[%get3A_948, %get3A_949, %get3A_950] {strides = array<i32>} : memref<2x640x64xf32, #tpu.memory_space<vmem>>, vector<16xf32>,
        %add3A_952 = arith.addf %add3A_912, %get3A_951 : vector<16xf32>
        %mul3A_953 = arith.constant 20 : i32
        %mul3A_954 = arith.muli %scan3A_265, %mul3A_953 : i32
        %add3A_955 = arith.constant 17 : i32
        %add3A_956 = arith.addi %mul3A_954, %add3A_955 : i32
        %get3A_957 = arith.constant 0 : i32
        %get3A_958 = arith.index_cast %get3A_957 : i32 to index
        %get3A_959 = arith.index_cast %add3A_956 : i32 to index
        %get3A_960 = arith.constant 32 : index
        %get3A_961 = tpu.vector_load %arg9[%get3A_958, %get3A_959, %get3A_960] {strides = array<i32>} : memref<2x640x64xf32, #tpu.memory_space<vmem>>, vector<16xf32>,
        %add3A_962 = arith.addf %add3A_922, %get3A_961 : vector<16xf32>
        %mul3A_963 = arith.constant 20 : i32
        %mul3A_964 = arith.muli %scan3A_265, %mul3A_963 : i32
        %add3A_965 = arith.constant 17 : i32
        %add3A_966 = arith.addi %mul3A_964, %add3A_965 : i32
        %get3A_967 = arith.constant 0 : i32
        %get3A_968 = arith.index_cast %get3A_967 : i32 to index
        %get3A_969 = arith.index_cast %add3A_966 : i32 to index
        %get3A_970 = arith.constant 48 : index
        %get3A_971 = tpu.vector_load %arg9[%get3A_968, %get3A_969, %get3A_970] {strides = array<i32>} : memref<2x640x64xf32, #tpu.memory_space<vmem>>, vector<16xf32>,
        %add3A_972 = arith.addf %add3A_932, %get3A_971 : vector<16xf32>
        %mul3A_973 = arith.constant 20 : i32
        %mul3A_974 = arith.muli %scan3A_265, %mul3A_973 : i32
        %add3A_975 = arith.constant 18 : i32
        %add3A_976 = arith.addi %mul3A_974, %add3A_975 : i32
        %get3A_977 = arith.constant 0 : i32
        %get3A_978 = arith.index_cast %get3A_977 : i32 to index
        %get3A_979 = arith.index_cast %add3A_976 : i32 to index
        %get3A_980 = arith.constant 0 : index
        %get3A_981 = tpu.vector_load %arg9[%get3A_978, %get3A_979, %get3A_980] {strides = array<i32>} : memref<2x640x64xf32, #tpu.memory_space<vmem>>, vector<16xf32>,
        %add3A_982 = arith.addf %add3A_942, %get3A_981 : vector<16xf32>
        %mul3A_983 = arith.constant 20 : i32
        %mul3A_984 = arith.muli %scan3A_265, %mul3A_983 : i32
        %add3A_985 = arith.constant 18 : i32
        %add3A_986 = arith.addi %mul3A_984, %add3A_985 : i32
        %get3A_987 = arith.constant 0 : i32
        %get3A_988 = arith.index_cast %get3A_987 : i32 to index
        %get3A_989 = arith.index_cast %add3A_986 : i32 to index
        %get3A_990 = arith.constant 16 : index
        %get3A_991 = tpu.vector_load %arg9[%get3A_988, %get3A_989, %get3A_990] {strides = array<i32>} : memref<2x640x64xf32, #tpu.memory_space<vmem>>, vector<16xf32>,
        %add3A_992 = arith.addf %add3A_952, %get3A_991 : vector<16xf32>
        %mul3A_993 = arith.constant 20 : i32
        %mul3A_994 = arith.muli %scan3A_265, %mul3A_993 : i32
        %add3A_995 = arith.constant 18 : i32
        %add3A_996 = arith.addi %mul3A_994, %add3A_995 : i32
        %get3A_997 = arith.constant 0 : i32
        %get3A_998 = arith.index_cast %get3A_997 : i32 to index
        %get3A_999 = arith.index_cast %add3A_996 : i32 to index
        %get3A_1000 = arith.constant 32 : index
        %get3A_1001 = tpu.vector_load %arg9[%get3A_998, %get3A_999, %get3A_1000] {strides = array<i32>} : memref<2x640x64xf32, #tpu.memory_space<vmem>>, vector<16xf32>,
        %add3A_1002 = arith.addf %add3A_962, %get3A_1001 : vector<16xf32>
        %mul3A_1003 = arith.constant 20 : i32
        %mul3A_1004 = arith.muli %scan3A_265, %mul3A_1003 : i32
        %add3A_1005 = arith.constant 18 : i32
        %add3A_1006 = arith.addi %mul3A_1004, %add3A_1005 : i32
        %get3A_1007 = arith.constant 0 : i32
        %get3A_1008 = arith.index_cast %get3A_1007 : i32 to index
        %get3A_1009 = arith.index_cast %add3A_1006 : i32 to index
        %get3A_1010 = arith.constant 48 : index
        %get3A_1011 = tpu.vector_load %arg9[%get3A_1008, %get3A_1009, %get3A_1010] {strides = array<i32>} : memref<2x640x64xf32, #tpu.memory_space<vmem>>, vector<16xf32>,
        %add3A_1012 = arith.addf %add3A_972, %get3A_1011 : vector<16xf32>
        %mul3A_1013 = arith.constant 20 : i32
        %mul3A_1014 = arith.muli %scan3A_265, %mul3A_1013 : i32
        %add3A_1015 = arith.constant 19 : i32
        %add3A_1016 = arith.addi %mul3A_1014, %add3A_1015 : i32
        %get3A_1017 = arith.constant 0 : i32
        %get3A_1018 = arith.index_cast %get3A_1017 : i32 to index
        %get3A_1019 = arith.index_cast %add3A_1016 : i32 to index
        %get3A_1020 = arith.constant 0 : index
        %get3A_1021 = tpu.vector_load %arg9[%get3A_1018, %get3A_1019, %get3A_1020] {strides = array<i32>} : memref<2x640x64xf32, #tpu.memory_space<vmem>>, vector<16xf32>,
        %add3A_1022 = arith.addf %add3A_982, %get3A_1021 : vector<16xf32>
        %mul3A_1023 = arith.constant 20 : i32
        %mul3A_1024 = arith.muli %scan3A_265, %mul3A_1023 : i32
        %add3A_1025 = arith.constant 19 : i32
        %add3A_1026 = arith.addi %mul3A_1024, %add3A_1025 : i32
        %get3A_1027 = arith.constant 0 : i32
        %get3A_1028 = arith.index_cast %get3A_1027 : i32 to index
        %get3A_1029 = arith.index_cast %add3A_1026 : i32 to index
        %get3A_1030 = arith.constant 16 : index
        %get3A_1031 = tpu.vector_load %arg9[%get3A_1028, %get3A_1029, %get3A_1030] {strides = array<i32>} : memref<2x640x64xf32, #tpu.memory_space<vmem>>, vector<16xf32>,
        %add3A_1032 = arith.addf %add3A_992, %get3A_1031 : vector<16xf32>
        %mul3A_1033 = arith.constant 20 : i32
        %mul3A_1034 = arith.muli %scan3A_265, %mul3A_1033 : i32
        %add3A_1035 = arith.constant 19 : i32
        %add3A_1036 = arith.addi %mul3A_1034, %add3A_1035 : i32
        %get3A_1037 = arith.constant 0 : i32
        %get3A_1038 = arith.index_cast %get3A_1037 : i32 to index
        %get3A_1039 = arith.index_cast %add3A_1036 : i32 to index
        %get3A_1040 = arith.constant 32 : index
        %get3A_1041 = tpu.vector_load %arg9[%get3A_1038, %get3A_1039, %get3A_1040] {strides = array<i32>} : memref<2x640x64xf32, #tpu.memory_space<vmem>>, vector<16xf32>,
        %add3A_1042 = arith.addf %add3A_1002, %get3A_1041 : vector<16xf32>
        %mul3A_1043 = arith.constant 20 : i32
        %mul3A_1044 = arith.muli %scan3A_265, %mul3A_1043 : i32
        %add3A_1045 = arith.constant 19 : i32
        %add3A_1046 = arith.addi %mul3A_1044, %add3A_1045 : i32
        %get3A_1047 = arith.constant 0 : i32
        %get3A_1048 = arith.index_cast %get3A_1047 : i32 to index
        %get3A_1049 = arith.index_cast %add3A_1046 : i32 to index
        %get3A_1050 = arith.constant 48 : index
        %get3A_1051 = tpu.vector_load %arg9[%get3A_1048, %get3A_1049, %get3A_1050] {strides = array<i32>} : memref<2x640x64xf32, #tpu.memory_space<vmem>>, vector<16xf32>,
        %add3A_1052 = arith.addf %add3A_1012, %get3A_1051 : vector<16xf32>
        %mul3A_1053 = arith.constant 20 : i32
        %mul3A_1054 = arith.muli %scan3A_265, %mul3A_1053 : i32
        %get3A_1055 = arith.constant 0 : i32
        %get3A_1056 = arith.index_cast %get3A_1055 : i32 to index
        %get3A_1057 = arith.index_cast %mul3A_1054 : i32 to index
        %get3A_1058 = tpu.vector_load %arg7[%get3A_1056, %get3A_1057] {strides = array<i32>} : memref<2x640xi32, #tpu.memory_space<vmem>>, vector<16xi32>,
        %mul3A_1059 = arith.constant 20 : i32
        %mul3A_1060 = arith.muli %scan3A_265, %mul3A_1059 : i32
        %add3A_1061 = arith.constant 4 : i32
        %add3A_1062 = arith.addi %mul3A_1060, %add3A_1061 : i32
        %get3A_1063 = arith.constant 0 : i32
        %get3A_1064 = arith.index_cast %get3A_1063 : i32 to index
        %get3A_1065 = arith.index_cast %add3A_1062 : i32 to index
        %get3A_1066 = tpu.vector_load %arg7[%get3A_1064, %get3A_1065] {strides = array<i32>} : memref<2x640xi32, #tpu.memory_space<vmem>>, vector<16xi32>,
        %iota3A = tpu.iota {dimensions = array<i32: 0>} : vector<16xi32>
        %eq3A = arith.constant 0 : i32
        %eq3A_1067 = vector.broadcast %eq3A : i32 to vector<16xi32>
        %eq3A_1068 = arith.cmpi eq, %get3A_1058, %eq3A_1067 : vector<16xi32>
        %jit3A = arith.constant 1 : i32
        %jit3A_1069 = arith.constant 0 : i32
        %broadcast_in_dim3A = vector.broadcast %jit3A : i32 to vector<16xi32>
        %broadcast_in_dim3A_1070 = vector.broadcast %jit3A_1069 : i32 to vector<16xi32>
        %select_n3A = arith.select %eq3A_1068, %broadcast_in_dim3A, %broadcast_in_dim3A_1070 : vector<16xi1>, vector<16xi32>
        %reduce_sum3A = arith.constant true
        %reduce_sum3A_1071 = vector.broadcast %reduce_sum3A : i1 to vector<16xi1>
        %reduce_sum3A_1072 = tpu.scan <sum>, %select_n3A masked %reduce_sum3A_1071 : vector<16xi32>, vector<16xi1> -> vector<16xi32>
        %reduce_sum3A_1073 = vector.extract %reduce_sum3A_1072[15] : i32 from vector<16xi32>
        %eq3A_1074 = arith.constant 0 : i32
        %eq3A_1075 = vector.broadcast %eq3A_1074 : i32 to vector<16xi32>
        %eq3A_1076 = arith.cmpi eq, %get3A_1066, %eq3A_1075 : vector<16xi32>
        %ge3A = arith.constant 12 : i32
        %ge3A_1077 = vector.broadcast %ge3A : i32 to vector<16xi32>
        %ge3A_1078 = arith.cmpi sge, %iota3A, %ge3A_1077 : vector<16xi32>
        %and3A = arith.andi %eq3A_1076, %ge3A_1078 : vector<16xi1>
        %jit3A_1079 = arith.constant 1 : i32
        %jit3A_1080 = arith.constant 0 : i32
        %broadcast_in_dim3A_1081 = vector.broadcast %jit3A_1079 : i32 to vector<16xi32>
        %broadcast_in_dim3A_1082 = vector.broadcast %jit3A_1080 : i32 to vector<16xi32>
        %select_n3A_1083 = arith.select %and3A, %broadcast_in_dim3A_1081, %broadcast_in_dim3A_1082 : vector<16xi1>, vector<16xi32>
        %reduce_sum3A_1084 = arith.constant true
        %reduce_sum3A_1085 = vector.broadcast %reduce_sum3A_1084 : i1 to vector<16xi1>
        %reduce_sum3A_1086 = tpu.scan <sum>, %select_n3A_1083 masked %reduce_sum3A_1085 : vector<16xi32>, vector<16xi1> -> vector<16xi32>
        %reduce_sum3A_1087 = vector.extract %reduce_sum3A_1086[15] : i32 from vector<16xi32>
        %add3A_1088 = arith.addi %reduce_sum3A_1073, %reduce_sum3A_1087 : i32
        %convert_element_type3A_1089 = arith.sitofp %add3A_1088 : i32 to f32
        %broadcast_in_dim3A_1090 = arith.constant 0.000000e+00 : f32
        %broadcast_in_dim3A_1091 = vector.broadcast %broadcast_in_dim3A_1090 : f32 to vector<16xf32>
        %add3A_1092 = vector.broadcast %convert_element_type3A_1089 : f32 to vector<16xf32>
        %add3A_1093 = arith.addf %broadcast_in_dim3A_1091, %add3A_1092 : vector<16xf32>
        %sub3A = arith.constant 2.000000e+01 : f32
        %sub3A_1094 = vector.broadcast %sub3A : f32 to vector<16xf32>
        %sub3A_1095 = arith.subf %sub3A_1094, %add3A_1093 : vector<16xf32>
        %max3A = arith.constant 1.000000e+00 : f32
        %max3A_1096 = vector.broadcast %max3A : f32 to vector<16xf32>
        %max3A_1097 = arith.maximumf %sub3A_1095, %max3A_1096 : vector<16xf32>
        %div3A = arith.constant 1.000000e+00 : f32
        %div3A_1098 = vector.broadcast %div3A : f32 to vector<16xf32>
        %div3A_1099 = arith.divf %div3A_1098, %max3A_1097 : vector<16xf32>
        %get3A_1100 = arith.constant 0 : i32
        %get3A_1101 = arith.index_cast %get3A_1100 : i32 to index
        %get3A_1102 = arith.constant 0 : index
        %get3A_1103 = tpu.vector_load %arg12[%get3A_1101, %get3A_1102] {strides = array<i32>} : memref<1x64xf32, #tpu.memory_space<vmem>>, vector<16xf32>,
        %mul3A_1104 = arith.mulf %add3A_1093, %get3A_1103 : vector<16xf32>
        %sub3A_1105 = arith.subf %add3A_1022, %mul3A_1104 : vector<16xf32>
        %mul3A_1106 = arith.mulf %sub3A_1105, %div3A_1099 : vector<16xf32>
        %swap3A = arith.constant 0 : i32
        %swap3A_1107 = arith.index_cast %swap3A : i32 to index
        %swap3A_1108 = arith.index_cast %scan3A_265 : i32 to index
        %swap3A_1109 = arith.constant 64 : index
        %swap3A_1110 = tpu.vector_load %arg11[%swap3A_1107, %swap3A_1108, %swap3A_1109] {strides = array<i32>} : memref<2x32x128xf32, #tpu.memory_space<vmem>>, vector<16xf32>,
        tpu.vector_store %arg11[%swap3A_1107, %swap3A_1108, %swap3A_1109], %mul3A_1106 {strides = array<i32>} : memref<2x32x128xf32, #tpu.memory_space<vmem>>, vector<16xf32>,
        %get3A_1111 = arith.constant 0 : i32
        %get3A_1112 = arith.index_cast %get3A_1111 : i32 to index
        %get3A_1113 = arith.index_cast %scan3A_265 : i32 to index
        %get3A_1114 = arith.constant 0 : index
        %get3A_1115 = tpu.vector_load %arg10[%get3A_1112, %get3A_1113, %get3A_1114] {strides = array<i32>} : memref<2x32x64xf32, #tpu.memory_space<vmem>>, vector<16xf32>,
        %swap3A_1116 = arith.constant 0 : i32
        %swap3A_1117 = arith.index_cast %swap3A_1116 : i32 to index
        %swap3A_1118 = arith.index_cast %scan3A_265 : i32 to index
        %swap3A_1119 = arith.constant 0 : index
        %swap3A_1120 = tpu.vector_load %arg11[%swap3A_1117, %swap3A_1118, %swap3A_1119] {strides = array<i32>} : memref<2x32x128xf32, #tpu.memory_space<vmem>>, vector<16xf32>,
        tpu.vector_store %arg11[%swap3A_1117, %swap3A_1118, %swap3A_1119], %get3A_1115 {strides = array<i32>} : memref<2x32x128xf32, #tpu.memory_space<vmem>>, vector<16xf32>,
        %get3A_1121 = arith.constant 0 : i32
        %get3A_1122 = arith.index_cast %get3A_1121 : i32 to index
        %get3A_1123 = arith.constant 16 : index
        %get3A_1124 = tpu.vector_load %arg12[%get3A_1122, %get3A_1123] {strides = array<i32>} : memref<1x64xf32, #tpu.memory_space<vmem>>, vector<16xf32>,
        %mul3A_1125 = arith.mulf %add3A_1093, %get3A_1124 : vector<16xf32>
        %sub3A_1126 = arith.subf %add3A_1032, %mul3A_1125 : vector<16xf32>
        %mul3A_1127 = arith.mulf %sub3A_1126, %div3A_1099 : vector<16xf32>
        %swap3A_1128 = arith.constant 0 : i32
        %swap3A_1129 = arith.index_cast %swap3A_1128 : i32 to index
        %swap3A_1130 = arith.index_cast %scan3A_265 : i32 to index
        %swap3A_1131 = arith.constant 80 : index
        %swap3A_1132 = tpu.vector_load %arg11[%swap3A_1129, %swap3A_1130, %swap3A_1131] {strides = array<i32>} : memref<2x32x128xf32, #tpu.memory_space<vmem>>, vector<16xf32>,
        tpu.vector_store %arg11[%swap3A_1129, %swap3A_1130, %swap3A_1131], %mul3A_1127 {strides = array<i32>} : memref<2x32x128xf32, #tpu.memory_space<vmem>>, vector<16xf32>,
        %get3A_1133 = arith.constant 0 : i32
        %get3A_1134 = arith.index_cast %get3A_1133 : i32 to index
        %get3A_1135 = arith.index_cast %scan3A_265 : i32 to index
        %get3A_1136 = arith.constant 16 : index
        %get3A_1137 = tpu.vector_load %arg10[%get3A_1134, %get3A_1135, %get3A_1136] {strides = array<i32>} : memref<2x32x64xf32, #tpu.memory_space<vmem>>, vector<16xf32>,
        %swap3A_1138 = arith.constant 0 : i32
        %swap3A_1139 = arith.index_cast %swap3A_1138 : i32 to index
        %swap3A_1140 = arith.index_cast %scan3A_265 : i32 to index
        %swap3A_1141 = arith.constant 16 : index
        %swap3A_1142 = tpu.vector_load %arg11[%swap3A_1139, %swap3A_1140, %swap3A_1141] {strides = array<i32>} : memref<2x32x128xf32, #tpu.memory_space<vmem>>, vector<16xf32>,
        tpu.vector_store %arg11[%swap3A_1139, %swap3A_1140, %swap3A_1141], %get3A_1137 {strides = array<i32>} : memref<2x32x128xf32, #tpu.memory_space<vmem>>, vector<16xf32>,
        %get3A_1143 = arith.constant 0 : i32
        %get3A_1144 = arith.index_cast %get3A_1143 : i32 to index
        %get3A_1145 = arith.constant 32 : index
        %get3A_1146 = tpu.vector_load %arg12[%get3A_1144, %get3A_1145] {strides = array<i32>} : memref<1x64xf32, #tpu.memory_space<vmem>>, vector<16xf32>,
        %mul3A_1147 = arith.mulf %add3A_1093, %get3A_1146 : vector<16xf32>
        %sub3A_1148 = arith.subf %add3A_1042, %mul3A_1147 : vector<16xf32>
        %mul3A_1149 = arith.mulf %sub3A_1148, %div3A_1099 : vector<16xf32>
        %swap3A_1150 = arith.constant 0 : i32
        %swap3A_1151 = arith.index_cast %swap3A_1150 : i32 to index
        %swap3A_1152 = arith.index_cast %scan3A_265 : i32 to index
        %swap3A_1153 = arith.constant 96 : index
        %swap3A_1154 = tpu.vector_load %arg11[%swap3A_1151, %swap3A_1152, %swap3A_1153] {strides = array<i32>} : memref<2x32x128xf32, #tpu.memory_space<vmem>>, vector<16xf32>,
        tpu.vector_store %arg11[%swap3A_1151, %swap3A_1152, %swap3A_1153], %mul3A_1149 {strides = array<i32>} : memref<2x32x128xf32, #tpu.memory_space<vmem>>, vector<16xf32>,
        %get3A_1155 = arith.constant 0 : i32
        %get3A_1156 = arith.index_cast %get3A_1155 : i32 to index
        %get3A_1157 = arith.index_cast %scan3A_265 : i32 to index
        %get3A_1158 = arith.constant 32 : index
        %get3A_1159 = tpu.vector_load %arg10[%get3A_1156, %get3A_1157, %get3A_1158] {strides = array<i32>} : memref<2x32x64xf32, #tpu.memory_space<vmem>>, vector<16xf32>,
        %swap3A_1160 = arith.constant 0 : i32
        %swap3A_1161 = arith.index_cast %swap3A_1160 : i32 to index
        %swap3A_1162 = arith.index_cast %scan3A_265 : i32 to index
        %swap3A_1163 = arith.constant 32 : index
        %swap3A_1164 = tpu.vector_load %arg11[%swap3A_1161, %swap3A_1162, %swap3A_1163] {strides = array<i32>} : memref<2x32x128xf32, #tpu.memory_space<vmem>>, vector<16xf32>,
        tpu.vector_store %arg11[%swap3A_1161, %swap3A_1162, %swap3A_1163], %get3A_1159 {strides = array<i32>} : memref<2x32x128xf32, #tpu.memory_space<vmem>>, vector<16xf32>,
        %get3A_1165 = arith.constant 0 : i32
        %get3A_1166 = arith.index_cast %get3A_1165 : i32 to index
        %get3A_1167 = arith.constant 48 : index
        %get3A_1168 = tpu.vector_load %arg12[%get3A_1166, %get3A_1167] {strides = array<i32>} : memref<1x64xf32, #tpu.memory_space<vmem>>, vector<16xf32>,
        %mul3A_1169 = arith.mulf %add3A_1093, %get3A_1168 : vector<16xf32>
        %sub3A_1170 = arith.subf %add3A_1052, %mul3A_1169 : vector<16xf32>
        %mul3A_1171 = arith.mulf %sub3A_1170, %div3A_1099 : vector<16xf32>
        %swap3A_1172 = arith.constant 0 : i32
        %swap3A_1173 = arith.index_cast %swap3A_1172 : i32 to index
        %swap3A_1174 = arith.index_cast %scan3A_265 : i32 to index
        %swap3A_1175 = arith.constant 112 : index
        %swap3A_1176 = tpu.vector_load %arg11[%swap3A_1173, %swap3A_1174, %swap3A_1175] {strides = array<i32>} : memref<2x32x128xf32, #tpu.memory_space<vmem>>, vector<16xf32>,
        tpu.vector_store %arg11[%swap3A_1173, %swap3A_1174, %swap3A_1175], %mul3A_1171 {strides = array<i32>} : memref<2x32x128xf32, #tpu.memory_space<vmem>>, vector<16xf32>,
        %get3A_1177 = arith.constant 0 : i32
        %get3A_1178 = arith.index_cast %get3A_1177 : i32 to index
        %get3A_1179 = arith.index_cast %scan3A_265 : i32 to index
        %get3A_1180 = arith.constant 48 : index
        %get3A_1181 = tpu.vector_load %arg10[%get3A_1178, %get3A_1179, %get3A_1180] {strides = array<i32>} : memref<2x32x64xf32, #tpu.memory_space<vmem>>, vector<16xf32>,
        %swap3A_1182 = arith.constant 0 : i32
        %swap3A_1183 = arith.index_cast %swap3A_1182 : i32 to index
        %swap3A_1184 = arith.index_cast %scan3A_265 : i32 to index
        %swap3A_1185 = arith.constant 48 : index
        %swap3A_1186 = tpu.vector_load %arg11[%swap3A_1183, %swap3A_1184, %swap3A_1185] {strides = array<i32>} : memref<2x32x128xf32, #tpu.memory_space<vmem>>, vector<16xf32>,
        tpu.vector_store %arg11[%swap3A_1183, %swap3A_1184, %swap3A_1185], %get3A_1181 {strides = array<i32>} : memref<2x32x128xf32, #tpu.memory_space<vmem>>, vector<16xf32>,
      }
      %scan3A_208 = arith.constant 32 : i32
      %run_scoped3A_209 = arith.constant 0 : i32
      "tpu.region"() ({
        %run_scoped3A_265 = tpu.sem_alloc : memref<!tpu.dma_semaphore, #tpu.memory_space<semaphore_mem>>
        %dma_start3A_266 = arith.constant 0 : i32
        %dma_start3A_267 = arith.constant 0 : i32
        %dma_start3A_268 = tpu.memref_slice %arg11[%run_scoped3A_209, %dma_start3A_266, %dma_start3A_267] : memref<2x32x128xf32, #tpu.memory_space<vmem>> -> memref<1x32x128xf32, #tpu.memory_space<vmem>>
        %dma_start3A_269 = tpu.memref_squeeze %dma_start3A_268 : memref<1x32x128xf32, #tpu.memory_space<vmem>> -> memref<32x128xf32, #tpu.memory_space<vmem>>
        %dma_start3A_270 = arith.constant 0 : i32
        %dma_start3A_271 = tpu.memref_slice %arg6[%add3A_202, %dma_start3A_270] : memref<16384x128xf32, #tpu.memory_space<hbm>> -> memref<32x128xf32, #tpu.memory_space<hbm>>
        %dma_start3A_272 = arith.constant 0 : i32
        %dma_start3A_273 = tpu.memref_slice %arg6[%add3A_202, %dma_start3A_272] : memref<16384x128xf32, #tpu.memory_space<hbm>> -> memref<32x128xf32, #tpu.memory_space<hbm>>
        %dma_start3A_274 = arith.constant 0 : i32
        %dma_start3A_275 = arith.constant 0 : i32
        %dma_start3A_276 = tpu.memref_slice %arg11[%run_scoped3A_209, %dma_start3A_274, %dma_start3A_275] : memref<2x32x128xf32, #tpu.memory_space<vmem>> -> memref<1x32x128xf32, #tpu.memory_space<vmem>>
        %dma_start3A_277 = tpu.memref_squeeze %dma_start3A_276 : memref<1x32x128xf32, #tpu.memory_space<vmem>> -> memref<32x128xf32, #tpu.memory_space<vmem>>
        tpu.enqueue_dma source(%dma_start3A_277 : memref<32x128xf32, #tpu.memory_space<vmem>>) target(%dma_start3A_273 : memref<32x128xf32, #tpu.memory_space<hbm>>) target_semaphore(%run_scoped3A_265 : memref<!tpu.dma_semaphore, #tpu.memory_space<semaphore_mem>>)
        %dma_wait3A_278 = arith.constant 0 : i32
        %dma_wait3A_279 = arith.constant 0 : i32
        %dma_wait3A_280 = tpu.memref_slice %arg11[%run_scoped3A_209, %dma_wait3A_278, %dma_wait3A_279] : memref<2x32x128xf32, #tpu.memory_space<vmem>> -> memref<1x32x128xf32, #tpu.memory_space<vmem>>
        %dma_wait3A_281 = tpu.memref_squeeze %dma_wait3A_280 : memref<1x32x128xf32, #tpu.memory_space<vmem>> -> memref<32x128xf32, #tpu.memory_space<vmem>>
        %dma_wait3A_282 = arith.constant 0 : i32
        %dma_wait3A_283 = tpu.memref_slice %arg6[%add3A_202, %dma_wait3A_282] : memref<16384x128xf32, #tpu.memory_space<hbm>> -> memref<32x128xf32, #tpu.memory_space<hbm>>
        %dma_wait3A_284 = arith.constant 0 : i32
        %dma_wait3A_285 = tpu.memref_slice %arg6[%add3A_202, %dma_wait3A_284] : memref<16384x128xf32, #tpu.memory_space<hbm>> -> memref<32x128xf32, #tpu.memory_space<hbm>>
        %dma_wait3A_286 = arith.constant 0 : i32
        %dma_wait3A_287 = arith.constant 0 : i32
        %dma_wait3A_288 = tpu.memref_slice %arg11[%run_scoped3A_209, %dma_wait3A_286, %dma_wait3A_287] : memref<2x32x128xf32, #tpu.memory_space<vmem>> -> memref<1x32x128xf32, #tpu.memory_space<vmem>>
        %dma_wait3A_289 = tpu.memref_squeeze %dma_wait3A_288 : memref<1x32x128xf32, #tpu.memory_space<vmem>> -> memref<32x128xf32, #tpu.memory_space<vmem>>
        tpu.wait_dma2 semaphore(%run_scoped3A_265 : memref<!tpu.dma_semaphore, #tpu.memory_space<semaphore_mem>>) src(%dma_wait3A_289 : memref<32x128xf32, #tpu.memory_space<vmem>>) dst(%dma_wait3A_285 : memref<32x128xf32, #tpu.memory_space<hbm>>)
        tpu.yield
      }) : () -> ()
      %add3A_210 = arith.constant 2 : i32
      %add3A_211 = arith.addi %add3A_170, %add3A_210 : i32
      %lt3A = arith.constant 16 : i32
      %lt3A_212 = arith.cmpi slt, %add3A_211, %lt3A : i32
      %convert_element_type3A = arith.extui %lt3A_212 : i1 to i32
      %cond3A = arith.constant 0 : i32
      %cond3A_213 = arith.cmpi ne, %convert_element_type3A, %cond3A : i32
      scf.if %cond3A_213 {
        %add3A_265 = arith.constant 2 : i32
        %add3A_266 = arith.addi %add3A_170, %add3A_265 : i32
        %mul3A_267 = arith.constant 32 : i32
        %mul3A_268 = arith.muli %add3A_266, %mul3A_267 : i32
        %add3A_269 = arith.addi %mul3A_2, %mul3A_268 : i32
        %mul3A_270 = arith.constant 20 : i32
        %mul3A_271 = arith.muli %add3A_269, %mul3A_270 : i32
        %run_scoped3A_272 = arith.constant 0 : i32
        "tpu.region"() ({
          %run_scoped3A_346 = tpu.sem_alloc : memref<!tpu.dma_semaphore, #tpu.memory_space<semaphore_mem>>
          %dma_start3A_347 = arith.constant 0 : i32
          %dma_start3A_348 = tpu.memref_slice %arg7[%run_scoped3A_272, %dma_start3A_347] : memref<2x640xi32, #tpu.memory_space<vmem>> -> memref<1x640xi32, #tpu.memory_space<vmem>>
          %dma_start3A_349 = tpu.memref_squeeze %dma_start3A_348 : memref<1x640xi32, #tpu.memory_space<vmem>> -> memref<640xi32, #tpu.memory_space<vmem>>
          %dma_start3A_350 = tpu.memref_slice %arg3[%mul3A_271] : memref<327680xi32, #tpu.memory_space<hbm>> -> memref<640xi32, #tpu.memory_space<hbm>>
          %dma_start3A_351 = arith.constant 0 : i32
          %dma_start3A_352 = tpu.memref_slice %arg7[%run_scoped3A_272, %dma_start3A_351] : memref<2x640xi32, #tpu.memory_space<vmem>> -> memref<1x640xi32, #tpu.memory_space<vmem>>
          %dma_start3A_353 = tpu.memref_squeeze %dma_start3A_352 : memref<1x640xi32, #tpu.memory_space<vmem>> -> memref<640xi32, #tpu.memory_space<vmem>>
          %dma_start3A_354 = tpu.memref_slice %arg3[%mul3A_271] : memref<327680xi32, #tpu.memory_space<hbm>> -> memref<640xi32, #tpu.memory_space<hbm>>
          tpu.enqueue_dma source(%dma_start3A_354 : memref<640xi32, #tpu.memory_space<hbm>>) target(%dma_start3A_353 : memref<640xi32, #tpu.memory_space<vmem>>) target_semaphore(%run_scoped3A_346 : memref<!tpu.dma_semaphore, #tpu.memory_space<semaphore_mem>>)
          %dma_wait3A_355 = arith.constant 0 : i32
          %dma_wait3A_356 = tpu.memref_slice %arg7[%run_scoped3A_272, %dma_wait3A_355] : memref<2x640xi32, #tpu.memory_space<vmem>> -> memref<1x640xi32, #tpu.memory_space<vmem>>
          %dma_wait3A_357 = tpu.memref_squeeze %dma_wait3A_356 : memref<1x640xi32, #tpu.memory_space<vmem>> -> memref<640xi32, #tpu.memory_space<vmem>>
          %dma_wait3A_358 = tpu.memref_slice %arg3[%mul3A_271] : memref<327680xi32, #tpu.memory_space<hbm>> -> memref<640xi32, #tpu.memory_space<hbm>>
          %dma_wait3A_359 = arith.constant 0 : i32
          %dma_wait3A_360 = tpu.memref_slice %arg7[%run_scoped3A_272, %dma_wait3A_359] : memref<2x640xi32, #tpu.memory_space<vmem>> -> memref<1x640xi32, #tpu.memory_space<vmem>>
          %dma_wait3A_361 = tpu.memref_squeeze %dma_wait3A_360 : memref<1x640xi32, #tpu.memory_space<vmem>> -> memref<640xi32, #tpu.memory_space<vmem>>
          %dma_wait3A_362 = tpu.memref_slice %arg3[%mul3A_271] : memref<327680xi32, #tpu.memory_space<hbm>> -> memref<640xi32, #tpu.memory_space<hbm>>
          tpu.wait_dma2 semaphore(%run_scoped3A_346 : memref<!tpu.dma_semaphore, #tpu.memory_space<semaphore_mem>>) src(%dma_wait3A_362 : memref<640xi32, #tpu.memory_space<hbm>>) dst(%dma_wait3A_361 : memref<640xi32, #tpu.memory_space<vmem>>)
          tpu.yield
        }) : () -> ()
        %run_scoped3A_273 = arith.constant 0 : i32
        "tpu.region"() ({
          %run_scoped3A_346 = tpu.sem_alloc : memref<!tpu.dma_semaphore, #tpu.memory_space<semaphore_mem>>
          %dma_start3A_347 = arith.constant 0 : i32
          %dma_start3A_348 = tpu.memref_slice %arg8[%run_scoped3A_273, %dma_start3A_347] : memref<2x32xi32, #tpu.memory_space<vmem>> -> memref<1x32xi32, #tpu.memory_space<vmem>>
          %dma_start3A_349 = tpu.memref_squeeze %dma_start3A_348 : memref<1x32xi32, #tpu.memory_space<vmem>> -> memref<32xi32, #tpu.memory_space<vmem>>
          %dma_start3A_350 = tpu.memref_slice %arg2[%add3A_269] : memref<16384xi32, #tpu.memory_space<hbm>> -> memref<32xi32, #tpu.memory_space<hbm>>
          %dma_start3A_351 = arith.constant 0 : i32
          %dma_start3A_352 = tpu.memref_slice %arg8[%run_scoped3A_273, %dma_start3A_351] : memref<2x32xi32, #tpu.memory_space<vmem>> -> memref<1x32xi32, #tpu.memory_space<vmem>>
          %dma_start3A_353 = tpu.memref_squeeze %dma_start3A_352 : memref<1x32xi32, #tpu.memory_space<vmem>> -> memref<32xi32, #tpu.memory_space<vmem>>
          %dma_start3A_354 = tpu.memref_slice %arg2[%add3A_269] : memref<16384xi32, #tpu.memory_space<hbm>> -> memref<32xi32, #tpu.memory_space<hbm>>
          tpu.enqueue_dma source(%dma_start3A_354 : memref<32xi32, #tpu.memory_space<hbm>>) target(%dma_start3A_353 : memref<32xi32, #tpu.memory_space<vmem>>) target_semaphore(%run_scoped3A_346 : memref<!tpu.dma_semaphore, #tpu.memory_space<semaphore_mem>>)
          %dma_wait3A_355 = arith.constant 0 : i32
          %dma_wait3A_356 = tpu.memref_slice %arg8[%run_scoped3A_273, %dma_wait3A_355] : memref<2x32xi32, #tpu.memory_space<vmem>> -> memref<1x32xi32, #tpu.memory_space<vmem>>
          %dma_wait3A_357 = tpu.memref_squeeze %dma_wait3A_356 : memref<1x32xi32, #tpu.memory_space<vmem>> -> memref<32xi32, #tpu.memory_space<vmem>>
          %dma_wait3A_358 = tpu.memref_slice %arg2[%add3A_269] : memref<16384xi32, #tpu.memory_space<hbm>> -> memref<32xi32, #tpu.memory_space<hbm>>
          %dma_wait3A_359 = arith.constant 0 : i32
          %dma_wait3A_360 = tpu.memref_slice %arg8[%run_scoped3A_273, %dma_wait3A_359] : memref<2x32xi32, #tpu.memory_space<vmem>> -> memref<1x32xi32, #tpu.memory_space<vmem>>
          %dma_wait3A_361 = tpu.memref_squeeze %dma_wait3A_360 : memref<1x32xi32, #tpu.memory_space<vmem>> -> memref<32xi32, #tpu.memory_space<vmem>>
          %dma_wait3A_362 = tpu.memref_slice %arg2[%add3A_269] : memref<16384xi32, #tpu.memory_space<hbm>> -> memref<32xi32, #tpu.memory_space<hbm>>
          tpu.wait_dma2 semaphore(%run_scoped3A_346 : memref<!tpu.dma_semaphore, #tpu.memory_space<semaphore_mem>>) src(%dma_wait3A_362 : memref<32xi32, #tpu.memory_space<hbm>>) dst(%dma_wait3A_361 : memref<32xi32, #tpu.memory_space<vmem>>)
          tpu.yield
        }) : () -> ()
        %dma_start3A_274 = arith.constant 0 : i32
        %dma_start3A_275 = arith.constant 0 : i32
        %dma_start3A_276 = arith.constant 0 : i32
        %dma_start3A_277 = arith.constant 0 : i32
        %dma_start3A_278 = tpu.memref_slice %arg9[%dma_start3A_275, %dma_start3A_276, %dma_start3A_277] : memref<2x640x64xf32, #tpu.memory_space<vmem>> -> memref<1x128x64xf32, #tpu.memory_space<vmem>>
        %dma_start3A_279 = tpu.memref_squeeze %dma_start3A_278 : memref<1x128x64xf32, #tpu.memory_space<vmem>> -> memref<128x64xf32, #tpu.memory_space<vmem>>
        %dma_start3A_280 = arith.constant 0 : i32
        %dma_start3A_281 = tpu.memref_slice %arg7[%dma_start3A_274, %dma_start3A_280] : memref<2x640xi32, #tpu.memory_space<vmem>> -> memref<1x128xi32, #tpu.memory_space<vmem>>
        %dma_start3A_282 = tpu.memref_squeeze %dma_start3A_281 : memref<1x128xi32, #tpu.memory_space<vmem>> -> memref<128xi32, #tpu.memory_space<vmem>>
        %dma_start3A_283 = arith.constant 0 : i32
        %dma_start3A_284 = arith.constant 0 : i32
        %dma_start3A_285 = tpu.memref_slice %arg5[%dma_start3A_283, %dma_start3A_284] : memref<10000x64xf32, #tpu.memory_space<hbm>> -> memref<10000x64xf32, #tpu.memory_space<hbm>>
        tpu.enqueue_indirect_dma source(%dma_start3A_285 : memref<10000x64xf32, #tpu.memory_space<hbm>>) target(%dma_start3A_279 : memref<128x64xf32, #tpu.memory_space<vmem>>) offsets(%dma_start3A_282 : memref<128xi32, #tpu.memory_space<vmem>>) semaphore(%arg13 : memref<!tpu.dma_semaphore, #tpu.memory_space<semaphore_mem>>)
        %dma_start3A_286 = arith.constant 0 : i32
        %dma_start3A_287 = arith.constant 0 : i32
        %dma_start3A_288 = arith.constant 128 : i32
        %dma_start3A_289 = arith.constant 0 : i32
        %dma_start3A_290 = tpu.memref_slice %arg9[%dma_start3A_287, %dma_start3A_288, %dma_start3A_289] : memref<2x640x64xf32, #tpu.memory_space<vmem>> -> memref<1x128x64xf32, #tpu.memory_space<vmem>>
        %dma_start3A_291 = tpu.memref_squeeze %dma_start3A_290 : memref<1x128x64xf32, #tpu.memory_space<vmem>> -> memref<128x64xf32, #tpu.memory_space<vmem>>
        %dma_start3A_292 = arith.constant 128 : i32
        %dma_start3A_293 = tpu.memref_slice %arg7[%dma_start3A_286, %dma_start3A_292] : memref<2x640xi32, #tpu.memory_space<vmem>> -> memref<1x128xi32, #tpu.memory_space<vmem>>
        %dma_start3A_294 = tpu.memref_squeeze %dma_start3A_293 : memref<1x128xi32, #tpu.memory_space<vmem>> -> memref<128xi32, #tpu.memory_space<vmem>>
        %dma_start3A_295 = arith.constant 0 : i32
        %dma_start3A_296 = arith.constant 0 : i32
        %dma_start3A_297 = tpu.memref_slice %arg5[%dma_start3A_295, %dma_start3A_296] : memref<10000x64xf32, #tpu.memory_space<hbm>> -> memref<10000x64xf32, #tpu.memory_space<hbm>>
        tpu.enqueue_indirect_dma source(%dma_start3A_297 : memref<10000x64xf32, #tpu.memory_space<hbm>>) target(%dma_start3A_291 : memref<128x64xf32, #tpu.memory_space<vmem>>) offsets(%dma_start3A_294 : memref<128xi32, #tpu.memory_space<vmem>>) semaphore(%arg13 : memref<!tpu.dma_semaphore, #tpu.memory_space<semaphore_mem>>)
        %dma_start3A_298 = arith.constant 0 : i32
        %dma_start3A_299 = arith.constant 0 : i32
        %dma_start3A_300 = arith.constant 256 : i32
        %dma_start3A_301 = arith.constant 0 : i32
        %dma_start3A_302 = tpu.memref_slice %arg9[%dma_start3A_299, %dma_start3A_300, %dma_start3A_301] : memref<2x640x64xf32, #tpu.memory_space<vmem>> -> memref<1x128x64xf32, #tpu.memory_space<vmem>>
        %dma_start3A_303 = tpu.memref_squeeze %dma_start3A_302 : memref<1x128x64xf32, #tpu.memory_space<vmem>> -> memref<128x64xf32, #tpu.memory_space<vmem>>
        %dma_start3A_304 = arith.constant 256 : i32
        %dma_start3A_305 = tpu.memref_slice %arg7[%dma_start3A_298, %dma_start3A_304] : memref<2x640xi32, #tpu.memory_space<vmem>> -> memref<1x128xi32, #tpu.memory_space<vmem>>
        %dma_start3A_306 = tpu.memref_squeeze %dma_start3A_305 : memref<1x128xi32, #tpu.memory_space<vmem>> -> memref<128xi32, #tpu.memory_space<vmem>>
        %dma_start3A_307 = arith.constant 0 : i32
        %dma_start3A_308 = arith.constant 0 : i32
        %dma_start3A_309 = tpu.memref_slice %arg5[%dma_start3A_307, %dma_start3A_308] : memref<10000x64xf32, #tpu.memory_space<hbm>> -> memref<10000x64xf32, #tpu.memory_space<hbm>>
        tpu.enqueue_indirect_dma source(%dma_start3A_309 : memref<10000x64xf32, #tpu.memory_space<hbm>>) target(%dma_start3A_303 : memref<128x64xf32, #tpu.memory_space<vmem>>) offsets(%dma_start3A_306 : memref<128xi32, #tpu.memory_space<vmem>>) semaphore(%arg13 : memref<!tpu.dma_semaphore, #tpu.memory_space<semaphore_mem>>)
        %dma_start3A_310 = arith.constant 0 : i32
        %dma_start3A_311 = arith.constant 0 : i32
        %dma_start3A_312 = arith.constant 384 : i32
        %dma_start3A_313 = arith.constant 0 : i32
        %dma_start3A_314 = tpu.memref_slice %arg9[%dma_start3A_311, %dma_start3A_312, %dma_start3A_313] : memref<2x640x64xf32, #tpu.memory_space<vmem>> -> memref<1x128x64xf32, #tpu.memory_space<vmem>>
        %dma_start3A_315 = tpu.memref_squeeze %dma_start3A_314 : memref<1x128x64xf32, #tpu.memory_space<vmem>> -> memref<128x64xf32, #tpu.memory_space<vmem>>
        %dma_start3A_316 = arith.constant 384 : i32
        %dma_start3A_317 = tpu.memref_slice %arg7[%dma_start3A_310, %dma_start3A_316] : memref<2x640xi32, #tpu.memory_space<vmem>> -> memref<1x128xi32, #tpu.memory_space<vmem>>
        %dma_start3A_318 = tpu.memref_squeeze %dma_start3A_317 : memref<1x128xi32, #tpu.memory_space<vmem>> -> memref<128xi32, #tpu.memory_space<vmem>>
        %dma_start3A_319 = arith.constant 0 : i32
        %dma_start3A_320 = arith.constant 0 : i32
        %dma_start3A_321 = tpu.memref_slice %arg5[%dma_start3A_319, %dma_start3A_320] : memref<10000x64xf32, #tpu.memory_space<hbm>> -> memref<10000x64xf32, #tpu.memory_space<hbm>>
        tpu.enqueue_indirect_dma source(%dma_start3A_321 : memref<10000x64xf32, #tpu.memory_space<hbm>>) target(%dma_start3A_315 : memref<128x64xf32, #tpu.memory_space<vmem>>) offsets(%dma_start3A_318 : memref<128xi32, #tpu.memory_space<vmem>>) semaphore(%arg13 : memref<!tpu.dma_semaphore, #tpu.memory_space<semaphore_mem>>)
        %dma_start3A_322 = arith.constant 0 : i32
        %dma_start3A_323 = arith.constant 0 : i32
        %dma_start3A_324 = arith.constant 512 : i32
        %dma_start3A_325 = arith.constant 0 : i32
        %dma_start3A_326 = tpu.memref_slice %arg9[%dma_start3A_323, %dma_start3A_324, %dma_start3A_325] : memref<2x640x64xf32, #tpu.memory_space<vmem>> -> memref<1x128x64xf32, #tpu.memory_space<vmem>>
        %dma_start3A_327 = tpu.memref_squeeze %dma_start3A_326 : memref<1x128x64xf32, #tpu.memory_space<vmem>> -> memref<128x64xf32, #tpu.memory_space<vmem>>
        %dma_start3A_328 = arith.constant 512 : i32
        %dma_start3A_329 = tpu.memref_slice %arg7[%dma_start3A_322, %dma_start3A_328] : memref<2x640xi32, #tpu.memory_space<vmem>> -> memref<1x128xi32, #tpu.memory_space<vmem>>
        %dma_start3A_330 = tpu.memref_squeeze %dma_start3A_329 : memref<1x128xi32, #tpu.memory_space<vmem>> -> memref<128xi32, #tpu.memory_space<vmem>>
        %dma_start3A_331 = arith.constant 0 : i32
        %dma_start3A_332 = arith.constant 0 : i32
        %dma_start3A_333 = tpu.memref_slice %arg5[%dma_start3A_331, %dma_start3A_332] : memref<10000x64xf32, #tpu.memory_space<hbm>> -> memref<10000x64xf32, #tpu.memory_space<hbm>>
        tpu.enqueue_indirect_dma source(%dma_start3A_333 : memref<10000x64xf32, #tpu.memory_space<hbm>>) target(%dma_start3A_327 : memref<128x64xf32, #tpu.memory_space<vmem>>) offsets(%dma_start3A_330 : memref<128xi32, #tpu.memory_space<vmem>>) semaphore(%arg13 : memref<!tpu.dma_semaphore, #tpu.memory_space<semaphore_mem>>)
        %dma_start3A_334 = arith.constant 0 : i32
        %dma_start3A_335 = arith.constant 0 : i32
        %dma_start3A_336 = arith.constant 0 : i32
        %dma_start3A_337 = arith.constant 0 : i32
        %dma_start3A_338 = tpu.memref_slice %arg10[%dma_start3A_335, %dma_start3A_336, %dma_start3A_337] : memref<2x32x64xf32, #tpu.memory_space<vmem>> -> memref<1x32x64xf32, #tpu.memory_space<vmem>>
        %dma_start3A_339 = tpu.memref_squeeze %dma_start3A_338 : memref<1x32x64xf32, #tpu.memory_space<vmem>> -> memref<32x64xf32, #tpu.memory_space<vmem>>
        %dma_start3A_340 = arith.constant 0 : i32
        %dma_start3A_341 = tpu.memref_slice %arg8[%dma_start3A_334, %dma_start3A_340] : memref<2x32xi32, #tpu.memory_space<vmem>> -> memref<1x32xi32, #tpu.memory_space<vmem>>
        %dma_start3A_342 = tpu.memref_squeeze %dma_start3A_341 : memref<1x32xi32, #tpu.memory_space<vmem>> -> memref<32xi32, #tpu.memory_space<vmem>>
        %dma_start3A_343 = arith.constant 0 : i32
        %dma_start3A_344 = arith.constant 0 : i32
        %dma_start3A_345 = tpu.memref_slice %arg4[%dma_start3A_343, %dma_start3A_344] : memref<100001x64xf32, #tpu.memory_space<hbm>> -> memref<100001x64xf32, #tpu.memory_space<hbm>>
        tpu.enqueue_indirect_dma source(%dma_start3A_345 : memref<100001x64xf32, #tpu.memory_space<hbm>>) target(%dma_start3A_339 : memref<32x64xf32, #tpu.memory_space<vmem>>) offsets(%dma_start3A_342 : memref<32xi32, #tpu.memory_space<vmem>>) semaphore(%arg15 : memref<!tpu.dma_semaphore, #tpu.memory_space<semaphore_mem>>)
      } else {
      }
      %mul3A_214 = arith.constant 2 : i32
      %mul3A_215 = arith.muli %scan3A_166, %mul3A_214 : i32
      %add3A_216 = arith.constant 1 : i32
      %add3A_217 = arith.addi %mul3A_215, %add3A_216 : i32
      %dma_wait3A_218 = arith.constant 1 : i32
      %dma_wait3A_219 = arith.constant 0 : i32
      %dma_wait3A_220 = arith.constant 0 : i32
      %dma_wait3A_221 = tpu.memref_slice %arg9[%dma_wait3A_218, %dma_wait3A_219, %dma_wait3A_220] : memref<2x640x64xf32, #tpu.memory_space<vmem>> -> memref<1x640x64xf32, #tpu.memory_space<vmem>>
      %dma_wait3A_222 = tpu.memref_squeeze %dma_wait3A_221 : memref<1x640x64xf32, #tpu.memory_space<vmem>> -> memref<640x64xf32, #tpu.memory_space<vmem>>
      %dma_wait3A_223 = arith.constant 0 : i32
      %dma_wait3A_224 = arith.constant 0 : i32
      %dma_wait3A_225 = tpu.memref_slice %arg5[%dma_wait3A_223, %dma_wait3A_224] : memref<10000x64xf32, #tpu.memory_space<hbm>> -> memref<640x64xf32, #tpu.memory_space<hbm>>
      %dma_wait3A_226 = arith.constant 0 : i32
      %dma_wait3A_227 = arith.constant 0 : i32
      %dma_wait3A_228 = tpu.memref_slice %arg9[%dma_wait3A_218, %dma_wait3A_226, %dma_wait3A_227] : memref<2x640x64xf32, #tpu.memory_space<vmem>> -> memref<1x640x64xf32, #tpu.memory_space<vmem>>
      %dma_wait3A_229 = tpu.memref_squeeze %dma_wait3A_228 : memref<1x640x64xf32, #tpu.memory_space<vmem>> -> memref<640x64xf32, #tpu.memory_space<vmem>>
      %dma_wait3A_230 = arith.constant 0 : i32
      %dma_wait3A_231 = arith.constant 0 : i32
      %dma_wait3A_232 = tpu.memref_slice %arg5[%dma_wait3A_230, %dma_wait3A_231] : memref<10000x64xf32, #tpu.memory_space<hbm>> -> memref<640x64xf32, #tpu.memory_space<hbm>>
      tpu.wait_dma2 semaphore(%arg14 : memref<!tpu.dma_semaphore, #tpu.memory_space<semaphore_mem>>) src(%dma_wait3A_232 : memref<640x64xf32, #tpu.memory_space<hbm>>) dst(%dma_wait3A_229 : memref<640x64xf32, #tpu.memory_space<vmem>>)
      %dma_wait3A_233 = arith.constant 1 : i32
      %dma_wait3A_234 = arith.constant 0 : i32
      %dma_wait3A_235 = arith.constant 0 : i32
      %dma_wait3A_236 = tpu.memref_slice %arg10[%dma_wait3A_233, %dma_wait3A_234, %dma_wait3A_235] : memref<2x32x64xf32, #tpu.memory_space<vmem>> -> memref<1x32x64xf32, #tpu.memory_space<vmem>>
      %dma_wait3A_237 = tpu.memref_squeeze %dma_wait3A_236 : memref<1x32x64xf32, #tpu.memory_space<vmem>> -> memref<32x64xf32, #tpu.memory_space<vmem>>
      %dma_wait3A_238 = arith.constant 0 : i32
      %dma_wait3A_239 = arith.constant 0 : i32
      %dma_wait3A_240 = tpu.memref_slice %arg4[%dma_wait3A_238, %dma_wait3A_239] : memref<100001x64xf32, #tpu.memory_space<hbm>> -> memref<32x64xf32, #tpu.memory_space<hbm>>
      %dma_wait3A_241 = arith.constant 0 : i32
      %dma_wait3A_242 = arith.constant 0 : i32
      %dma_wait3A_243 = tpu.memref_slice %arg10[%dma_wait3A_233, %dma_wait3A_241, %dma_wait3A_242] : memref<2x32x64xf32, #tpu.memory_space<vmem>> -> memref<1x32x64xf32, #tpu.memory_space<vmem>>
      %dma_wait3A_244 = tpu.memref_squeeze %dma_wait3A_243 : memref<1x32x64xf32, #tpu.memory_space<vmem>> -> memref<32x64xf32, #tpu.memory_space<vmem>>
      %dma_wait3A_245 = arith.constant 0 : i32
      %dma_wait3A_246 = arith.constant 0 : i32
      %dma_wait3A_247 = tpu.memref_slice %arg4[%dma_wait3A_245, %dma_wait3A_246] : memref<100001x64xf32, #tpu.memory_space<hbm>> -> memref<32x64xf32, #tpu.memory_space<hbm>>
      tpu.wait_dma2 semaphore(%arg16 : memref<!tpu.dma_semaphore, #tpu.memory_space<semaphore_mem>>) src(%dma_wait3A_247 : memref<32x64xf32, #tpu.memory_space<hbm>>) dst(%dma_wait3A_244 : memref<32x64xf32, #tpu.memory_space<vmem>>)
      %mul3A_248 = arith.constant 32 : i32
      %mul3A_249 = arith.muli %add3A_217, %mul3A_248 : i32
      %add3A_250 = arith.addi %mul3A_2, %mul3A_249 : i32
      %scan3A_251 = arith.constant 0 : i32
      %scan3A_252 = arith.constant 0 : i32
      %scan3A_253 = arith.constant 32 : i32
      %scan3A_254 = arith.addi %scan3A_252, %scan3A_253 : i32
      %scan3A_255 = arith.constant 1 : i32
      scf.for %scan3A_265 = %scan3A_252 to %scan3A_254 step %scan3A_255  : i32 {
        %mul3A_266 = arith.constant 20 : i32
        %mul3A_267 = arith.muli %scan3A_265, %mul3A_266 : i32
        %get3A = arith.constant 1 : i32
        %get3A_268 = arith.index_cast %get3A : i32 to index
        %get3A_269 = arith.index_cast %mul3A_267 : i32 to index
        %get3A_270 = arith.constant 0 : index
        %get3A_271 = tpu.vector_load %arg9[%get3A_268, %get3A_269, %get3A_270] {strides = array<i32>} : memref<2x640x64xf32, #tpu.memory_space<vmem>>, vector<16xf32>,
        %mul3A_272 = arith.constant 20 : i32
        %mul3A_273 = arith.muli %scan3A_265, %mul3A_272 : i32
        %get3A_274 = arith.constant 1 : i32
        %get3A_275 = arith.index_cast %get3A_274 : i32 to index
        %get3A_276 = arith.index_cast %mul3A_273 : i32 to index
        %get3A_277 = arith.constant 16 : index
        %get3A_278 = tpu.vector_load %arg9[%get3A_275, %get3A_276, %get3A_277] {strides = array<i32>} : memref<2x640x64xf32, #tpu.memory_space<vmem>>, vector<16xf32>,
        %mul3A_279 = arith.constant 20 : i32
        %mul3A_280 = arith.muli %scan3A_265, %mul3A_279 : i32
        %get3A_281 = arith.constant 1 : i32
        %get3A_282 = arith.index_cast %get3A_281 : i32 to index
        %get3A_283 = arith.index_cast %mul3A_280 : i32 to index
        %get3A_284 = arith.constant 32 : index
        %get3A_285 = tpu.vector_load %arg9[%get3A_282, %get3A_283, %get3A_284] {strides = array<i32>} : memref<2x640x64xf32, #tpu.memory_space<vmem>>, vector<16xf32>,
        %mul3A_286 = arith.constant 20 : i32
        %mul3A_287 = arith.muli %scan3A_265, %mul3A_286 : i32
        %get3A_288 = arith.constant 1 : i32
        %get3A_289 = arith.index_cast %get3A_288 : i32 to index
        %get3A_290 = arith.index_cast %mul3A_287 : i32 to index
        %get3A_291 = arith.constant 48 : index
        %get3A_292 = tpu.vector_load %arg9[%get3A_289, %get3A_290, %get3A_291] {strides = array<i32>} : memref<2x640x64xf32, #tpu.memory_space<vmem>>, vector<16xf32>,
        %mul3A_293 = arith.constant 20 : i32
        %mul3A_294 = arith.muli %scan3A_265, %mul3A_293 : i32
        %add3A_295 = arith.constant 1 : i32
        %add3A_296 = arith.addi %mul3A_294, %add3A_295 : i32
        %get3A_297 = arith.constant 1 : i32
        %get3A_298 = arith.index_cast %get3A_297 : i32 to index
        %get3A_299 = arith.index_cast %add3A_296 : i32 to index
        %get3A_300 = arith.constant 0 : index
        %get3A_301 = tpu.vector_load %arg9[%get3A_298, %get3A_299, %get3A_300] {strides = array<i32>} : memref<2x640x64xf32, #tpu.memory_space<vmem>>, vector<16xf32>,
        %add3A_302 = arith.addf %get3A_271, %get3A_301 : vector<16xf32>
        %mul3A_303 = arith.constant 20 : i32
        %mul3A_304 = arith.muli %scan3A_265, %mul3A_303 : i32
        %add3A_305 = arith.constant 1 : i32
        %add3A_306 = arith.addi %mul3A_304, %add3A_305 : i32
        %get3A_307 = arith.constant 1 : i32
        %get3A_308 = arith.index_cast %get3A_307 : i32 to index
        %get3A_309 = arith.index_cast %add3A_306 : i32 to index
        %get3A_310 = arith.constant 16 : index
        %get3A_311 = tpu.vector_load %arg9[%get3A_308, %get3A_309, %get3A_310] {strides = array<i32>} : memref<2x640x64xf32, #tpu.memory_space<vmem>>, vector<16xf32>,
        %add3A_312 = arith.addf %get3A_278, %get3A_311 : vector<16xf32>
        %mul3A_313 = arith.constant 20 : i32
        %mul3A_314 = arith.muli %scan3A_265, %mul3A_313 : i32
        %add3A_315 = arith.constant 1 : i32
        %add3A_316 = arith.addi %mul3A_314, %add3A_315 : i32
        %get3A_317 = arith.constant 1 : i32
        %get3A_318 = arith.index_cast %get3A_317 : i32 to index
        %get3A_319 = arith.index_cast %add3A_316 : i32 to index
        %get3A_320 = arith.constant 32 : index
        %get3A_321 = tpu.vector_load %arg9[%get3A_318, %get3A_319, %get3A_320] {strides = array<i32>} : memref<2x640x64xf32, #tpu.memory_space<vmem>>, vector<16xf32>,
        %add3A_322 = arith.addf %get3A_285, %get3A_321 : vector<16xf32>
        %mul3A_323 = arith.constant 20 : i32
        %mul3A_324 = arith.muli %scan3A_265, %mul3A_323 : i32
        %add3A_325 = arith.constant 1 : i32
        %add3A_326 = arith.addi %mul3A_324, %add3A_325 : i32
        %get3A_327 = arith.constant 1 : i32
        %get3A_328 = arith.index_cast %get3A_327 : i32 to index
        %get3A_329 = arith.index_cast %add3A_326 : i32 to index
        %get3A_330 = arith.constant 48 : index
        %get3A_331 = tpu.vector_load %arg9[%get3A_328, %get3A_329, %get3A_330] {strides = array<i32>} : memref<2x640x64xf32, #tpu.memory_space<vmem>>, vector<16xf32>,
        %add3A_332 = arith.addf %get3A_292, %get3A_331 : vector<16xf32>
        %mul3A_333 = arith.constant 20 : i32
        %mul3A_334 = arith.muli %scan3A_265, %mul3A_333 : i32
        %add3A_335 = arith.constant 2 : i32
        %add3A_336 = arith.addi %mul3A_334, %add3A_335 : i32
        %get3A_337 = arith.constant 1 : i32
        %get3A_338 = arith.index_cast %get3A_337 : i32 to index
        %get3A_339 = arith.index_cast %add3A_336 : i32 to index
        %get3A_340 = arith.constant 0 : index
        %get3A_341 = tpu.vector_load %arg9[%get3A_338, %get3A_339, %get3A_340] {strides = array<i32>} : memref<2x640x64xf32, #tpu.memory_space<vmem>>, vector<16xf32>,
        %add3A_342 = arith.addf %add3A_302, %get3A_341 : vector<16xf32>
        %mul3A_343 = arith.constant 20 : i32
        %mul3A_344 = arith.muli %scan3A_265, %mul3A_343 : i32
        %add3A_345 = arith.constant 2 : i32
        %add3A_346 = arith.addi %mul3A_344, %add3A_345 : i32
        %get3A_347 = arith.constant 1 : i32
        %get3A_348 = arith.index_cast %get3A_347 : i32 to index
        %get3A_349 = arith.index_cast %add3A_346 : i32 to index
        %get3A_350 = arith.constant 16 : index
        %get3A_351 = tpu.vector_load %arg9[%get3A_348, %get3A_349, %get3A_350] {strides = array<i32>} : memref<2x640x64xf32, #tpu.memory_space<vmem>>, vector<16xf32>,
        %add3A_352 = arith.addf %add3A_312, %get3A_351 : vector<16xf32>
        %mul3A_353 = arith.constant 20 : i32
        %mul3A_354 = arith.muli %scan3A_265, %mul3A_353 : i32
        %add3A_355 = arith.constant 2 : i32
        %add3A_356 = arith.addi %mul3A_354, %add3A_355 : i32
        %get3A_357 = arith.constant 1 : i32
        %get3A_358 = arith.index_cast %get3A_357 : i32 to index
        %get3A_359 = arith.index_cast %add3A_356 : i32 to index
        %get3A_360 = arith.constant 32 : index
        %get3A_361 = tpu.vector_load %arg9[%get3A_358, %get3A_359, %get3A_360] {strides = array<i32>} : memref<2x640x64xf32, #tpu.memory_space<vmem>>, vector<16xf32>,
        %add3A_362 = arith.addf %add3A_322, %get3A_361 : vector<16xf32>
        %mul3A_363 = arith.constant 20 : i32
        %mul3A_364 = arith.muli %scan3A_265, %mul3A_363 : i32
        %add3A_365 = arith.constant 2 : i32
        %add3A_366 = arith.addi %mul3A_364, %add3A_365 : i32
        %get3A_367 = arith.constant 1 : i32
        %get3A_368 = arith.index_cast %get3A_367 : i32 to index
        %get3A_369 = arith.index_cast %add3A_366 : i32 to index
        %get3A_370 = arith.constant 48 : index
        %get3A_371 = tpu.vector_load %arg9[%get3A_368, %get3A_369, %get3A_370] {strides = array<i32>} : memref<2x640x64xf32, #tpu.memory_space<vmem>>, vector<16xf32>,
        %add3A_372 = arith.addf %add3A_332, %get3A_371 : vector<16xf32>
        %mul3A_373 = arith.constant 20 : i32
        %mul3A_374 = arith.muli %scan3A_265, %mul3A_373 : i32
        %add3A_375 = arith.constant 3 : i32
        %add3A_376 = arith.addi %mul3A_374, %add3A_375 : i32
        %get3A_377 = arith.constant 1 : i32
        %get3A_378 = arith.index_cast %get3A_377 : i32 to index
        %get3A_379 = arith.index_cast %add3A_376 : i32 to index
        %get3A_380 = arith.constant 0 : index
        %get3A_381 = tpu.vector_load %arg9[%get3A_378, %get3A_379, %get3A_380] {strides = array<i32>} : memref<2x640x64xf32, #tpu.memory_space<vmem>>, vector<16xf32>,
        %add3A_382 = arith.addf %add3A_342, %get3A_381 : vector<16xf32>
        %mul3A_383 = arith.constant 20 : i32
        %mul3A_384 = arith.muli %scan3A_265, %mul3A_383 : i32
        %add3A_385 = arith.constant 3 : i32
        %add3A_386 = arith.addi %mul3A_384, %add3A_385 : i32
        %get3A_387 = arith.constant 1 : i32
        %get3A_388 = arith.index_cast %get3A_387 : i32 to index
        %get3A_389 = arith.index_cast %add3A_386 : i32 to index
        %get3A_390 = arith.constant 16 : index
        %get3A_391 = tpu.vector_load %arg9[%get3A_388, %get3A_389, %get3A_390] {strides = array<i32>} : memref<2x640x64xf32, #tpu.memory_space<vmem>>, vector<16xf32>,
        %add3A_392 = arith.addf %add3A_352, %get3A_391 : vector<16xf32>
        %mul3A_393 = arith.constant 20 : i32
        %mul3A_394 = arith.muli %scan3A_265, %mul3A_393 : i32
        %add3A_395 = arith.constant 3 : i32
        %add3A_396 = arith.addi %mul3A_394, %add3A_395 : i32
        %get3A_397 = arith.constant 1 : i32
        %get3A_398 = arith.index_cast %get3A_397 : i32 to index
        %get3A_399 = arith.index_cast %add3A_396 : i32 to index
        %get3A_400 = arith.constant 32 : index
        %get3A_401 = tpu.vector_load %arg9[%get3A_398, %get3A_399, %get3A_400] {strides = array<i32>} : memref<2x640x64xf32, #tpu.memory_space<vmem>>, vector<16xf32>,
        %add3A_402 = arith.addf %add3A_362, %get3A_401 : vector<16xf32>
        %mul3A_403 = arith.constant 20 : i32
        %mul3A_404 = arith.muli %scan3A_265, %mul3A_403 : i32
        %add3A_405 = arith.constant 3 : i32
        %add3A_406 = arith.addi %mul3A_404, %add3A_405 : i32
        %get3A_407 = arith.constant 1 : i32
        %get3A_408 = arith.index_cast %get3A_407 : i32 to index
        %get3A_409 = arith.index_cast %add3A_406 : i32 to index
        %get3A_410 = arith.constant 48 : index
        %get3A_411 = tpu.vector_load %arg9[%get3A_408, %get3A_409, %get3A_410] {strides = array<i32>} : memref<2x640x64xf32, #tpu.memory_space<vmem>>, vector<16xf32>,
        %add3A_412 = arith.addf %add3A_372, %get3A_411 : vector<16xf32>
        %mul3A_413 = arith.constant 20 : i32
        %mul3A_414 = arith.muli %scan3A_265, %mul3A_413 : i32
        %add3A_415 = arith.constant 4 : i32
        %add3A_416 = arith.addi %mul3A_414, %add3A_415 : i32
        %get3A_417 = arith.constant 1 : i32
        %get3A_418 = arith.index_cast %get3A_417 : i32 to index
        %get3A_419 = arith.index_cast %add3A_416 : i32 to index
        %get3A_420 = arith.constant 0 : index
        %get3A_421 = tpu.vector_load %arg9[%get3A_418, %get3A_419, %get3A_420] {strides = array<i32>} : memref<2x640x64xf32, #tpu.memory_space<vmem>>, vector<16xf32>,
        %add3A_422 = arith.addf %add3A_382, %get3A_421 : vector<16xf32>
        %mul3A_423 = arith.constant 20 : i32
        %mul3A_424 = arith.muli %scan3A_265, %mul3A_423 : i32
        %add3A_425 = arith.constant 4 : i32
        %add3A_426 = arith.addi %mul3A_424, %add3A_425 : i32
        %get3A_427 = arith.constant 1 : i32
        %get3A_428 = arith.index_cast %get3A_427 : i32 to index
        %get3A_429 = arith.index_cast %add3A_426 : i32 to index
        %get3A_430 = arith.constant 16 : index
        %get3A_431 = tpu.vector_load %arg9[%get3A_428, %get3A_429, %get3A_430] {strides = array<i32>} : memref<2x640x64xf32, #tpu.memory_space<vmem>>, vector<16xf32>,
        %add3A_432 = arith.addf %add3A_392, %get3A_431 : vector<16xf32>
        %mul3A_433 = arith.constant 20 : i32
        %mul3A_434 = arith.muli %scan3A_265, %mul3A_433 : i32
        %add3A_435 = arith.constant 4 : i32
        %add3A_436 = arith.addi %mul3A_434, %add3A_435 : i32
        %get3A_437 = arith.constant 1 : i32
        %get3A_438 = arith.index_cast %get3A_437 : i32 to index
        %get3A_439 = arith.index_cast %add3A_436 : i32 to index
        %get3A_440 = arith.constant 32 : index
        %get3A_441 = tpu.vector_load %arg9[%get3A_438, %get3A_439, %get3A_440] {strides = array<i32>} : memref<2x640x64xf32, #tpu.memory_space<vmem>>, vector<16xf32>,
        %add3A_442 = arith.addf %add3A_402, %get3A_441 : vector<16xf32>
        %mul3A_443 = arith.constant 20 : i32
        %mul3A_444 = arith.muli %scan3A_265, %mul3A_443 : i32
        %add3A_445 = arith.constant 4 : i32
        %add3A_446 = arith.addi %mul3A_444, %add3A_445 : i32
        %get3A_447 = arith.constant 1 : i32
        %get3A_448 = arith.index_cast %get3A_447 : i32 to index
        %get3A_449 = arith.index_cast %add3A_446 : i32 to index
        %get3A_450 = arith.constant 48 : index
        %get3A_451 = tpu.vector_load %arg9[%get3A_448, %get3A_449, %get3A_450] {strides = array<i32>} : memref<2x640x64xf32, #tpu.memory_space<vmem>>, vector<16xf32>,
        %add3A_452 = arith.addf %add3A_412, %get3A_451 : vector<16xf32>
        %mul3A_453 = arith.constant 20 : i32
        %mul3A_454 = arith.muli %scan3A_265, %mul3A_453 : i32
        %add3A_455 = arith.constant 5 : i32
        %add3A_456 = arith.addi %mul3A_454, %add3A_455 : i32
        %get3A_457 = arith.constant 1 : i32
        %get3A_458 = arith.index_cast %get3A_457 : i32 to index
        %get3A_459 = arith.index_cast %add3A_456 : i32 to index
        %get3A_460 = arith.constant 0 : index
        %get3A_461 = tpu.vector_load %arg9[%get3A_458, %get3A_459, %get3A_460] {strides = array<i32>} : memref<2x640x64xf32, #tpu.memory_space<vmem>>, vector<16xf32>,
        %add3A_462 = arith.addf %add3A_422, %get3A_461 : vector<16xf32>
        %mul3A_463 = arith.constant 20 : i32
        %mul3A_464 = arith.muli %scan3A_265, %mul3A_463 : i32
        %add3A_465 = arith.constant 5 : i32
        %add3A_466 = arith.addi %mul3A_464, %add3A_465 : i32
        %get3A_467 = arith.constant 1 : i32
        %get3A_468 = arith.index_cast %get3A_467 : i32 to index
        %get3A_469 = arith.index_cast %add3A_466 : i32 to index
        %get3A_470 = arith.constant 16 : index
        %get3A_471 = tpu.vector_load %arg9[%get3A_468, %get3A_469, %get3A_470] {strides = array<i32>} : memref<2x640x64xf32, #tpu.memory_space<vmem>>, vector<16xf32>,
        %add3A_472 = arith.addf %add3A_432, %get3A_471 : vector<16xf32>
        %mul3A_473 = arith.constant 20 : i32
        %mul3A_474 = arith.muli %scan3A_265, %mul3A_473 : i32
        %add3A_475 = arith.constant 5 : i32
        %add3A_476 = arith.addi %mul3A_474, %add3A_475 : i32
        %get3A_477 = arith.constant 1 : i32
        %get3A_478 = arith.index_cast %get3A_477 : i32 to index
        %get3A_479 = arith.index_cast %add3A_476 : i32 to index
        %get3A_480 = arith.constant 32 : index
        %get3A_481 = tpu.vector_load %arg9[%get3A_478, %get3A_479, %get3A_480] {strides = array<i32>} : memref<2x640x64xf32, #tpu.memory_space<vmem>>, vector<16xf32>,
        %add3A_482 = arith.addf %add3A_442, %get3A_481 : vector<16xf32>
        %mul3A_483 = arith.constant 20 : i32
        %mul3A_484 = arith.muli %scan3A_265, %mul3A_483 : i32
        %add3A_485 = arith.constant 5 : i32
        %add3A_486 = arith.addi %mul3A_484, %add3A_485 : i32
        %get3A_487 = arith.constant 1 : i32
        %get3A_488 = arith.index_cast %get3A_487 : i32 to index
        %get3A_489 = arith.index_cast %add3A_486 : i32 to index
        %get3A_490 = arith.constant 48 : index
        %get3A_491 = tpu.vector_load %arg9[%get3A_488, %get3A_489, %get3A_490] {strides = array<i32>} : memref<2x640x64xf32, #tpu.memory_space<vmem>>, vector<16xf32>,
        %add3A_492 = arith.addf %add3A_452, %get3A_491 : vector<16xf32>
        %mul3A_493 = arith.constant 20 : i32
        %mul3A_494 = arith.muli %scan3A_265, %mul3A_493 : i32
        %add3A_495 = arith.constant 6 : i32
        %add3A_496 = arith.addi %mul3A_494, %add3A_495 : i32
        %get3A_497 = arith.constant 1 : i32
        %get3A_498 = arith.index_cast %get3A_497 : i32 to index
        %get3A_499 = arith.index_cast %add3A_496 : i32 to index
        %get3A_500 = arith.constant 0 : index
        %get3A_501 = tpu.vector_load %arg9[%get3A_498, %get3A_499, %get3A_500] {strides = array<i32>} : memref<2x640x64xf32, #tpu.memory_space<vmem>>, vector<16xf32>,
        %add3A_502 = arith.addf %add3A_462, %get3A_501 : vector<16xf32>
        %mul3A_503 = arith.constant 20 : i32
        %mul3A_504 = arith.muli %scan3A_265, %mul3A_503 : i32
        %add3A_505 = arith.constant 6 : i32
        %add3A_506 = arith.addi %mul3A_504, %add3A_505 : i32
        %get3A_507 = arith.constant 1 : i32
        %get3A_508 = arith.index_cast %get3A_507 : i32 to index
        %get3A_509 = arith.index_cast %add3A_506 : i32 to index
        %get3A_510 = arith.constant 16 : index
        %get3A_511 = tpu.vector_load %arg9[%get3A_508, %get3A_509, %get3A_510] {strides = array<i32>} : memref<2x640x64xf32, #tpu.memory_space<vmem>>, vector<16xf32>,
        %add3A_512 = arith.addf %add3A_472, %get3A_511 : vector<16xf32>
        %mul3A_513 = arith.constant 20 : i32
        %mul3A_514 = arith.muli %scan3A_265, %mul3A_513 : i32
        %add3A_515 = arith.constant 6 : i32
        %add3A_516 = arith.addi %mul3A_514, %add3A_515 : i32
        %get3A_517 = arith.constant 1 : i32
        %get3A_518 = arith.index_cast %get3A_517 : i32 to index
        %get3A_519 = arith.index_cast %add3A_516 : i32 to index
        %get3A_520 = arith.constant 32 : index
        %get3A_521 = tpu.vector_load %arg9[%get3A_518, %get3A_519, %get3A_520] {strides = array<i32>} : memref<2x640x64xf32, #tpu.memory_space<vmem>>, vector<16xf32>,
        %add3A_522 = arith.addf %add3A_482, %get3A_521 : vector<16xf32>
        %mul3A_523 = arith.constant 20 : i32
        %mul3A_524 = arith.muli %scan3A_265, %mul3A_523 : i32
        %add3A_525 = arith.constant 6 : i32
        %add3A_526 = arith.addi %mul3A_524, %add3A_525 : i32
        %get3A_527 = arith.constant 1 : i32
        %get3A_528 = arith.index_cast %get3A_527 : i32 to index
        %get3A_529 = arith.index_cast %add3A_526 : i32 to index
        %get3A_530 = arith.constant 48 : index
        %get3A_531 = tpu.vector_load %arg9[%get3A_528, %get3A_529, %get3A_530] {strides = array<i32>} : memref<2x640x64xf32, #tpu.memory_space<vmem>>, vector<16xf32>,
        %add3A_532 = arith.addf %add3A_492, %get3A_531 : vector<16xf32>
        %mul3A_533 = arith.constant 20 : i32
        %mul3A_534 = arith.muli %scan3A_265, %mul3A_533 : i32
        %add3A_535 = arith.constant 7 : i32
        %add3A_536 = arith.addi %mul3A_534, %add3A_535 : i32
        %get3A_537 = arith.constant 1 : i32
        %get3A_538 = arith.index_cast %get3A_537 : i32 to index
        %get3A_539 = arith.index_cast %add3A_536 : i32 to index
        %get3A_540 = arith.constant 0 : index
        %get3A_541 = tpu.vector_load %arg9[%get3A_538, %get3A_539, %get3A_540] {strides = array<i32>} : memref<2x640x64xf32, #tpu.memory_space<vmem>>, vector<16xf32>,
        %add3A_542 = arith.addf %add3A_502, %get3A_541 : vector<16xf32>
        %mul3A_543 = arith.constant 20 : i32
        %mul3A_544 = arith.muli %scan3A_265, %mul3A_543 : i32
        %add3A_545 = arith.constant 7 : i32
        %add3A_546 = arith.addi %mul3A_544, %add3A_545 : i32
        %get3A_547 = arith.constant 1 : i32
        %get3A_548 = arith.index_cast %get3A_547 : i32 to index
        %get3A_549 = arith.index_cast %add3A_546 : i32 to index
        %get3A_550 = arith.constant 16 : index
        %get3A_551 = tpu.vector_load %arg9[%get3A_548, %get3A_549, %get3A_550] {strides = array<i32>} : memref<2x640x64xf32, #tpu.memory_space<vmem>>, vector<16xf32>,
        %add3A_552 = arith.addf %add3A_512, %get3A_551 : vector<16xf32>
        %mul3A_553 = arith.constant 20 : i32
        %mul3A_554 = arith.muli %scan3A_265, %mul3A_553 : i32
        %add3A_555 = arith.constant 7 : i32
        %add3A_556 = arith.addi %mul3A_554, %add3A_555 : i32
        %get3A_557 = arith.constant 1 : i32
        %get3A_558 = arith.index_cast %get3A_557 : i32 to index
        %get3A_559 = arith.index_cast %add3A_556 : i32 to index
        %get3A_560 = arith.constant 32 : index
        %get3A_561 = tpu.vector_load %arg9[%get3A_558, %get3A_559, %get3A_560] {strides = array<i32>} : memref<2x640x64xf32, #tpu.memory_space<vmem>>, vector<16xf32>,
        %add3A_562 = arith.addf %add3A_522, %get3A_561 : vector<16xf32>
        %mul3A_563 = arith.constant 20 : i32
        %mul3A_564 = arith.muli %scan3A_265, %mul3A_563 : i32
        %add3A_565 = arith.constant 7 : i32
        %add3A_566 = arith.addi %mul3A_564, %add3A_565 : i32
        %get3A_567 = arith.constant 1 : i32
        %get3A_568 = arith.index_cast %get3A_567 : i32 to index
        %get3A_569 = arith.index_cast %add3A_566 : i32 to index
        %get3A_570 = arith.constant 48 : index
        %get3A_571 = tpu.vector_load %arg9[%get3A_568, %get3A_569, %get3A_570] {strides = array<i32>} : memref<2x640x64xf32, #tpu.memory_space<vmem>>, vector<16xf32>,
        %add3A_572 = arith.addf %add3A_532, %get3A_571 : vector<16xf32>
        %mul3A_573 = arith.constant 20 : i32
        %mul3A_574 = arith.muli %scan3A_265, %mul3A_573 : i32
        %add3A_575 = arith.constant 8 : i32
        %add3A_576 = arith.addi %mul3A_574, %add3A_575 : i32
        %get3A_577 = arith.constant 1 : i32
        %get3A_578 = arith.index_cast %get3A_577 : i32 to index
        %get3A_579 = arith.index_cast %add3A_576 : i32 to index
        %get3A_580 = arith.constant 0 : index
        %get3A_581 = tpu.vector_load %arg9[%get3A_578, %get3A_579, %get3A_580] {strides = array<i32>} : memref<2x640x64xf32, #tpu.memory_space<vmem>>, vector<16xf32>,
        %add3A_582 = arith.addf %add3A_542, %get3A_581 : vector<16xf32>
        %mul3A_583 = arith.constant 20 : i32
        %mul3A_584 = arith.muli %scan3A_265, %mul3A_583 : i32
        %add3A_585 = arith.constant 8 : i32
        %add3A_586 = arith.addi %mul3A_584, %add3A_585 : i32
        %get3A_587 = arith.constant 1 : i32
        %get3A_588 = arith.index_cast %get3A_587 : i32 to index
        %get3A_589 = arith.index_cast %add3A_586 : i32 to index
        %get3A_590 = arith.constant 16 : index
        %get3A_591 = tpu.vector_load %arg9[%get3A_588, %get3A_589, %get3A_590] {strides = array<i32>} : memref<2x640x64xf32, #tpu.memory_space<vmem>>, vector<16xf32>,
        %add3A_592 = arith.addf %add3A_552, %get3A_591 : vector<16xf32>
        %mul3A_593 = arith.constant 20 : i32
        %mul3A_594 = arith.muli %scan3A_265, %mul3A_593 : i32
        %add3A_595 = arith.constant 8 : i32
        %add3A_596 = arith.addi %mul3A_594, %add3A_595 : i32
        %get3A_597 = arith.constant 1 : i32
        %get3A_598 = arith.index_cast %get3A_597 : i32 to index
        %get3A_599 = arith.index_cast %add3A_596 : i32 to index
        %get3A_600 = arith.constant 32 : index
        %get3A_601 = tpu.vector_load %arg9[%get3A_598, %get3A_599, %get3A_600] {strides = array<i32>} : memref<2x640x64xf32, #tpu.memory_space<vmem>>, vector<16xf32>,
        %add3A_602 = arith.addf %add3A_562, %get3A_601 : vector<16xf32>
        %mul3A_603 = arith.constant 20 : i32
        %mul3A_604 = arith.muli %scan3A_265, %mul3A_603 : i32
        %add3A_605 = arith.constant 8 : i32
        %add3A_606 = arith.addi %mul3A_604, %add3A_605 : i32
        %get3A_607 = arith.constant 1 : i32
        %get3A_608 = arith.index_cast %get3A_607 : i32 to index
        %get3A_609 = arith.index_cast %add3A_606 : i32 to index
        %get3A_610 = arith.constant 48 : index
        %get3A_611 = tpu.vector_load %arg9[%get3A_608, %get3A_609, %get3A_610] {strides = array<i32>} : memref<2x640x64xf32, #tpu.memory_space<vmem>>, vector<16xf32>,
        %add3A_612 = arith.addf %add3A_572, %get3A_611 : vector<16xf32>
        %mul3A_613 = arith.constant 20 : i32
        %mul3A_614 = arith.muli %scan3A_265, %mul3A_613 : i32
        %add3A_615 = arith.constant 9 : i32
        %add3A_616 = arith.addi %mul3A_614, %add3A_615 : i32
        %get3A_617 = arith.constant 1 : i32
        %get3A_618 = arith.index_cast %get3A_617 : i32 to index
        %get3A_619 = arith.index_cast %add3A_616 : i32 to index
        %get3A_620 = arith.constant 0 : index
        %get3A_621 = tpu.vector_load %arg9[%get3A_618, %get3A_619, %get3A_620] {strides = array<i32>} : memref<2x640x64xf32, #tpu.memory_space<vmem>>, vector<16xf32>,
        %add3A_622 = arith.addf %add3A_582, %get3A_621 : vector<16xf32>
        %mul3A_623 = arith.constant 20 : i32
        %mul3A_624 = arith.muli %scan3A_265, %mul3A_623 : i32
        %add3A_625 = arith.constant 9 : i32
        %add3A_626 = arith.addi %mul3A_624, %add3A_625 : i32
        %get3A_627 = arith.constant 1 : i32
        %get3A_628 = arith.index_cast %get3A_627 : i32 to index
        %get3A_629 = arith.index_cast %add3A_626 : i32 to index
        %get3A_630 = arith.constant 16 : index
        %get3A_631 = tpu.vector_load %arg9[%get3A_628, %get3A_629, %get3A_630] {strides = array<i32>} : memref<2x640x64xf32, #tpu.memory_space<vmem>>, vector<16xf32>,
        %add3A_632 = arith.addf %add3A_592, %get3A_631 : vector<16xf32>
        %mul3A_633 = arith.constant 20 : i32
        %mul3A_634 = arith.muli %scan3A_265, %mul3A_633 : i32
        %add3A_635 = arith.constant 9 : i32
        %add3A_636 = arith.addi %mul3A_634, %add3A_635 : i32
        %get3A_637 = arith.constant 1 : i32
        %get3A_638 = arith.index_cast %get3A_637 : i32 to index
        %get3A_639 = arith.index_cast %add3A_636 : i32 to index
        %get3A_640 = arith.constant 32 : index
        %get3A_641 = tpu.vector_load %arg9[%get3A_638, %get3A_639, %get3A_640] {strides = array<i32>} : memref<2x640x64xf32, #tpu.memory_space<vmem>>, vector<16xf32>,
        %add3A_642 = arith.addf %add3A_602, %get3A_641 : vector<16xf32>
        %mul3A_643 = arith.constant 20 : i32
        %mul3A_644 = arith.muli %scan3A_265, %mul3A_643 : i32
        %add3A_645 = arith.constant 9 : i32
        %add3A_646 = arith.addi %mul3A_644, %add3A_645 : i32
        %get3A_647 = arith.constant 1 : i32
        %get3A_648 = arith.index_cast %get3A_647 : i32 to index
        %get3A_649 = arith.index_cast %add3A_646 : i32 to index
        %get3A_650 = arith.constant 48 : index
        %get3A_651 = tpu.vector_load %arg9[%get3A_648, %get3A_649, %get3A_650] {strides = array<i32>} : memref<2x640x64xf32, #tpu.memory_space<vmem>>, vector<16xf32>,
        %add3A_652 = arith.addf %add3A_612, %get3A_651 : vector<16xf32>
        %mul3A_653 = arith.constant 20 : i32
        %mul3A_654 = arith.muli %scan3A_265, %mul3A_653 : i32
        %add3A_655 = arith.constant 10 : i32
        %add3A_656 = arith.addi %mul3A_654, %add3A_655 : i32
        %get3A_657 = arith.constant 1 : i32
        %get3A_658 = arith.index_cast %get3A_657 : i32 to index
        %get3A_659 = arith.index_cast %add3A_656 : i32 to index
        %get3A_660 = arith.constant 0 : index
        %get3A_661 = tpu.vector_load %arg9[%get3A_658, %get3A_659, %get3A_660] {strides = array<i32>} : memref<2x640x64xf32, #tpu.memory_space<vmem>>, vector<16xf32>,
        %add3A_662 = arith.addf %add3A_622, %get3A_661 : vector<16xf32>
        %mul3A_663 = arith.constant 20 : i32
        %mul3A_664 = arith.muli %scan3A_265, %mul3A_663 : i32
        %add3A_665 = arith.constant 10 : i32
        %add3A_666 = arith.addi %mul3A_664, %add3A_665 : i32
        %get3A_667 = arith.constant 1 : i32
        %get3A_668 = arith.index_cast %get3A_667 : i32 to index
        %get3A_669 = arith.index_cast %add3A_666 : i32 to index
        %get3A_670 = arith.constant 16 : index
        %get3A_671 = tpu.vector_load %arg9[%get3A_668, %get3A_669, %get3A_670] {strides = array<i32>} : memref<2x640x64xf32, #tpu.memory_space<vmem>>, vector<16xf32>,
        %add3A_672 = arith.addf %add3A_632, %get3A_671 : vector<16xf32>
        %mul3A_673 = arith.constant 20 : i32
        %mul3A_674 = arith.muli %scan3A_265, %mul3A_673 : i32
        %add3A_675 = arith.constant 10 : i32
        %add3A_676 = arith.addi %mul3A_674, %add3A_675 : i32
        %get3A_677 = arith.constant 1 : i32
        %get3A_678 = arith.index_cast %get3A_677 : i32 to index
        %get3A_679 = arith.index_cast %add3A_676 : i32 to index
        %get3A_680 = arith.constant 32 : index
        %get3A_681 = tpu.vector_load %arg9[%get3A_678, %get3A_679, %get3A_680] {strides = array<i32>} : memref<2x640x64xf32, #tpu.memory_space<vmem>>, vector<16xf32>,
        %add3A_682 = arith.addf %add3A_642, %get3A_681 : vector<16xf32>
        %mul3A_683 = arith.constant 20 : i32
        %mul3A_684 = arith.muli %scan3A_265, %mul3A_683 : i32
        %add3A_685 = arith.constant 10 : i32
        %add3A_686 = arith.addi %mul3A_684, %add3A_685 : i32
        %get3A_687 = arith.constant 1 : i32
        %get3A_688 = arith.index_cast %get3A_687 : i32 to index
        %get3A_689 = arith.index_cast %add3A_686 : i32 to index
        %get3A_690 = arith.constant 48 : index
        %get3A_691 = tpu.vector_load %arg9[%get3A_688, %get3A_689, %get3A_690] {strides = array<i32>} : memref<2x640x64xf32, #tpu.memory_space<vmem>>, vector<16xf32>,
        %add3A_692 = arith.addf %add3A_652, %get3A_691 : vector<16xf32>
        %mul3A_693 = arith.constant 20 : i32
        %mul3A_694 = arith.muli %scan3A_265, %mul3A_693 : i32
        %add3A_695 = arith.constant 11 : i32
        %add3A_696 = arith.addi %mul3A_694, %add3A_695 : i32
        %get3A_697 = arith.constant 1 : i32
        %get3A_698 = arith.index_cast %get3A_697 : i32 to index
        %get3A_699 = arith.index_cast %add3A_696 : i32 to index
        %get3A_700 = arith.constant 0 : index
        %get3A_701 = tpu.vector_load %arg9[%get3A_698, %get3A_699, %get3A_700] {strides = array<i32>} : memref<2x640x64xf32, #tpu.memory_space<vmem>>, vector<16xf32>,
        %add3A_702 = arith.addf %add3A_662, %get3A_701 : vector<16xf32>
        %mul3A_703 = arith.constant 20 : i32
        %mul3A_704 = arith.muli %scan3A_265, %mul3A_703 : i32
        %add3A_705 = arith.constant 11 : i32
        %add3A_706 = arith.addi %mul3A_704, %add3A_705 : i32
        %get3A_707 = arith.constant 1 : i32
        %get3A_708 = arith.index_cast %get3A_707 : i32 to index
        %get3A_709 = arith.index_cast %add3A_706 : i32 to index
        %get3A_710 = arith.constant 16 : index
        %get3A_711 = tpu.vector_load %arg9[%get3A_708, %get3A_709, %get3A_710] {strides = array<i32>} : memref<2x640x64xf32, #tpu.memory_space<vmem>>, vector<16xf32>,
        %add3A_712 = arith.addf %add3A_672, %get3A_711 : vector<16xf32>
        %mul3A_713 = arith.constant 20 : i32
        %mul3A_714 = arith.muli %scan3A_265, %mul3A_713 : i32
        %add3A_715 = arith.constant 11 : i32
        %add3A_716 = arith.addi %mul3A_714, %add3A_715 : i32
        %get3A_717 = arith.constant 1 : i32
        %get3A_718 = arith.index_cast %get3A_717 : i32 to index
        %get3A_719 = arith.index_cast %add3A_716 : i32 to index
        %get3A_720 = arith.constant 32 : index
        %get3A_721 = tpu.vector_load %arg9[%get3A_718, %get3A_719, %get3A_720] {strides = array<i32>} : memref<2x640x64xf32, #tpu.memory_space<vmem>>, vector<16xf32>,
        %add3A_722 = arith.addf %add3A_682, %get3A_721 : vector<16xf32>
        %mul3A_723 = arith.constant 20 : i32
        %mul3A_724 = arith.muli %scan3A_265, %mul3A_723 : i32
        %add3A_725 = arith.constant 11 : i32
        %add3A_726 = arith.addi %mul3A_724, %add3A_725 : i32
        %get3A_727 = arith.constant 1 : i32
        %get3A_728 = arith.index_cast %get3A_727 : i32 to index
        %get3A_729 = arith.index_cast %add3A_726 : i32 to index
        %get3A_730 = arith.constant 48 : index
        %get3A_731 = tpu.vector_load %arg9[%get3A_728, %get3A_729, %get3A_730] {strides = array<i32>} : memref<2x640x64xf32, #tpu.memory_space<vmem>>, vector<16xf32>,
        %add3A_732 = arith.addf %add3A_692, %get3A_731 : vector<16xf32>
        %mul3A_733 = arith.constant 20 : i32
        %mul3A_734 = arith.muli %scan3A_265, %mul3A_733 : i32
        %add3A_735 = arith.constant 12 : i32
        %add3A_736 = arith.addi %mul3A_734, %add3A_735 : i32
        %get3A_737 = arith.constant 1 : i32
        %get3A_738 = arith.index_cast %get3A_737 : i32 to index
        %get3A_739 = arith.index_cast %add3A_736 : i32 to index
        %get3A_740 = arith.constant 0 : index
        %get3A_741 = tpu.vector_load %arg9[%get3A_738, %get3A_739, %get3A_740] {strides = array<i32>} : memref<2x640x64xf32, #tpu.memory_space<vmem>>, vector<16xf32>,
        %add3A_742 = arith.addf %add3A_702, %get3A_741 : vector<16xf32>
        %mul3A_743 = arith.constant 20 : i32
        %mul3A_744 = arith.muli %scan3A_265, %mul3A_743 : i32
        %add3A_745 = arith.constant 12 : i32
        %add3A_746 = arith.addi %mul3A_744, %add3A_745 : i32
        %get3A_747 = arith.constant 1 : i32
        %get3A_748 = arith.index_cast %get3A_747 : i32 to index
        %get3A_749 = arith.index_cast %add3A_746 : i32 to index
        %get3A_750 = arith.constant 16 : index
        %get3A_751 = tpu.vector_load %arg9[%get3A_748, %get3A_749, %get3A_750] {strides = array<i32>} : memref<2x640x64xf32, #tpu.memory_space<vmem>>, vector<16xf32>,
        %add3A_752 = arith.addf %add3A_712, %get3A_751 : vector<16xf32>
        %mul3A_753 = arith.constant 20 : i32
        %mul3A_754 = arith.muli %scan3A_265, %mul3A_753 : i32
        %add3A_755 = arith.constant 12 : i32
        %add3A_756 = arith.addi %mul3A_754, %add3A_755 : i32
        %get3A_757 = arith.constant 1 : i32
        %get3A_758 = arith.index_cast %get3A_757 : i32 to index
        %get3A_759 = arith.index_cast %add3A_756 : i32 to index
        %get3A_760 = arith.constant 32 : index
        %get3A_761 = tpu.vector_load %arg9[%get3A_758, %get3A_759, %get3A_760] {strides = array<i32>} : memref<2x640x64xf32, #tpu.memory_space<vmem>>, vector<16xf32>,
        %add3A_762 = arith.addf %add3A_722, %get3A_761 : vector<16xf32>
        %mul3A_763 = arith.constant 20 : i32
        %mul3A_764 = arith.muli %scan3A_265, %mul3A_763 : i32
        %add3A_765 = arith.constant 12 : i32
        %add3A_766 = arith.addi %mul3A_764, %add3A_765 : i32
        %get3A_767 = arith.constant 1 : i32
        %get3A_768 = arith.index_cast %get3A_767 : i32 to index
        %get3A_769 = arith.index_cast %add3A_766 : i32 to index
        %get3A_770 = arith.constant 48 : index
        %get3A_771 = tpu.vector_load %arg9[%get3A_768, %get3A_769, %get3A_770] {strides = array<i32>} : memref<2x640x64xf32, #tpu.memory_space<vmem>>, vector<16xf32>,
        %add3A_772 = arith.addf %add3A_732, %get3A_771 : vector<16xf32>
        %mul3A_773 = arith.constant 20 : i32
        %mul3A_774 = arith.muli %scan3A_265, %mul3A_773 : i32
        %add3A_775 = arith.constant 13 : i32
        %add3A_776 = arith.addi %mul3A_774, %add3A_775 : i32
        %get3A_777 = arith.constant 1 : i32
        %get3A_778 = arith.index_cast %get3A_777 : i32 to index
        %get3A_779 = arith.index_cast %add3A_776 : i32 to index
        %get3A_780 = arith.constant 0 : index
        %get3A_781 = tpu.vector_load %arg9[%get3A_778, %get3A_779, %get3A_780] {strides = array<i32>} : memref<2x640x64xf32, #tpu.memory_space<vmem>>, vector<16xf32>,
        %add3A_782 = arith.addf %add3A_742, %get3A_781 : vector<16xf32>
        %mul3A_783 = arith.constant 20 : i32
        %mul3A_784 = arith.muli %scan3A_265, %mul3A_783 : i32
        %add3A_785 = arith.constant 13 : i32
        %add3A_786 = arith.addi %mul3A_784, %add3A_785 : i32
        %get3A_787 = arith.constant 1 : i32
        %get3A_788 = arith.index_cast %get3A_787 : i32 to index
        %get3A_789 = arith.index_cast %add3A_786 : i32 to index
        %get3A_790 = arith.constant 16 : index
        %get3A_791 = tpu.vector_load %arg9[%get3A_788, %get3A_789, %get3A_790] {strides = array<i32>} : memref<2x640x64xf32, #tpu.memory_space<vmem>>, vector<16xf32>,
        %add3A_792 = arith.addf %add3A_752, %get3A_791 : vector<16xf32>
        %mul3A_793 = arith.constant 20 : i32
        %mul3A_794 = arith.muli %scan3A_265, %mul3A_793 : i32
        %add3A_795 = arith.constant 13 : i32
        %add3A_796 = arith.addi %mul3A_794, %add3A_795 : i32
        %get3A_797 = arith.constant 1 : i32
        %get3A_798 = arith.index_cast %get3A_797 : i32 to index
        %get3A_799 = arith.index_cast %add3A_796 : i32 to index
        %get3A_800 = arith.constant 32 : index
        %get3A_801 = tpu.vector_load %arg9[%get3A_798, %get3A_799, %get3A_800] {strides = array<i32>} : memref<2x640x64xf32, #tpu.memory_space<vmem>>, vector<16xf32>,
        %add3A_802 = arith.addf %add3A_762, %get3A_801 : vector<16xf32>
        %mul3A_803 = arith.constant 20 : i32
        %mul3A_804 = arith.muli %scan3A_265, %mul3A_803 : i32
        %add3A_805 = arith.constant 13 : i32
        %add3A_806 = arith.addi %mul3A_804, %add3A_805 : i32
        %get3A_807 = arith.constant 1 : i32
        %get3A_808 = arith.index_cast %get3A_807 : i32 to index
        %get3A_809 = arith.index_cast %add3A_806 : i32 to index
        %get3A_810 = arith.constant 48 : index
        %get3A_811 = tpu.vector_load %arg9[%get3A_808, %get3A_809, %get3A_810] {strides = array<i32>} : memref<2x640x64xf32, #tpu.memory_space<vmem>>, vector<16xf32>,
        %add3A_812 = arith.addf %add3A_772, %get3A_811 : vector<16xf32>
        %mul3A_813 = arith.constant 20 : i32
        %mul3A_814 = arith.muli %scan3A_265, %mul3A_813 : i32
        %add3A_815 = arith.constant 14 : i32
        %add3A_816 = arith.addi %mul3A_814, %add3A_815 : i32
        %get3A_817 = arith.constant 1 : i32
        %get3A_818 = arith.index_cast %get3A_817 : i32 to index
        %get3A_819 = arith.index_cast %add3A_816 : i32 to index
        %get3A_820 = arith.constant 0 : index
        %get3A_821 = tpu.vector_load %arg9[%get3A_818, %get3A_819, %get3A_820] {strides = array<i32>} : memref<2x640x64xf32, #tpu.memory_space<vmem>>, vector<16xf32>,
        %add3A_822 = arith.addf %add3A_782, %get3A_821 : vector<16xf32>
        %mul3A_823 = arith.constant 20 : i32
        %mul3A_824 = arith.muli %scan3A_265, %mul3A_823 : i32
        %add3A_825 = arith.constant 14 : i32
        %add3A_826 = arith.addi %mul3A_824, %add3A_825 : i32
        %get3A_827 = arith.constant 1 : i32
        %get3A_828 = arith.index_cast %get3A_827 : i32 to index
        %get3A_829 = arith.index_cast %add3A_826 : i32 to index
        %get3A_830 = arith.constant 16 : index
        %get3A_831 = tpu.vector_load %arg9[%get3A_828, %get3A_829, %get3A_830] {strides = array<i32>} : memref<2x640x64xf32, #tpu.memory_space<vmem>>, vector<16xf32>,
        %add3A_832 = arith.addf %add3A_792, %get3A_831 : vector<16xf32>
        %mul3A_833 = arith.constant 20 : i32
        %mul3A_834 = arith.muli %scan3A_265, %mul3A_833 : i32
        %add3A_835 = arith.constant 14 : i32
        %add3A_836 = arith.addi %mul3A_834, %add3A_835 : i32
        %get3A_837 = arith.constant 1 : i32
        %get3A_838 = arith.index_cast %get3A_837 : i32 to index
        %get3A_839 = arith.index_cast %add3A_836 : i32 to index
        %get3A_840 = arith.constant 32 : index
        %get3A_841 = tpu.vector_load %arg9[%get3A_838, %get3A_839, %get3A_840] {strides = array<i32>} : memref<2x640x64xf32, #tpu.memory_space<vmem>>, vector<16xf32>,
        %add3A_842 = arith.addf %add3A_802, %get3A_841 : vector<16xf32>
        %mul3A_843 = arith.constant 20 : i32
        %mul3A_844 = arith.muli %scan3A_265, %mul3A_843 : i32
        %add3A_845 = arith.constant 14 : i32
        %add3A_846 = arith.addi %mul3A_844, %add3A_845 : i32
        %get3A_847 = arith.constant 1 : i32
        %get3A_848 = arith.index_cast %get3A_847 : i32 to index
        %get3A_849 = arith.index_cast %add3A_846 : i32 to index
        %get3A_850 = arith.constant 48 : index
        %get3A_851 = tpu.vector_load %arg9[%get3A_848, %get3A_849, %get3A_850] {strides = array<i32>} : memref<2x640x64xf32, #tpu.memory_space<vmem>>, vector<16xf32>,
        %add3A_852 = arith.addf %add3A_812, %get3A_851 : vector<16xf32>
        %mul3A_853 = arith.constant 20 : i32
        %mul3A_854 = arith.muli %scan3A_265, %mul3A_853 : i32
        %add3A_855 = arith.constant 15 : i32
        %add3A_856 = arith.addi %mul3A_854, %add3A_855 : i32
        %get3A_857 = arith.constant 1 : i32
        %get3A_858 = arith.index_cast %get3A_857 : i32 to index
        %get3A_859 = arith.index_cast %add3A_856 : i32 to index
        %get3A_860 = arith.constant 0 : index
        %get3A_861 = tpu.vector_load %arg9[%get3A_858, %get3A_859, %get3A_860] {strides = array<i32>} : memref<2x640x64xf32, #tpu.memory_space<vmem>>, vector<16xf32>,
        %add3A_862 = arith.addf %add3A_822, %get3A_861 : vector<16xf32>
        %mul3A_863 = arith.constant 20 : i32
        %mul3A_864 = arith.muli %scan3A_265, %mul3A_863 : i32
        %add3A_865 = arith.constant 15 : i32
        %add3A_866 = arith.addi %mul3A_864, %add3A_865 : i32
        %get3A_867 = arith.constant 1 : i32
        %get3A_868 = arith.index_cast %get3A_867 : i32 to index
        %get3A_869 = arith.index_cast %add3A_866 : i32 to index
        %get3A_870 = arith.constant 16 : index
        %get3A_871 = tpu.vector_load %arg9[%get3A_868, %get3A_869, %get3A_870] {strides = array<i32>} : memref<2x640x64xf32, #tpu.memory_space<vmem>>, vector<16xf32>,
        %add3A_872 = arith.addf %add3A_832, %get3A_871 : vector<16xf32>
        %mul3A_873 = arith.constant 20 : i32
        %mul3A_874 = arith.muli %scan3A_265, %mul3A_873 : i32
        %add3A_875 = arith.constant 15 : i32
        %add3A_876 = arith.addi %mul3A_874, %add3A_875 : i32
        %get3A_877 = arith.constant 1 : i32
        %get3A_878 = arith.index_cast %get3A_877 : i32 to index
        %get3A_879 = arith.index_cast %add3A_876 : i32 to index
        %get3A_880 = arith.constant 32 : index
        %get3A_881 = tpu.vector_load %arg9[%get3A_878, %get3A_879, %get3A_880] {strides = array<i32>} : memref<2x640x64xf32, #tpu.memory_space<vmem>>, vector<16xf32>,
        %add3A_882 = arith.addf %add3A_842, %get3A_881 : vector<16xf32>
        %mul3A_883 = arith.constant 20 : i32
        %mul3A_884 = arith.muli %scan3A_265, %mul3A_883 : i32
        %add3A_885 = arith.constant 15 : i32
        %add3A_886 = arith.addi %mul3A_884, %add3A_885 : i32
        %get3A_887 = arith.constant 1 : i32
        %get3A_888 = arith.index_cast %get3A_887 : i32 to index
        %get3A_889 = arith.index_cast %add3A_886 : i32 to index
        %get3A_890 = arith.constant 48 : index
        %get3A_891 = tpu.vector_load %arg9[%get3A_888, %get3A_889, %get3A_890] {strides = array<i32>} : memref<2x640x64xf32, #tpu.memory_space<vmem>>, vector<16xf32>,
        %add3A_892 = arith.addf %add3A_852, %get3A_891 : vector<16xf32>
        %mul3A_893 = arith.constant 20 : i32
        %mul3A_894 = arith.muli %scan3A_265, %mul3A_893 : i32
        %add3A_895 = arith.constant 16 : i32
        %add3A_896 = arith.addi %mul3A_894, %add3A_895 : i32
        %get3A_897 = arith.constant 1 : i32
        %get3A_898 = arith.index_cast %get3A_897 : i32 to index
        %get3A_899 = arith.index_cast %add3A_896 : i32 to index
        %get3A_900 = arith.constant 0 : index
        %get3A_901 = tpu.vector_load %arg9[%get3A_898, %get3A_899, %get3A_900] {strides = array<i32>} : memref<2x640x64xf32, #tpu.memory_space<vmem>>, vector<16xf32>,
        %add3A_902 = arith.addf %add3A_862, %get3A_901 : vector<16xf32>
        %mul3A_903 = arith.constant 20 : i32
        %mul3A_904 = arith.muli %scan3A_265, %mul3A_903 : i32
        %add3A_905 = arith.constant 16 : i32
        %add3A_906 = arith.addi %mul3A_904, %add3A_905 : i32
        %get3A_907 = arith.constant 1 : i32
        %get3A_908 = arith.index_cast %get3A_907 : i32 to index
        %get3A_909 = arith.index_cast %add3A_906 : i32 to index
        %get3A_910 = arith.constant 16 : index
        %get3A_911 = tpu.vector_load %arg9[%get3A_908, %get3A_909, %get3A_910] {strides = array<i32>} : memref<2x640x64xf32, #tpu.memory_space<vmem>>, vector<16xf32>,
        %add3A_912 = arith.addf %add3A_872, %get3A_911 : vector<16xf32>
        %mul3A_913 = arith.constant 20 : i32
        %mul3A_914 = arith.muli %scan3A_265, %mul3A_913 : i32
        %add3A_915 = arith.constant 16 : i32
        %add3A_916 = arith.addi %mul3A_914, %add3A_915 : i32
        %get3A_917 = arith.constant 1 : i32
        %get3A_918 = arith.index_cast %get3A_917 : i32 to index
        %get3A_919 = arith.index_cast %add3A_916 : i32 to index
        %get3A_920 = arith.constant 32 : index
        %get3A_921 = tpu.vector_load %arg9[%get3A_918, %get3A_919, %get3A_920] {strides = array<i32>} : memref<2x640x64xf32, #tpu.memory_space<vmem>>, vector<16xf32>,
        %add3A_922 = arith.addf %add3A_882, %get3A_921 : vector<16xf32>
        %mul3A_923 = arith.constant 20 : i32
        %mul3A_924 = arith.muli %scan3A_265, %mul3A_923 : i32
        %add3A_925 = arith.constant 16 : i32
        %add3A_926 = arith.addi %mul3A_924, %add3A_925 : i32
        %get3A_927 = arith.constant 1 : i32
        %get3A_928 = arith.index_cast %get3A_927 : i32 to index
        %get3A_929 = arith.index_cast %add3A_926 : i32 to index
        %get3A_930 = arith.constant 48 : index
        %get3A_931 = tpu.vector_load %arg9[%get3A_928, %get3A_929, %get3A_930] {strides = array<i32>} : memref<2x640x64xf32, #tpu.memory_space<vmem>>, vector<16xf32>,
        %add3A_932 = arith.addf %add3A_892, %get3A_931 : vector<16xf32>
        %mul3A_933 = arith.constant 20 : i32
        %mul3A_934 = arith.muli %scan3A_265, %mul3A_933 : i32
        %add3A_935 = arith.constant 17 : i32
        %add3A_936 = arith.addi %mul3A_934, %add3A_935 : i32
        %get3A_937 = arith.constant 1 : i32
        %get3A_938 = arith.index_cast %get3A_937 : i32 to index
        %get3A_939 = arith.index_cast %add3A_936 : i32 to index
        %get3A_940 = arith.constant 0 : index
        %get3A_941 = tpu.vector_load %arg9[%get3A_938, %get3A_939, %get3A_940] {strides = array<i32>} : memref<2x640x64xf32, #tpu.memory_space<vmem>>, vector<16xf32>,
        %add3A_942 = arith.addf %add3A_902, %get3A_941 : vector<16xf32>
        %mul3A_943 = arith.constant 20 : i32
        %mul3A_944 = arith.muli %scan3A_265, %mul3A_943 : i32
        %add3A_945 = arith.constant 17 : i32
        %add3A_946 = arith.addi %mul3A_944, %add3A_945 : i32
        %get3A_947 = arith.constant 1 : i32
        %get3A_948 = arith.index_cast %get3A_947 : i32 to index
        %get3A_949 = arith.index_cast %add3A_946 : i32 to index
        %get3A_950 = arith.constant 16 : index
        %get3A_951 = tpu.vector_load %arg9[%get3A_948, %get3A_949, %get3A_950] {strides = array<i32>} : memref<2x640x64xf32, #tpu.memory_space<vmem>>, vector<16xf32>,
        %add3A_952 = arith.addf %add3A_912, %get3A_951 : vector<16xf32>
        %mul3A_953 = arith.constant 20 : i32
        %mul3A_954 = arith.muli %scan3A_265, %mul3A_953 : i32
        %add3A_955 = arith.constant 17 : i32
        %add3A_956 = arith.addi %mul3A_954, %add3A_955 : i32
        %get3A_957 = arith.constant 1 : i32
        %get3A_958 = arith.index_cast %get3A_957 : i32 to index
        %get3A_959 = arith.index_cast %add3A_956 : i32 to index
        %get3A_960 = arith.constant 32 : index
        %get3A_961 = tpu.vector_load %arg9[%get3A_958, %get3A_959, %get3A_960] {strides = array<i32>} : memref<2x640x64xf32, #tpu.memory_space<vmem>>, vector<16xf32>,
        %add3A_962 = arith.addf %add3A_922, %get3A_961 : vector<16xf32>
        %mul3A_963 = arith.constant 20 : i32
        %mul3A_964 = arith.muli %scan3A_265, %mul3A_963 : i32
        %add3A_965 = arith.constant 17 : i32
        %add3A_966 = arith.addi %mul3A_964, %add3A_965 : i32
        %get3A_967 = arith.constant 1 : i32
        %get3A_968 = arith.index_cast %get3A_967 : i32 to index
        %get3A_969 = arith.index_cast %add3A_966 : i32 to index
        %get3A_970 = arith.constant 48 : index
        %get3A_971 = tpu.vector_load %arg9[%get3A_968, %get3A_969, %get3A_970] {strides = array<i32>} : memref<2x640x64xf32, #tpu.memory_space<vmem>>, vector<16xf32>,
        %add3A_972 = arith.addf %add3A_932, %get3A_971 : vector<16xf32>
        %mul3A_973 = arith.constant 20 : i32
        %mul3A_974 = arith.muli %scan3A_265, %mul3A_973 : i32
        %add3A_975 = arith.constant 18 : i32
        %add3A_976 = arith.addi %mul3A_974, %add3A_975 : i32
        %get3A_977 = arith.constant 1 : i32
        %get3A_978 = arith.index_cast %get3A_977 : i32 to index
        %get3A_979 = arith.index_cast %add3A_976 : i32 to index
        %get3A_980 = arith.constant 0 : index
        %get3A_981 = tpu.vector_load %arg9[%get3A_978, %get3A_979, %get3A_980] {strides = array<i32>} : memref<2x640x64xf32, #tpu.memory_space<vmem>>, vector<16xf32>,
        %add3A_982 = arith.addf %add3A_942, %get3A_981 : vector<16xf32>
        %mul3A_983 = arith.constant 20 : i32
        %mul3A_984 = arith.muli %scan3A_265, %mul3A_983 : i32
        %add3A_985 = arith.constant 18 : i32
        %add3A_986 = arith.addi %mul3A_984, %add3A_985 : i32
        %get3A_987 = arith.constant 1 : i32
        %get3A_988 = arith.index_cast %get3A_987 : i32 to index
        %get3A_989 = arith.index_cast %add3A_986 : i32 to index
        %get3A_990 = arith.constant 16 : index
        %get3A_991 = tpu.vector_load %arg9[%get3A_988, %get3A_989, %get3A_990] {strides = array<i32>} : memref<2x640x64xf32, #tpu.memory_space<vmem>>, vector<16xf32>,
        %add3A_992 = arith.addf %add3A_952, %get3A_991 : vector<16xf32>
        %mul3A_993 = arith.constant 20 : i32
        %mul3A_994 = arith.muli %scan3A_265, %mul3A_993 : i32
        %add3A_995 = arith.constant 18 : i32
        %add3A_996 = arith.addi %mul3A_994, %add3A_995 : i32
        %get3A_997 = arith.constant 1 : i32
        %get3A_998 = arith.index_cast %get3A_997 : i32 to index
        %get3A_999 = arith.index_cast %add3A_996 : i32 to index
        %get3A_1000 = arith.constant 32 : index
        %get3A_1001 = tpu.vector_load %arg9[%get3A_998, %get3A_999, %get3A_1000] {strides = array<i32>} : memref<2x640x64xf32, #tpu.memory_space<vmem>>, vector<16xf32>,
        %add3A_1002 = arith.addf %add3A_962, %get3A_1001 : vector<16xf32>
        %mul3A_1003 = arith.constant 20 : i32
        %mul3A_1004 = arith.muli %scan3A_265, %mul3A_1003 : i32
        %add3A_1005 = arith.constant 18 : i32
        %add3A_1006 = arith.addi %mul3A_1004, %add3A_1005 : i32
        %get3A_1007 = arith.constant 1 : i32
        %get3A_1008 = arith.index_cast %get3A_1007 : i32 to index
        %get3A_1009 = arith.index_cast %add3A_1006 : i32 to index
        %get3A_1010 = arith.constant 48 : index
        %get3A_1011 = tpu.vector_load %arg9[%get3A_1008, %get3A_1009, %get3A_1010] {strides = array<i32>} : memref<2x640x64xf32, #tpu.memory_space<vmem>>, vector<16xf32>,
        %add3A_1012 = arith.addf %add3A_972, %get3A_1011 : vector<16xf32>
        %mul3A_1013 = arith.constant 20 : i32
        %mul3A_1014 = arith.muli %scan3A_265, %mul3A_1013 : i32
        %add3A_1015 = arith.constant 19 : i32
        %add3A_1016 = arith.addi %mul3A_1014, %add3A_1015 : i32
        %get3A_1017 = arith.constant 1 : i32
        %get3A_1018 = arith.index_cast %get3A_1017 : i32 to index
        %get3A_1019 = arith.index_cast %add3A_1016 : i32 to index
        %get3A_1020 = arith.constant 0 : index
        %get3A_1021 = tpu.vector_load %arg9[%get3A_1018, %get3A_1019, %get3A_1020] {strides = array<i32>} : memref<2x640x64xf32, #tpu.memory_space<vmem>>, vector<16xf32>,
        %add3A_1022 = arith.addf %add3A_982, %get3A_1021 : vector<16xf32>
        %mul3A_1023 = arith.constant 20 : i32
        %mul3A_1024 = arith.muli %scan3A_265, %mul3A_1023 : i32
        %add3A_1025 = arith.constant 19 : i32
        %add3A_1026 = arith.addi %mul3A_1024, %add3A_1025 : i32
        %get3A_1027 = arith.constant 1 : i32
        %get3A_1028 = arith.index_cast %get3A_1027 : i32 to index
        %get3A_1029 = arith.index_cast %add3A_1026 : i32 to index
        %get3A_1030 = arith.constant 16 : index
        %get3A_1031 = tpu.vector_load %arg9[%get3A_1028, %get3A_1029, %get3A_1030] {strides = array<i32>} : memref<2x640x64xf32, #tpu.memory_space<vmem>>, vector<16xf32>,
        %add3A_1032 = arith.addf %add3A_992, %get3A_1031 : vector<16xf32>
        %mul3A_1033 = arith.constant 20 : i32
        %mul3A_1034 = arith.muli %scan3A_265, %mul3A_1033 : i32
        %add3A_1035 = arith.constant 19 : i32
        %add3A_1036 = arith.addi %mul3A_1034, %add3A_1035 : i32
        %get3A_1037 = arith.constant 1 : i32
        %get3A_1038 = arith.index_cast %get3A_1037 : i32 to index
        %get3A_1039 = arith.index_cast %add3A_1036 : i32 to index
        %get3A_1040 = arith.constant 32 : index
        %get3A_1041 = tpu.vector_load %arg9[%get3A_1038, %get3A_1039, %get3A_1040] {strides = array<i32>} : memref<2x640x64xf32, #tpu.memory_space<vmem>>, vector<16xf32>,
        %add3A_1042 = arith.addf %add3A_1002, %get3A_1041 : vector<16xf32>
        %mul3A_1043 = arith.constant 20 : i32
        %mul3A_1044 = arith.muli %scan3A_265, %mul3A_1043 : i32
        %add3A_1045 = arith.constant 19 : i32
        %add3A_1046 = arith.addi %mul3A_1044, %add3A_1045 : i32
        %get3A_1047 = arith.constant 1 : i32
        %get3A_1048 = arith.index_cast %get3A_1047 : i32 to index
        %get3A_1049 = arith.index_cast %add3A_1046 : i32 to index
        %get3A_1050 = arith.constant 48 : index
        %get3A_1051 = tpu.vector_load %arg9[%get3A_1048, %get3A_1049, %get3A_1050] {strides = array<i32>} : memref<2x640x64xf32, #tpu.memory_space<vmem>>, vector<16xf32>,
        %add3A_1052 = arith.addf %add3A_1012, %get3A_1051 : vector<16xf32>
        %mul3A_1053 = arith.constant 20 : i32
        %mul3A_1054 = arith.muli %scan3A_265, %mul3A_1053 : i32
        %get3A_1055 = arith.constant 1 : i32
        %get3A_1056 = arith.index_cast %get3A_1055 : i32 to index
        %get3A_1057 = arith.index_cast %mul3A_1054 : i32 to index
        %get3A_1058 = tpu.vector_load %arg7[%get3A_1056, %get3A_1057] {strides = array<i32>} : memref<2x640xi32, #tpu.memory_space<vmem>>, vector<16xi32>,
        %mul3A_1059 = arith.constant 20 : i32
        %mul3A_1060 = arith.muli %scan3A_265, %mul3A_1059 : i32
        %add3A_1061 = arith.constant 4 : i32
        %add3A_1062 = arith.addi %mul3A_1060, %add3A_1061 : i32
        %get3A_1063 = arith.constant 1 : i32
        %get3A_1064 = arith.index_cast %get3A_1063 : i32 to index
        %get3A_1065 = arith.index_cast %add3A_1062 : i32 to index
        %get3A_1066 = tpu.vector_load %arg7[%get3A_1064, %get3A_1065] {strides = array<i32>} : memref<2x640xi32, #tpu.memory_space<vmem>>, vector<16xi32>,
        %iota3A = tpu.iota {dimensions = array<i32: 0>} : vector<16xi32>
        %eq3A = arith.constant 0 : i32
        %eq3A_1067 = vector.broadcast %eq3A : i32 to vector<16xi32>
        %eq3A_1068 = arith.cmpi eq, %get3A_1058, %eq3A_1067 : vector<16xi32>
        %jit3A = arith.constant 1 : i32
        %jit3A_1069 = arith.constant 0 : i32
        %broadcast_in_dim3A = vector.broadcast %jit3A : i32 to vector<16xi32>
        %broadcast_in_dim3A_1070 = vector.broadcast %jit3A_1069 : i32 to vector<16xi32>
        %select_n3A = arith.select %eq3A_1068, %broadcast_in_dim3A, %broadcast_in_dim3A_1070 : vector<16xi1>, vector<16xi32>
        %reduce_sum3A = arith.constant true
        %reduce_sum3A_1071 = vector.broadcast %reduce_sum3A : i1 to vector<16xi1>
        %reduce_sum3A_1072 = tpu.scan <sum>, %select_n3A masked %reduce_sum3A_1071 : vector<16xi32>, vector<16xi1> -> vector<16xi32>
        %reduce_sum3A_1073 = vector.extract %reduce_sum3A_1072[15] : i32 from vector<16xi32>
        %eq3A_1074 = arith.constant 0 : i32
        %eq3A_1075 = vector.broadcast %eq3A_1074 : i32 to vector<16xi32>
        %eq3A_1076 = arith.cmpi eq, %get3A_1066, %eq3A_1075 : vector<16xi32>
        %ge3A = arith.constant 12 : i32
        %ge3A_1077 = vector.broadcast %ge3A : i32 to vector<16xi32>
        %ge3A_1078 = arith.cmpi sge, %iota3A, %ge3A_1077 : vector<16xi32>
        %and3A = arith.andi %eq3A_1076, %ge3A_1078 : vector<16xi1>
        %jit3A_1079 = arith.constant 1 : i32
        %jit3A_1080 = arith.constant 0 : i32
        %broadcast_in_dim3A_1081 = vector.broadcast %jit3A_1079 : i32 to vector<16xi32>
        %broadcast_in_dim3A_1082 = vector.broadcast %jit3A_1080 : i32 to vector<16xi32>
        %select_n3A_1083 = arith.select %and3A, %broadcast_in_dim3A_1081, %broadcast_in_dim3A_1082 : vector<16xi1>, vector<16xi32>
        %reduce_sum3A_1084 = arith.constant true
        %reduce_sum3A_1085 = vector.broadcast %reduce_sum3A_1084 : i1 to vector<16xi1>
        %reduce_sum3A_1086 = tpu.scan <sum>, %select_n3A_1083 masked %reduce_sum3A_1085 : vector<16xi32>, vector<16xi1> -> vector<16xi32>
        %reduce_sum3A_1087 = vector.extract %reduce_sum3A_1086[15] : i32 from vector<16xi32>
        %add3A_1088 = arith.addi %reduce_sum3A_1073, %reduce_sum3A_1087 : i32
        %convert_element_type3A_1089 = arith.sitofp %add3A_1088 : i32 to f32
        %broadcast_in_dim3A_1090 = arith.constant 0.000000e+00 : f32
        %broadcast_in_dim3A_1091 = vector.broadcast %broadcast_in_dim3A_1090 : f32 to vector<16xf32>
        %add3A_1092 = vector.broadcast %convert_element_type3A_1089 : f32 to vector<16xf32>
        %add3A_1093 = arith.addf %broadcast_in_dim3A_1091, %add3A_1092 : vector<16xf32>
        %sub3A = arith.constant 2.000000e+01 : f32
        %sub3A_1094 = vector.broadcast %sub3A : f32 to vector<16xf32>
        %sub3A_1095 = arith.subf %sub3A_1094, %add3A_1093 : vector<16xf32>
        %max3A = arith.constant 1.000000e+00 : f32
        %max3A_1096 = vector.broadcast %max3A : f32 to vector<16xf32>
        %max3A_1097 = arith.maximumf %sub3A_1095, %max3A_1096 : vector<16xf32>
        %div3A = arith.constant 1.000000e+00 : f32
        %div3A_1098 = vector.broadcast %div3A : f32 to vector<16xf32>
        %div3A_1099 = arith.divf %div3A_1098, %max3A_1097 : vector<16xf32>
        %get3A_1100 = arith.constant 0 : i32
        %get3A_1101 = arith.index_cast %get3A_1100 : i32 to index
        %get3A_1102 = arith.constant 0 : index
        %get3A_1103 = tpu.vector_load %arg12[%get3A_1101, %get3A_1102] {strides = array<i32>} : memref<1x64xf32, #tpu.memory_space<vmem>>, vector<16xf32>,
        %mul3A_1104 = arith.mulf %add3A_1093, %get3A_1103 : vector<16xf32>
        %sub3A_1105 = arith.subf %add3A_1022, %mul3A_1104 : vector<16xf32>
        %mul3A_1106 = arith.mulf %sub3A_1105, %div3A_1099 : vector<16xf32>
        %swap3A = arith.constant 1 : i32
        %swap3A_1107 = arith.index_cast %swap3A : i32 to index
        %swap3A_1108 = arith.index_cast %scan3A_265 : i32 to index
        %swap3A_1109 = arith.constant 64 : index
        %swap3A_1110 = tpu.vector_load %arg11[%swap3A_1107, %swap3A_1108, %swap3A_1109] {strides = array<i32>} : memref<2x32x128xf32, #tpu.memory_space<vmem>>, vector<16xf32>,
        tpu.vector_store %arg11[%swap3A_1107, %swap3A_1108, %swap3A_1109], %mul3A_1106 {strides = array<i32>} : memref<2x32x128xf32, #tpu.memory_space<vmem>>, vector<16xf32>,
        %get3A_1111 = arith.constant 1 : i32
        %get3A_1112 = arith.index_cast %get3A_1111 : i32 to index
        %get3A_1113 = arith.index_cast %scan3A_265 : i32 to index
        %get3A_1114 = arith.constant 0 : index
        %get3A_1115 = tpu.vector_load %arg10[%get3A_1112, %get3A_1113, %get3A_1114] {strides = array<i32>} : memref<2x32x64xf32, #tpu.memory_space<vmem>>, vector<16xf32>,
        %swap3A_1116 = arith.constant 1 : i32
        %swap3A_1117 = arith.index_cast %swap3A_1116 : i32 to index
        %swap3A_1118 = arith.index_cast %scan3A_265 : i32 to index
        %swap3A_1119 = arith.constant 0 : index
        %swap3A_1120 = tpu.vector_load %arg11[%swap3A_1117, %swap3A_1118, %swap3A_1119] {strides = array<i32>} : memref<2x32x128xf32, #tpu.memory_space<vmem>>, vector<16xf32>,
        tpu.vector_store %arg11[%swap3A_1117, %swap3A_1118, %swap3A_1119], %get3A_1115 {strides = array<i32>} : memref<2x32x128xf32, #tpu.memory_space<vmem>>, vector<16xf32>,
        %get3A_1121 = arith.constant 0 : i32
        %get3A_1122 = arith.index_cast %get3A_1121 : i32 to index
        %get3A_1123 = arith.constant 16 : index
        %get3A_1124 = tpu.vector_load %arg12[%get3A_1122, %get3A_1123] {strides = array<i32>} : memref<1x64xf32, #tpu.memory_space<vmem>>, vector<16xf32>,
        %mul3A_1125 = arith.mulf %add3A_1093, %get3A_1124 : vector<16xf32>
        %sub3A_1126 = arith.subf %add3A_1032, %mul3A_1125 : vector<16xf32>
        %mul3A_1127 = arith.mulf %sub3A_1126, %div3A_1099 : vector<16xf32>
        %swap3A_1128 = arith.constant 1 : i32
        %swap3A_1129 = arith.index_cast %swap3A_1128 : i32 to index
        %swap3A_1130 = arith.index_cast %scan3A_265 : i32 to index
        %swap3A_1131 = arith.constant 80 : index
        %swap3A_1132 = tpu.vector_load %arg11[%swap3A_1129, %swap3A_1130, %swap3A_1131] {strides = array<i32>} : memref<2x32x128xf32, #tpu.memory_space<vmem>>, vector<16xf32>,
        tpu.vector_store %arg11[%swap3A_1129, %swap3A_1130, %swap3A_1131], %mul3A_1127 {strides = array<i32>} : memref<2x32x128xf32, #tpu.memory_space<vmem>>, vector<16xf32>,
        %get3A_1133 = arith.constant 1 : i32
        %get3A_1134 = arith.index_cast %get3A_1133 : i32 to index
        %get3A_1135 = arith.index_cast %scan3A_265 : i32 to index
        %get3A_1136 = arith.constant 16 : index
        %get3A_1137 = tpu.vector_load %arg10[%get3A_1134, %get3A_1135, %get3A_1136] {strides = array<i32>} : memref<2x32x64xf32, #tpu.memory_space<vmem>>, vector<16xf32>,
        %swap3A_1138 = arith.constant 1 : i32
        %swap3A_1139 = arith.index_cast %swap3A_1138 : i32 to index
        %swap3A_1140 = arith.index_cast %scan3A_265 : i32 to index
        %swap3A_1141 = arith.constant 16 : index
        %swap3A_1142 = tpu.vector_load %arg11[%swap3A_1139, %swap3A_1140, %swap3A_1141] {strides = array<i32>} : memref<2x32x128xf32, #tpu.memory_space<vmem>>, vector<16xf32>,
        tpu.vector_store %arg11[%swap3A_1139, %swap3A_1140, %swap3A_1141], %get3A_1137 {strides = array<i32>} : memref<2x32x128xf32, #tpu.memory_space<vmem>>, vector<16xf32>,
        %get3A_1143 = arith.constant 0 : i32
        %get3A_1144 = arith.index_cast %get3A_1143 : i32 to index
        %get3A_1145 = arith.constant 32 : index
        %get3A_1146 = tpu.vector_load %arg12[%get3A_1144, %get3A_1145] {strides = array<i32>} : memref<1x64xf32, #tpu.memory_space<vmem>>, vector<16xf32>,
        %mul3A_1147 = arith.mulf %add3A_1093, %get3A_1146 : vector<16xf32>
        %sub3A_1148 = arith.subf %add3A_1042, %mul3A_1147 : vector<16xf32>
        %mul3A_1149 = arith.mulf %sub3A_1148, %div3A_1099 : vector<16xf32>
        %swap3A_1150 = arith.constant 1 : i32
        %swap3A_1151 = arith.index_cast %swap3A_1150 : i32 to index
        %swap3A_1152 = arith.index_cast %scan3A_265 : i32 to index
        %swap3A_1153 = arith.constant 96 : index
        %swap3A_1154 = tpu.vector_load %arg11[%swap3A_1151, %swap3A_1152, %swap3A_1153] {strides = array<i32>} : memref<2x32x128xf32, #tpu.memory_space<vmem>>, vector<16xf32>,
        tpu.vector_store %arg11[%swap3A_1151, %swap3A_1152, %swap3A_1153], %mul3A_1149 {strides = array<i32>} : memref<2x32x128xf32, #tpu.memory_space<vmem>>, vector<16xf32>,
        %get3A_1155 = arith.constant 1 : i32
        %get3A_1156 = arith.index_cast %get3A_1155 : i32 to index
        %get3A_1157 = arith.index_cast %scan3A_265 : i32 to index
        %get3A_1158 = arith.constant 32 : index
        %get3A_1159 = tpu.vector_load %arg10[%get3A_1156, %get3A_1157, %get3A_1158] {strides = array<i32>} : memref<2x32x64xf32, #tpu.memory_space<vmem>>, vector<16xf32>,
        %swap3A_1160 = arith.constant 1 : i32
        %swap3A_1161 = arith.index_cast %swap3A_1160 : i32 to index
        %swap3A_1162 = arith.index_cast %scan3A_265 : i32 to index
        %swap3A_1163 = arith.constant 32 : index
        %swap3A_1164 = tpu.vector_load %arg11[%swap3A_1161, %swap3A_1162, %swap3A_1163] {strides = array<i32>} : memref<2x32x128xf32, #tpu.memory_space<vmem>>, vector<16xf32>,
        tpu.vector_store %arg11[%swap3A_1161, %swap3A_1162, %swap3A_1163], %get3A_1159 {strides = array<i32>} : memref<2x32x128xf32, #tpu.memory_space<vmem>>, vector<16xf32>,
        %get3A_1165 = arith.constant 0 : i32
        %get3A_1166 = arith.index_cast %get3A_1165 : i32 to index
        %get3A_1167 = arith.constant 48 : index
        %get3A_1168 = tpu.vector_load %arg12[%get3A_1166, %get3A_1167] {strides = array<i32>} : memref<1x64xf32, #tpu.memory_space<vmem>>, vector<16xf32>,
        %mul3A_1169 = arith.mulf %add3A_1093, %get3A_1168 : vector<16xf32>
        %sub3A_1170 = arith.subf %add3A_1052, %mul3A_1169 : vector<16xf32>
        %mul3A_1171 = arith.mulf %sub3A_1170, %div3A_1099 : vector<16xf32>
        %swap3A_1172 = arith.constant 1 : i32
        %swap3A_1173 = arith.index_cast %swap3A_1172 : i32 to index
        %swap3A_1174 = arith.index_cast %scan3A_265 : i32 to index
        %swap3A_1175 = arith.constant 112 : index
        %swap3A_1176 = tpu.vector_load %arg11[%swap3A_1173, %swap3A_1174, %swap3A_1175] {strides = array<i32>} : memref<2x32x128xf32, #tpu.memory_space<vmem>>, vector<16xf32>,
        tpu.vector_store %arg11[%swap3A_1173, %swap3A_1174, %swap3A_1175], %mul3A_1171 {strides = array<i32>} : memref<2x32x128xf32, #tpu.memory_space<vmem>>, vector<16xf32>,
        %get3A_1177 = arith.constant 1 : i32
        %get3A_1178 = arith.index_cast %get3A_1177 : i32 to index
        %get3A_1179 = arith.index_cast %scan3A_265 : i32 to index
        %get3A_1180 = arith.constant 48 : index
        %get3A_1181 = tpu.vector_load %arg10[%get3A_1178, %get3A_1179, %get3A_1180] {strides = array<i32>} : memref<2x32x64xf32, #tpu.memory_space<vmem>>, vector<16xf32>,
        %swap3A_1182 = arith.constant 1 : i32
        %swap3A_1183 = arith.index_cast %swap3A_1182 : i32 to index
        %swap3A_1184 = arith.index_cast %scan3A_265 : i32 to index
        %swap3A_1185 = arith.constant 48 : index
        %swap3A_1186 = tpu.vector_load %arg11[%swap3A_1183, %swap3A_1184, %swap3A_1185] {strides = array<i32>} : memref<2x32x128xf32, #tpu.memory_space<vmem>>, vector<16xf32>,
        tpu.vector_store %arg11[%swap3A_1183, %swap3A_1184, %swap3A_1185], %get3A_1181 {strides = array<i32>} : memref<2x32x128xf32, #tpu.memory_space<vmem>>, vector<16xf32>,
      }
      %scan3A_256 = arith.constant 32 : i32
      %run_scoped3A_257 = arith.constant 1 : i32
      "tpu.region"() ({
        %run_scoped3A_265 = tpu.sem_alloc : memref<!tpu.dma_semaphore, #tpu.memory_space<semaphore_mem>>
        %dma_start3A_266 = arith.constant 0 : i32
        %dma_start3A_267 = arith.constant 0 : i32
        %dma_start3A_268 = tpu.memref_slice %arg11[%run_scoped3A_257, %dma_start3A_266, %dma_start3A_267] : memref<2x32x128xf32, #tpu.memory_space<vmem>> -> memref<1x32x128xf32, #tpu.memory_space<vmem>>
        %dma_start3A_269 = tpu.memref_squeeze %dma_start3A_268 : memref<1x32x128xf32, #tpu.memory_space<vmem>> -> memref<32x128xf32, #tpu.memory_space<vmem>>
        %dma_start3A_270 = arith.constant 0 : i32
        %dma_start3A_271 = tpu.memref_slice %arg6[%add3A_250, %dma_start3A_270] : memref<16384x128xf32, #tpu.memory_space<hbm>> -> memref<32x128xf32, #tpu.memory_space<hbm>>
        %dma_start3A_272 = arith.constant 0 : i32
        %dma_start3A_273 = tpu.memref_slice %arg6[%add3A_250, %dma_start3A_272] : memref<16384x128xf32, #tpu.memory_space<hbm>> -> memref<32x128xf32, #tpu.memory_space<hbm>>
        %dma_start3A_274 = arith.constant 0 : i32
        %dma_start3A_275 = arith.constant 0 : i32
        %dma_start3A_276 = tpu.memref_slice %arg11[%run_scoped3A_257, %dma_start3A_274, %dma_start3A_275] : memref<2x32x128xf32, #tpu.memory_space<vmem>> -> memref<1x32x128xf32, #tpu.memory_space<vmem>>
        %dma_start3A_277 = tpu.memref_squeeze %dma_start3A_276 : memref<1x32x128xf32, #tpu.memory_space<vmem>> -> memref<32x128xf32, #tpu.memory_space<vmem>>
        tpu.enqueue_dma source(%dma_start3A_277 : memref<32x128xf32, #tpu.memory_space<vmem>>) target(%dma_start3A_273 : memref<32x128xf32, #tpu.memory_space<hbm>>) target_semaphore(%run_scoped3A_265 : memref<!tpu.dma_semaphore, #tpu.memory_space<semaphore_mem>>)
        %dma_wait3A_278 = arith.constant 0 : i32
        %dma_wait3A_279 = arith.constant 0 : i32
        %dma_wait3A_280 = tpu.memref_slice %arg11[%run_scoped3A_257, %dma_wait3A_278, %dma_wait3A_279] : memref<2x32x128xf32, #tpu.memory_space<vmem>> -> memref<1x32x128xf32, #tpu.memory_space<vmem>>
        %dma_wait3A_281 = tpu.memref_squeeze %dma_wait3A_280 : memref<1x32x128xf32, #tpu.memory_space<vmem>> -> memref<32x128xf32, #tpu.memory_space<vmem>>
        %dma_wait3A_282 = arith.constant 0 : i32
        %dma_wait3A_283 = tpu.memref_slice %arg6[%add3A_250, %dma_wait3A_282] : memref<16384x128xf32, #tpu.memory_space<hbm>> -> memref<32x128xf32, #tpu.memory_space<hbm>>
        %dma_wait3A_284 = arith.constant 0 : i32
        %dma_wait3A_285 = tpu.memref_slice %arg6[%add3A_250, %dma_wait3A_284] : memref<16384x128xf32, #tpu.memory_space<hbm>> -> memref<32x128xf32, #tpu.memory_space<hbm>>
        %dma_wait3A_286 = arith.constant 0 : i32
        %dma_wait3A_287 = arith.constant 0 : i32
        %dma_wait3A_288 = tpu.memref_slice %arg11[%run_scoped3A_257, %dma_wait3A_286, %dma_wait3A_287] : memref<2x32x128xf32, #tpu.memory_space<vmem>> -> memref<1x32x128xf32, #tpu.memory_space<vmem>>
        %dma_wait3A_289 = tpu.memref_squeeze %dma_wait3A_288 : memref<1x32x128xf32, #tpu.memory_space<vmem>> -> memref<32x128xf32, #tpu.memory_space<vmem>>
        tpu.wait_dma2 semaphore(%run_scoped3A_265 : memref<!tpu.dma_semaphore, #tpu.memory_space<semaphore_mem>>) src(%dma_wait3A_289 : memref<32x128xf32, #tpu.memory_space<vmem>>) dst(%dma_wait3A_285 : memref<32x128xf32, #tpu.memory_space<hbm>>)
        tpu.yield
      }) : () -> ()
      %add3A_258 = arith.constant 2 : i32
      %add3A_259 = arith.addi %add3A_217, %add3A_258 : i32
      %lt3A_260 = arith.constant 16 : i32
      %lt3A_261 = arith.cmpi slt, %add3A_259, %lt3A_260 : i32
      %convert_element_type3A_262 = arith.extui %lt3A_261 : i1 to i32
      %cond3A_263 = arith.constant 0 : i32
      %cond3A_264 = arith.cmpi ne, %convert_element_type3A_262, %cond3A_263 : i32
      scf.if %cond3A_264 {
        %add3A_265 = arith.constant 2 : i32
        %add3A_266 = arith.addi %add3A_217, %add3A_265 : i32
        %mul3A_267 = arith.constant 32 : i32
        %mul3A_268 = arith.muli %add3A_266, %mul3A_267 : i32
        %add3A_269 = arith.addi %mul3A_2, %mul3A_268 : i32
        %mul3A_270 = arith.constant 20 : i32
        %mul3A_271 = arith.muli %add3A_269, %mul3A_270 : i32
        %run_scoped3A_272 = arith.constant 1 : i32
        "tpu.region"() ({
          %run_scoped3A_346 = tpu.sem_alloc : memref<!tpu.dma_semaphore, #tpu.memory_space<semaphore_mem>>
          %dma_start3A_347 = arith.constant 0 : i32
          %dma_start3A_348 = tpu.memref_slice %arg7[%run_scoped3A_272, %dma_start3A_347] : memref<2x640xi32, #tpu.memory_space<vmem>> -> memref<1x640xi32, #tpu.memory_space<vmem>>
          %dma_start3A_349 = tpu.memref_squeeze %dma_start3A_348 : memref<1x640xi32, #tpu.memory_space<vmem>> -> memref<640xi32, #tpu.memory_space<vmem>>
          %dma_start3A_350 = tpu.memref_slice %arg3[%mul3A_271] : memref<327680xi32, #tpu.memory_space<hbm>> -> memref<640xi32, #tpu.memory_space<hbm>>
          %dma_start3A_351 = arith.constant 0 : i32
          %dma_start3A_352 = tpu.memref_slice %arg7[%run_scoped3A_272, %dma_start3A_351] : memref<2x640xi32, #tpu.memory_space<vmem>> -> memref<1x640xi32, #tpu.memory_space<vmem>>
          %dma_start3A_353 = tpu.memref_squeeze %dma_start3A_352 : memref<1x640xi32, #tpu.memory_space<vmem>> -> memref<640xi32, #tpu.memory_space<vmem>>
          %dma_start3A_354 = tpu.memref_slice %arg3[%mul3A_271] : memref<327680xi32, #tpu.memory_space<hbm>> -> memref<640xi32, #tpu.memory_space<hbm>>
          tpu.enqueue_dma source(%dma_start3A_354 : memref<640xi32, #tpu.memory_space<hbm>>) target(%dma_start3A_353 : memref<640xi32, #tpu.memory_space<vmem>>) target_semaphore(%run_scoped3A_346 : memref<!tpu.dma_semaphore, #tpu.memory_space<semaphore_mem>>)
          %dma_wait3A_355 = arith.constant 0 : i32
          %dma_wait3A_356 = tpu.memref_slice %arg7[%run_scoped3A_272, %dma_wait3A_355] : memref<2x640xi32, #tpu.memory_space<vmem>> -> memref<1x640xi32, #tpu.memory_space<vmem>>
          %dma_wait3A_357 = tpu.memref_squeeze %dma_wait3A_356 : memref<1x640xi32, #tpu.memory_space<vmem>> -> memref<640xi32, #tpu.memory_space<vmem>>
          %dma_wait3A_358 = tpu.memref_slice %arg3[%mul3A_271] : memref<327680xi32, #tpu.memory_space<hbm>> -> memref<640xi32, #tpu.memory_space<hbm>>
          %dma_wait3A_359 = arith.constant 0 : i32
          %dma_wait3A_360 = tpu.memref_slice %arg7[%run_scoped3A_272, %dma_wait3A_359] : memref<2x640xi32, #tpu.memory_space<vmem>> -> memref<1x640xi32, #tpu.memory_space<vmem>>
          %dma_wait3A_361 = tpu.memref_squeeze %dma_wait3A_360 : memref<1x640xi32, #tpu.memory_space<vmem>> -> memref<640xi32, #tpu.memory_space<vmem>>
          %dma_wait3A_362 = tpu.memref_slice %arg3[%mul3A_271] : memref<327680xi32, #tpu.memory_space<hbm>> -> memref<640xi32, #tpu.memory_space<hbm>>
          tpu.wait_dma2 semaphore(%run_scoped3A_346 : memref<!tpu.dma_semaphore, #tpu.memory_space<semaphore_mem>>) src(%dma_wait3A_362 : memref<640xi32, #tpu.memory_space<hbm>>) dst(%dma_wait3A_361 : memref<640xi32, #tpu.memory_space<vmem>>)
          tpu.yield
        }) : () -> ()
        %run_scoped3A_273 = arith.constant 1 : i32
        "tpu.region"() ({
          %run_scoped3A_346 = tpu.sem_alloc : memref<!tpu.dma_semaphore, #tpu.memory_space<semaphore_mem>>
          %dma_start3A_347 = arith.constant 0 : i32
          %dma_start3A_348 = tpu.memref_slice %arg8[%run_scoped3A_273, %dma_start3A_347] : memref<2x32xi32, #tpu.memory_space<vmem>> -> memref<1x32xi32, #tpu.memory_space<vmem>>
          %dma_start3A_349 = tpu.memref_squeeze %dma_start3A_348 : memref<1x32xi32, #tpu.memory_space<vmem>> -> memref<32xi32, #tpu.memory_space<vmem>>
          %dma_start3A_350 = tpu.memref_slice %arg2[%add3A_269] : memref<16384xi32, #tpu.memory_space<hbm>> -> memref<32xi32, #tpu.memory_space<hbm>>
          %dma_start3A_351 = arith.constant 0 : i32
          %dma_start3A_352 = tpu.memref_slice %arg8[%run_scoped3A_273, %dma_start3A_351] : memref<2x32xi32, #tpu.memory_space<vmem>> -> memref<1x32xi32, #tpu.memory_space<vmem>>
          %dma_start3A_353 = tpu.memref_squeeze %dma_start3A_352 : memref<1x32xi32, #tpu.memory_space<vmem>> -> memref<32xi32, #tpu.memory_space<vmem>>
          %dma_start3A_354 = tpu.memref_slice %arg2[%add3A_269] : memref<16384xi32, #tpu.memory_space<hbm>> -> memref<32xi32, #tpu.memory_space<hbm>>
          tpu.enqueue_dma source(%dma_start3A_354 : memref<32xi32, #tpu.memory_space<hbm>>) target(%dma_start3A_353 : memref<32xi32, #tpu.memory_space<vmem>>) target_semaphore(%run_scoped3A_346 : memref<!tpu.dma_semaphore, #tpu.memory_space<semaphore_mem>>)
          %dma_wait3A_355 = arith.constant 0 : i32
          %dma_wait3A_356 = tpu.memref_slice %arg8[%run_scoped3A_273, %dma_wait3A_355] : memref<2x32xi32, #tpu.memory_space<vmem>> -> memref<1x32xi32, #tpu.memory_space<vmem>>
          %dma_wait3A_357 = tpu.memref_squeeze %dma_wait3A_356 : memref<1x32xi32, #tpu.memory_space<vmem>> -> memref<32xi32, #tpu.memory_space<vmem>>
          %dma_wait3A_358 = tpu.memref_slice %arg2[%add3A_269] : memref<16384xi32, #tpu.memory_space<hbm>> -> memref<32xi32, #tpu.memory_space<hbm>>
          %dma_wait3A_359 = arith.constant 0 : i32
          %dma_wait3A_360 = tpu.memref_slice %arg8[%run_scoped3A_273, %dma_wait3A_359] : memref<2x32xi32, #tpu.memory_space<vmem>> -> memref<1x32xi32, #tpu.memory_space<vmem>>
          %dma_wait3A_361 = tpu.memref_squeeze %dma_wait3A_360 : memref<1x32xi32, #tpu.memory_space<vmem>> -> memref<32xi32, #tpu.memory_space<vmem>>
          %dma_wait3A_362 = tpu.memref_slice %arg2[%add3A_269] : memref<16384xi32, #tpu.memory_space<hbm>> -> memref<32xi32, #tpu.memory_space<hbm>>
          tpu.wait_dma2 semaphore(%run_scoped3A_346 : memref<!tpu.dma_semaphore, #tpu.memory_space<semaphore_mem>>) src(%dma_wait3A_362 : memref<32xi32, #tpu.memory_space<hbm>>) dst(%dma_wait3A_361 : memref<32xi32, #tpu.memory_space<vmem>>)
          tpu.yield
        }) : () -> ()
        %dma_start3A_274 = arith.constant 1 : i32
        %dma_start3A_275 = arith.constant 1 : i32
        %dma_start3A_276 = arith.constant 0 : i32
        %dma_start3A_277 = arith.constant 0 : i32
        %dma_start3A_278 = tpu.memref_slice %arg9[%dma_start3A_275, %dma_start3A_276, %dma_start3A_277] : memref<2x640x64xf32, #tpu.memory_space<vmem>> -> memref<1x128x64xf32, #tpu.memory_space<vmem>>
        %dma_start3A_279 = tpu.memref_squeeze %dma_start3A_278 : memref<1x128x64xf32, #tpu.memory_space<vmem>> -> memref<128x64xf32, #tpu.memory_space<vmem>>
        %dma_start3A_280 = arith.constant 0 : i32
        %dma_start3A_281 = tpu.memref_slice %arg7[%dma_start3A_274, %dma_start3A_280] : memref<2x640xi32, #tpu.memory_space<vmem>> -> memref<1x128xi32, #tpu.memory_space<vmem>>
        %dma_start3A_282 = tpu.memref_squeeze %dma_start3A_281 : memref<1x128xi32, #tpu.memory_space<vmem>> -> memref<128xi32, #tpu.memory_space<vmem>>
        %dma_start3A_283 = arith.constant 0 : i32
        %dma_start3A_284 = arith.constant 0 : i32
        %dma_start3A_285 = tpu.memref_slice %arg5[%dma_start3A_283, %dma_start3A_284] : memref<10000x64xf32, #tpu.memory_space<hbm>> -> memref<10000x64xf32, #tpu.memory_space<hbm>>
        tpu.enqueue_indirect_dma source(%dma_start3A_285 : memref<10000x64xf32, #tpu.memory_space<hbm>>) target(%dma_start3A_279 : memref<128x64xf32, #tpu.memory_space<vmem>>) offsets(%dma_start3A_282 : memref<128xi32, #tpu.memory_space<vmem>>) semaphore(%arg14 : memref<!tpu.dma_semaphore, #tpu.memory_space<semaphore_mem>>)
        %dma_start3A_286 = arith.constant 1 : i32
        %dma_start3A_287 = arith.constant 1 : i32
        %dma_start3A_288 = arith.constant 128 : i32
        %dma_start3A_289 = arith.constant 0 : i32
        %dma_start3A_290 = tpu.memref_slice %arg9[%dma_start3A_287, %dma_start3A_288, %dma_start3A_289] : memref<2x640x64xf32, #tpu.memory_space<vmem>> -> memref<1x128x64xf32, #tpu.memory_space<vmem>>
        %dma_start3A_291 = tpu.memref_squeeze %dma_start3A_290 : memref<1x128x64xf32, #tpu.memory_space<vmem>> -> memref<128x64xf32, #tpu.memory_space<vmem>>
        %dma_start3A_292 = arith.constant 128 : i32
        %dma_start3A_293 = tpu.memref_slice %arg7[%dma_start3A_286, %dma_start3A_292] : memref<2x640xi32, #tpu.memory_space<vmem>> -> memref<1x128xi32, #tpu.memory_space<vmem>>
        %dma_start3A_294 = tpu.memref_squeeze %dma_start3A_293 : memref<1x128xi32, #tpu.memory_space<vmem>> -> memref<128xi32, #tpu.memory_space<vmem>>
        %dma_start3A_295 = arith.constant 0 : i32
        %dma_start3A_296 = arith.constant 0 : i32
        %dma_start3A_297 = tpu.memref_slice %arg5[%dma_start3A_295, %dma_start3A_296] : memref<10000x64xf32, #tpu.memory_space<hbm>> -> memref<10000x64xf32, #tpu.memory_space<hbm>>
        tpu.enqueue_indirect_dma source(%dma_start3A_297 : memref<10000x64xf32, #tpu.memory_space<hbm>>) target(%dma_start3A_291 : memref<128x64xf32, #tpu.memory_space<vmem>>) offsets(%dma_start3A_294 : memref<128xi32, #tpu.memory_space<vmem>>) semaphore(%arg14 : memref<!tpu.dma_semaphore, #tpu.memory_space<semaphore_mem>>)
        %dma_start3A_298 = arith.constant 1 : i32
        %dma_start3A_299 = arith.constant 1 : i32
        %dma_start3A_300 = arith.constant 256 : i32
        %dma_start3A_301 = arith.constant 0 : i32
        %dma_start3A_302 = tpu.memref_slice %arg9[%dma_start3A_299, %dma_start3A_300, %dma_start3A_301] : memref<2x640x64xf32, #tpu.memory_space<vmem>> -> memref<1x128x64xf32, #tpu.memory_space<vmem>>
        %dma_start3A_303 = tpu.memref_squeeze %dma_start3A_302 : memref<1x128x64xf32, #tpu.memory_space<vmem>> -> memref<128x64xf32, #tpu.memory_space<vmem>>
        %dma_start3A_304 = arith.constant 256 : i32
        %dma_start3A_305 = tpu.memref_slice %arg7[%dma_start3A_298, %dma_start3A_304] : memref<2x640xi32, #tpu.memory_space<vmem>> -> memref<1x128xi32, #tpu.memory_space<vmem>>
        %dma_start3A_306 = tpu.memref_squeeze %dma_start3A_305 : memref<1x128xi32, #tpu.memory_space<vmem>> -> memref<128xi32, #tpu.memory_space<vmem>>
        %dma_start3A_307 = arith.constant 0 : i32
        %dma_start3A_308 = arith.constant 0 : i32
        %dma_start3A_309 = tpu.memref_slice %arg5[%dma_start3A_307, %dma_start3A_308] : memref<10000x64xf32, #tpu.memory_space<hbm>> -> memref<10000x64xf32, #tpu.memory_space<hbm>>
        tpu.enqueue_indirect_dma source(%dma_start3A_309 : memref<10000x64xf32, #tpu.memory_space<hbm>>) target(%dma_start3A_303 : memref<128x64xf32, #tpu.memory_space<vmem>>) offsets(%dma_start3A_306 : memref<128xi32, #tpu.memory_space<vmem>>) semaphore(%arg14 : memref<!tpu.dma_semaphore, #tpu.memory_space<semaphore_mem>>)
        %dma_start3A_310 = arith.constant 1 : i32
        %dma_start3A_311 = arith.constant 1 : i32
        %dma_start3A_312 = arith.constant 384 : i32
        %dma_start3A_313 = arith.constant 0 : i32
        %dma_start3A_314 = tpu.memref_slice %arg9[%dma_start3A_311, %dma_start3A_312, %dma_start3A_313] : memref<2x640x64xf32, #tpu.memory_space<vmem>> -> memref<1x128x64xf32, #tpu.memory_space<vmem>>
        %dma_start3A_315 = tpu.memref_squeeze %dma_start3A_314 : memref<1x128x64xf32, #tpu.memory_space<vmem>> -> memref<128x64xf32, #tpu.memory_space<vmem>>
        %dma_start3A_316 = arith.constant 384 : i32
        %dma_start3A_317 = tpu.memref_slice %arg7[%dma_start3A_310, %dma_start3A_316] : memref<2x640xi32, #tpu.memory_space<vmem>> -> memref<1x128xi32, #tpu.memory_space<vmem>>
        %dma_start3A_318 = tpu.memref_squeeze %dma_start3A_317 : memref<1x128xi32, #tpu.memory_space<vmem>> -> memref<128xi32, #tpu.memory_space<vmem>>
        %dma_start3A_319 = arith.constant 0 : i32
        %dma_start3A_320 = arith.constant 0 : i32
        %dma_start3A_321 = tpu.memref_slice %arg5[%dma_start3A_319, %dma_start3A_320] : memref<10000x64xf32, #tpu.memory_space<hbm>> -> memref<10000x64xf32, #tpu.memory_space<hbm>>
        tpu.enqueue_indirect_dma source(%dma_start3A_321 : memref<10000x64xf32, #tpu.memory_space<hbm>>) target(%dma_start3A_315 : memref<128x64xf32, #tpu.memory_space<vmem>>) offsets(%dma_start3A_318 : memref<128xi32, #tpu.memory_space<vmem>>) semaphore(%arg14 : memref<!tpu.dma_semaphore, #tpu.memory_space<semaphore_mem>>)
        %dma_start3A_322 = arith.constant 1 : i32
        %dma_start3A_323 = arith.constant 1 : i32
        %dma_start3A_324 = arith.constant 512 : i32
        %dma_start3A_325 = arith.constant 0 : i32
        %dma_start3A_326 = tpu.memref_slice %arg9[%dma_start3A_323, %dma_start3A_324, %dma_start3A_325] : memref<2x640x64xf32, #tpu.memory_space<vmem>> -> memref<1x128x64xf32, #tpu.memory_space<vmem>>
        %dma_start3A_327 = tpu.memref_squeeze %dma_start3A_326 : memref<1x128x64xf32, #tpu.memory_space<vmem>> -> memref<128x64xf32, #tpu.memory_space<vmem>>
        %dma_start3A_328 = arith.constant 512 : i32
        %dma_start3A_329 = tpu.memref_slice %arg7[%dma_start3A_322, %dma_start3A_328] : memref<2x640xi32, #tpu.memory_space<vmem>> -> memref<1x128xi32, #tpu.memory_space<vmem>>
        %dma_start3A_330 = tpu.memref_squeeze %dma_start3A_329 : memref<1x128xi32, #tpu.memory_space<vmem>> -> memref<128xi32, #tpu.memory_space<vmem>>
        %dma_start3A_331 = arith.constant 0 : i32
        %dma_start3A_332 = arith.constant 0 : i32
        %dma_start3A_333 = tpu.memref_slice %arg5[%dma_start3A_331, %dma_start3A_332] : memref<10000x64xf32, #tpu.memory_space<hbm>> -> memref<10000x64xf32, #tpu.memory_space<hbm>>
        tpu.enqueue_indirect_dma source(%dma_start3A_333 : memref<10000x64xf32, #tpu.memory_space<hbm>>) target(%dma_start3A_327 : memref<128x64xf32, #tpu.memory_space<vmem>>) offsets(%dma_start3A_330 : memref<128xi32, #tpu.memory_space<vmem>>) semaphore(%arg14 : memref<!tpu.dma_semaphore, #tpu.memory_space<semaphore_mem>>)
        %dma_start3A_334 = arith.constant 1 : i32
        %dma_start3A_335 = arith.constant 1 : i32
        %dma_start3A_336 = arith.constant 0 : i32
        %dma_start3A_337 = arith.constant 0 : i32
        %dma_start3A_338 = tpu.memref_slice %arg10[%dma_start3A_335, %dma_start3A_336, %dma_start3A_337] : memref<2x32x64xf32, #tpu.memory_space<vmem>> -> memref<1x32x64xf32, #tpu.memory_space<vmem>>
        %dma_start3A_339 = tpu.memref_squeeze %dma_start3A_338 : memref<1x32x64xf32, #tpu.memory_space<vmem>> -> memref<32x64xf32, #tpu.memory_space<vmem>>
        %dma_start3A_340 = arith.constant 0 : i32
        %dma_start3A_341 = tpu.memref_slice %arg8[%dma_start3A_334, %dma_start3A_340] : memref<2x32xi32, #tpu.memory_space<vmem>> -> memref<1x32xi32, #tpu.memory_space<vmem>>
        %dma_start3A_342 = tpu.memref_squeeze %dma_start3A_341 : memref<1x32xi32, #tpu.memory_space<vmem>> -> memref<32xi32, #tpu.memory_space<vmem>>
        %dma_start3A_343 = arith.constant 0 : i32
        %dma_start3A_344 = arith.constant 0 : i32
        %dma_start3A_345 = tpu.memref_slice %arg4[%dma_start3A_343, %dma_start3A_344] : memref<100001x64xf32, #tpu.memory_space<hbm>> -> memref<100001x64xf32, #tpu.memory_space<hbm>>
        tpu.enqueue_indirect_dma source(%dma_start3A_345 : memref<100001x64xf32, #tpu.memory_space<hbm>>) target(%dma_start3A_339 : memref<32x64xf32, #tpu.memory_space<vmem>>) offsets(%dma_start3A_342 : memref<32xi32, #tpu.memory_space<vmem>>) semaphore(%arg16 : memref<!tpu.dma_semaphore, #tpu.memory_space<semaphore_mem>>)
      } else {
      }
    }
    %scan3A_165 = arith.constant 8 : i32
    return
  }
}

</mosaic_0001>

<sc_bundles>
// kernel: kernel.3.cloned.1.call-start
scs
__scs_entry_jumppad:
0x0: {  	(pc) =	sbr.rel $0x88, $3  }
0x1: {  	(tag) =	ssettag $0x0;
	lr =	simm.s32 $0x1  }
0x2: {  	[smem:$0x3F9D] =	sst lr;
	_ =	strace $0xD0000000  }
0x3: {  	_ = 	snop  }
0x4: {  	_ = 	snop  }
0x5: {  	_ = 	snop  }
0x6: {  	_ = 	snop  }
0x7: {  	_ = 	snop  }
__scs_overlays_trampoline_lowered:
0x8: {  	[smem:$0x3FAC] =	sst s0  }
0x9: {  	[smem:$0x3FAD] =	sst s1  }
0xa: {  	[smem:$0x3FAE] =	sst s2  }
0xb: {  	[smem:$0x3FAF] =	sst s3  }
0xc: {  	[smem:$0x3FB0] =	sst s4  }
0xd: {  	[smem:$0x3FB1] =	sst s5  }
0xe: {  	[smem:$0x3FB2] =	sst s6  }
0xf: {  	[smem:$0x3FB3] =	sst s7  }
0x10: {  	[smem:$0x3FB4] =	sst s8  }
0x11: {  	[smem:$0x3FB5] =	sst s9;
	s0 =	simm.s32 @!p0 $0x0  }
0x12: {  	s1 =	sld [smem:$0x3F9B];
	s0 =	simm.s32 @p0 $0x1  }
0x13: {  	[smem:$0x3FB6] =	sst s0;
	s0 =	simm.s32 @!p1 $0x0  }
0x14: {  	s2 =	sld [smem:$0x3F9A];
	s0 =	simm.s32 @p1 $0x1  }
0x15: {  	[smem:$0x3FB7] =	sst s0;
	s0 =	simm.s32 @!p2 $0x0  }
0x16: {  	s3 =	sld [smem:$0x3FDB];
	s0 =	simm.s32 @p2 $0x1  }
0x17: {  	s4 =	simm.s32 $0x1BF5;
	[smem:$0x3FB9] =	sst s0  }
0x18: {  	s0 =	sld [smem:$0x3F9C];
	_ =	swait.ge [sflag:s4], $0x0  }
0x19: {  	s7 =	sld [smem:$0x3F9D]  }
0x1a: {  	s8 =	sadd.s32 $0xFFFFE003, lr  }
0x1b: {  	s9 =	sadd.s32 $0xFFFFFEF7, lr;
	s5 =	simm.s32 $0xFFFFFFFF;
	p2 =	slt.u32 s8, $0xFFFFF086  }
0x1c: {  	p1 =	slt.u32 s9, $0xF7A;
	s5 =	simm.s32 @!p2 $0x0  }
0x1d: {  	s5 =	simm.s32 @p1 $0x1;
	p0 =	seq.s32 s7, s2  }
0x1e: {  	s7 =	smul.u32 @!p0 $0xF7A, s2;
	p2 =	seq.s32 @!p0 s5, $0x0  }
0x1f: {  	s9 =	smul.u32 $0xF7A, s1;
	s8 =	simm.s32 @!p0 $0x1BF5;
	p2 =	por !p2, p0  }
0x20: {  	[sflag:s8] =	ssyncset.s32 @!p0 $0xFFFFF086;
	s6 =	sadd.s32 @!p0 s3, s7;
	s7 =	simm.s32 @!p0 $0x108  }
0x21: {  	s3 =	sadd.s32 s3, s9;
	s6 =	sadd.s32 @!p0 $0x88, s6;
	s7 =	simm.s32 @p2 $0x1082  }
0x22: {  	[simem:s7], [sflag:s8] =	dma.local @!p0 [hbm:s6], $0xF7A  }
0x23: {  	s9 =	sor.u32 $0xD0000000, s2;
	s6 =	simm.s32 $0x108;
	_ =	swait.ge @!p0 [sflag:s8], $0x0  }
0x24: {  	s3 =	sadd.s32 $0x88, s3;
	s6 =	simm.s32 @!p1 $0x1082;
	[sflag:s4] =	ssyncset.s32 $0xFFFFF086  }
0x25: {  	[simem:s6], [sflag:s4] =	dma.local [hbm:s3], $0xF7A  }
0x26: {  	[smem:$0x3F9D] =	sst s1;
	(tag) =	ssettag s2;
	_ =	strace s9  }
0x27: {  	s1 =	sld [smem:$0x3FAD]  }
0x28: {  	s2 =	sld [smem:$0x3FAE]  }
0x29: {  	s4 =	sld [smem:$0x3FB0]  }
0x2a: {  	p0 =	seq.s32 s5, $0x0;
	s5 =	sld [smem:$0x3FB1]  }
0x2b: {  	s6 =	sld [smem:$0x3FB2]  }
0x2c: {  	s7 =	sld [smem:$0x3FB3]  }
0x2d: {  	s3 =	simm.s32 $0x108;
	s8 =	sld [smem:$0x3FB4]  }
0x2e: {  	s3 =	simm.s32 @!p0 $0x1082;
	s9 =	sld [smem:$0x3FB5]  }
0x2f: {  	lr =	sadd.s32 s0, s3;
	s0 =	sld [smem:$0x3FAC]  }
0x30: {  	s3 =	sld [smem:$0x3FAF]  }
0x31: {  	[smem:$0x3FB8] =	sst s10  }
0x32: {  	s10 =	sld [smem:$0x3FB6];
	_ =	sdelay $0x3  }
0x33: {  	p0 =	seq.s32 s10, $0x1;
	s10 =	sld [smem:$0x3FB8];
	_ =	sdelay $0x3  }
0x34: {  	[smem:$0x3FB8] =	sst s10  }
0x35: {  	s10 =	sld [smem:$0x3FB7];
	_ =	sdelay $0x3  }
0x36: {  	p1 =	seq.s32 s10, $0x1;
	s10 =	sld [smem:$0x3FB8];
	_ =	sdelay $0x3  }
0x37: {  	[smem:$0x3FB8] =	sst s10  }
0x38: {  	s10 =	sld [smem:$0x3FB9]  }
0x39: {  	_ = 	snop;
	(pc) =	sbr.ind lr, $3  }
0x3a: {  	_ = 	snop  }
0x3b: {  	_ = 	snop  }
0x3c: {  	p2 =	seq.s32 s10, $0x1;
	s10 =	sld [smem:$0x3FB8]  }
0x3d: {  	_ =	shalt  }
0x3e: {  	_ =	shalt  }
0x3f: {  	_ =	shalt  }
0x40: {  	_ =	shalt  }
0x41: {  	_ =	shalt  }
0x42: {  	_ =	shalt  }
0x43: {  	_ =	shalt  }
0x44: {  	_ =	shalt  }
0x45: {  	_ =	shalt  }
0x46: {  	_ =	shalt  }
0x47: {  	_ =	shalt  }
0x48: {  	_ =	shalt  }
0x49: {  	_ =	shalt  }
0x4a: {  	_ =	shalt  }
0x4b: {  	_ =	shalt  }
0x4c: {  	_ =	shalt  }
0x4d: {  	_ =	shalt  }
0x4e: {  	_ =	shalt  }
0x4f: {  	_ =	shalt  }
0x50: {  	_ =	shalt  }
0x51: {  	_ =	shalt  }
0x52: {  	_ =	shalt  }
0x53: {  	_ =	shalt  }
0x54: {  	_ =	shalt  }
0x55: {  	_ =	shalt  }
0x56: {  	_ =	shalt  }
0x57: {  	_ =	shalt  }
0x58: {  	_ =	shalt  }
0x59: {  	_ =	shalt  }
0x5a: {  	_ =	shalt  }
0x5b: {  	_ =	shalt  }
0x5c: {  	_ =	shalt  }
0x5d: {  	_ =	shalt  }
0x5e: {  	_ =	shalt  }
0x5f: {  	_ =	shalt  }
0x60: {  	_ =	shalt  }
0x61: {  	_ =	shalt  }
0x62: {  	_ =	shalt  }
0x63: {  	_ =	shalt  }
0x64: {  	_ =	shalt  }
0x65: {  	_ =	shalt  }
0x66: {  	_ =	shalt  }
0x67: {  	_ =	shalt  }
0x68: {  	_ =	shalt  }
0x69: {  	_ =	shalt  }
0x6a: {  	_ =	shalt  }
0x6b: {  	_ =	shalt  }
0x6c: {  	_ =	shalt  }
0x6d: {  	_ =	shalt  }
0x6e: {  	_ =	shalt  }
0x6f: {  	_ =	shalt  }
0x70: {  	_ =	shalt  }
0x71: {  	_ =	shalt  }
0x72: {  	_ =	shalt  }
0x73: {  	_ =	shalt  }
0x74: {  	_ =	shalt  }
0x75: {  	_ =	shalt  }
0x76: {  	_ =	shalt  }
0x77: {  	_ =	shalt  }
0x78: {  	_ =	shalt  }
0x79: {  	_ =	shalt  }
0x7a: {  	_ =	shalt  }
0x7b: {  	_ =	shalt  }
0x7c: {  	_ =	shalt  }
0x7d: {  	_ =	shalt  }
0x7e: {  	_ =	shalt  }
0x7f: {  	_ =	shalt  }
0x80: {  	_ =	shalt  }
0x81: {  	_ =	shalt  }
0x82: {  	_ =	shalt  }
0x83: {  	_ =	shalt  }
0x84: {  	_ =	shalt  }
0x85: {  	_ =	shalt  }
0x86: {  	_ =	shalt  }
0x87: {  	_ =	shalt  }
.Lfunc_end0:
.L_simem_size_0:
called_computation_lowered:
.L_overlay_start_0:
0x88: {  	s2 =	sld [smem:$0x3FD9]  }
0x89: {  	s3 =	sld [smem:$0x3FFE];
	_ =	sdelay $0x1  }
0x8a: {  	s1 =	srdreg.scid  }
0x8b: {  	s0 =	sand.u32 $0x1, s1  }
0x8c: {  	s17 =	sshll.u32 s0, $0xA;
	s2 =	sadd.s32 s3, s2  }
0x8d: {  	s2 =	sadd.s32 s2, s17  }
0x8e: {  	[smem:$0x3FC4] =	sst s2  }
0x8f: {  	_ = 	snop  }
0x90: {  	s2 =	sld [smem:$0x3FC9]  }
0x91: {  	s18 =	sld [smem:$0x3FD0];
	(tm) =	ssettm $0x1  }
0x92: {  	s4 =	sld [smem:$0x3FFB];
	_ =	sdelay $0x3  }
0x93: {  	_ =	strace s4  }
0x94: {  	s4 =	sld [smem:$0x3FFC];
	_ =	sdelay $0x3  }
0x95: {  	_ =	strace s4  }
0x96: {  	s4 =	sld [smem:$0x3FFD];
	_ =	sdelay $0x3  }
0x97: {  	_ =	strace s4  }
0x98: {  	_ =	strace $0x8FFFFFFF  }
0x99: {  	s19 =	sld [smem:$0x3FDB];
	_ =	sdelay $0x1  }
0x9a: {  	s5 =	simm.s32 $_scs_section_size  }
0x9b: {  	s6 =	simm.s32 $_size__tile_overlayer_lowered;
	s7 =	simm.s32 $_tile_overlayer_lowered  }
0x9c: {  	s22 =	simm.s32 $0x1BFF;
	s21 =	sshll.u32 s7, $0x1;
	s4 =	sadd.s32 s5, s19  }
0x9d: {  	s8 =	simm.s32 $0x0;
	s20 =	sshll.u32 s6, $0x1;
	s6 =	sadd.s32 s21, s4  }
0x9e: {  	[timem:s8], [sflag:s22] =	dma.local [hbm:s6], s20  }
0x9f: {  	_ =	swait.ge [sflag:s22], s20  }
0xa0: {  	s5 =	ssub.s32 $0x0, s20;
	[sflag:s22] =	ssyncset.done $0x0  }
0xa1: {  	[sflag:s22] =	ssyncadd.s32 s5;
	_ =	sdelay $0x1  }
0xa2: {  	s23 =	simm.s32 $0x1B8B  }
0xa3: {  	_ =	swait.ge [sflag:s23], $0x1  }
0xa4: {  	[sflag:s23] =	ssyncset.done $0x0  }
0xa5: {  	s25 =	simm.s32 $0x1B8E;
	s24 =	sld [smem:$0x3FFE];
	[sflag:s23] =	ssyncadd.s32 $0xFFFFFFFF  }
0xa6: {  	s26 =	simm.s32 $execute0_lowered;
	[smem:$0x3FD2] =	sst s25  }
0xa7: {  	s6 =	sshll.u32 s26, $0x1;
	_ =	strace $0x80000046;
	[dreg:$0x1] =	wrdreg $0xFFFFFFFF  }
0xa8: {  	s28 =	simm.s32 $_size_execute0_lowered;
	s4 =	sadd.s32 s4, s6;
	[dreg:$0x0] =	wrdreg $0x0  }
0xa9: {  	s6 =	sshll.u32 s28, $0x1;
	[dreg:$0x2] =	wrdreg s4  }
0xaa: {  	[dreg:$0x3] =	wrdreg s6  }
0xab: {  	[dreg:$0x4] =	wrdreg $0xC0  }
0xac: {  	_ =	task [dreg:s8], $0x5FFFF  }
0xad: {  	[dreg:$0x1] =	wrdreg $0xFFFFFFFF  }
0xae: {  	[dreg:$0x0] =	wrdreg $0x60  }
0xaf: {  	[dreg:$0x2] =	wrdreg s2  }
0xb0: {  	[dreg:$0x3] =	wrdreg s24  }
0xb1: {  	[dreg:$0x4] =	wrdreg s18  }
0xb2: {  	[dreg:$0x5] =	wrdreg $0x9  }
0xb3: {  	_ =	task.clear_ibuf [dreg:s8], $0x6FFFF;
	_ =	strace $0x90000046  }
0xb4: {  	s29 =	simm.s32 $0x9;
	_ =	strace $0x80000048  }
0xb5: {  	_ =	swait.ge [sflag:s29], $0x1  }
0xb6: {  	[sflag:s29] =	ssyncadd.s32 $0xFFFFFFFF  }
0xb7: {  	_ =	strace $0x90000048  }
0xb8: {  	_ =	sfence  }
0xb9: {  	s30 =	sld [smem:$0x0];
	_ =	sdelay $0x2  }
0xba: {  	s31 =	sshll.u32 s1, $0xD;
	s1 =	sshrl.u32 s1, $0x2  }
0xbb: {  	s3 =	sand.u32 $0x4000, s31;
	s1 =	sadd.s32 s1, s30  }
0xbc: {  	s0 =	sor.u32 s3, s0;
	s1 =	sshll.u32 s1, $0x11  }
0xbd: {  	s0 =	sor.u32 s1, s0  }
0xbe: {  	s0 =	sadd.s32 $0x8F2B, s0  }
0xbf: {  	[sflag:s0] =	ssyncadd.remote.s32 $0x1  }
0xc0: {  	_ =	sfence.sel $0xFFFF  }
0xc1: {  	[dreg:$0x0] =	wrdreg $0xFFFFFFFF;
	(pc) =	sbr.abs _section_cstart, $3  }
0xc2: {  	[dreg:$0x1] =	wrdreg $0xFFFFFFFF  }
0xc3: {  	_ =	task.clear_ibuf [dreg:s8], $0x2FFFF;
	_ =	strace $0x9FFFFFFF  }
0xc4: {  	(tm) =	ssettm $0x7FFFFFFF  }
0xc5: {  	_ =	shalt  }
tec
execute0_lowered:
.L_overlay_start_1:
0x0: {  	(tag) =	ssettag $0x1  }
0x1: {  	s1 =	rddreg [dreg:$0x0]  }
0x2: {  	s0 =	rddreg [dreg:$0x1]  }
0x3: {  	s13 =	rddreg [dreg:$0x2]  }
0x4: {  	s4 =	simm.s32 $0x0;
	s2 =	srdreg.scid;
	s3 =	stileid.u32  }
0x5: {  	s18 =	simm.s32 $0x5;
	s20 =	simm.s32 $0x80;
	s30 =	simm.s32 $0x20  }
0x6: {  	s19 =	simm.s32 $0x1;
	s16 =	simm.s32 $0x16540;
	s17 =	simm.s32 $0x0  }
0x7: {  	[smem:$0x7FF] =	sst s4;
	s2 =	sand.u32 $0x1, s2;
	s3 =	sshll.u32 s3, $0x1  }
0x8: {  	s5 =	sadd.s32 $0x800, s0;
	s6 =	sadd.s32 $0x187400, s0;
	s7 =	sadd.s32 $0xA800, s0  }
0x9: {  	_ =	strace $0x80000047;
	s3 =	sor.u32 s2, s3;
	s25 =	ssub.s32 $0x2, s2  }
0xa: {  	s8 =	sshll.u32 s3, $0x9;
	s26 =	smul.u32 $0x500, s3;
	s10 =	sshrl.u32 s25, $0x1  }
0xb: {  	s11 =	sshll.u32 s3, $0x6;
	s3 =	sshll.u32 s3, $0xD;
	s9 =	sor.u32 $0x20, s8  }
0xc: {  	s0 =	ssub.s32 s25, s10;
	s28 =	sadd.s32 s1, s11;
	s13 =	sadd.s32 s13, s3  }
0xd: {  	s14 =	sor.u32 $0x40, s8;
	s15 =	sor.u32 $0x60, s8;
	s10 =	simm.s32 $0x15540  }
0xe: {  	s11 =	simm.s32 $0x2;
	s12 =	smul.u32 $0x14, s9;
	s2 =	sadd.s32 s5, s26  }
.Ltmp0:
0xf: {  	[dreg:$0x5] =	wrdreg s28;
	s9 =	sshrl.u32 s9, $0x3;
	(pc) =	sbr.rel .LBB2_1-.Ltmp0, $4  }
0x10: {  	s0 =	smax.u32 s0, $0x1;
	[dreg:$0x4] =	wrdreg s2;
	s31 =	sadd.s32 s1, s9  }
0x11: {  	[dreg:$0x8] =	wrdreg s0;
	s0 =	simm.s32 $0x280;
	s29 =	sshrl.u32 s12, $0x3  }
0x12: {  	s9 =	simm.s32 $0x3;
	[dreg:$0x7] =	wrdreg s31;
	s2 =	sadd.s32 s5, s29  }
0x13: {  	v0 =	vimm.s32 $0x0;
	vm0 =	vcmask $0x3F30;
	s12 =	simm.s32 $0x4;
	[dreg:$0x6] =	wrdreg s2;
	s2 =	simm.s32 $0x520  }
.LBB2_8:
0x14: {  	s17 =	rddreg [dreg:$0x9]  }
0x15: {  	s3 =	rddreg [dreg:$0x8];
	s17 =	sadd.s32 $0x1, s17  }
0x16: {  	p0 =	sne.s32 s17, s3  }
.Ltmp1:
0x17: {  	_ = 	snop;
	(pc) =	sbr.rel @!p0 .LBB2_9-.Ltmp1, $1  }
0x18: {  	_ =	sdelay $0x3  }
.LBB2_1:
0x19: {  	[dreg:$0x9] =	wrdreg s17;
	s3 =	simm.s32 $0x17540  }
0x1a: {  	[tilespmem:s3], [sflag:$0x5] =	stream.linear.gather [hbm4b:s7+s4], $0x40, $0x38;
	[tilespmem:$0x17580] =	vst v63  }
0x1b: {  	_ =	swait.ge [sflag:s18], $0x40  }
0x1c: {  	[sflag:s18] =	ssyncset.done $0x0  }
0x1d: {  	s26 =	rddreg [dreg:$0x4];
	[sflag:s18] =	ssyncadd.s32 $0xFFFFFFC0  }
0x1e: {  	[tilespmem:s4], [sflag:$0x5] =	stream.linear.gather [hbm4b:s26+s4], $0x280, $0x38;
	[tilespmem:$0x17580] =	vst v63  }
0x1f: {  	_ =	swait.ge [sflag:s18], $0x280  }
0x20: {  	[sflag:s18] =	ssyncset.done $0x0  }
0x21: {  	s29 =	simm.s32 $0x500;
	s28 =	rddreg [dreg:$0x5];
	[sflag:s18] =	ssyncadd.s32 $0xFFFFFD80  }
0x22: {  	[tilespmem:s29], [sflag:$0x5] =	stream.linear.gather [hbm4b:s28+s4], $0x20, $0x38;
	[tilespmem:$0x17580] =	vst v63  }
0x23: {  	_ =	swait.ge [sflag:s18], $0x20  }
0x24: {  	[sflag:s18] =	ssyncset.done $0x0  }
0x25: {  	s31 =	simm.s32 $0x540;
	[sflag:s18] =	ssyncadd.s32 $0xFFFFFFE0  }
0x26: {  	[tilespmem:s31], [sflag:$0x1] =	stream.indirect.gather [hbm4b:s7+s20], $0x40, s4, s20, $0xb8;
	[tilespmem:$0x17580] =	vst v63  }
0x27: {  	s21 =	simm.s32 $0x2540  }
0x28: {  	[tilespmem:s21], [sflag:$0x1] =	stream.indirect.gather [hbm4b:s7+s20], $0x40, s20, s20, $0xb8;
	[tilespmem:$0x17580] =	vst v63  }
0x29: {  	s22 =	simm.s32 $0x100;
	s21 =	simm.s32 $0x4540  }
0x2a: {  	[tilespmem:s21], [sflag:$0x1] =	stream.indirect.gather [hbm4b:s7+s20], $0x40, s22, s20, $0xb8;
	[tilespmem:$0x17580] =	vst v63  }
0x2b: {  	s23 =	simm.s32 $0x180;
	s24 =	simm.s32 $0x6540  }
0x2c: {  	[tilespmem:s24], [sflag:$0x1] =	stream.indirect.gather [hbm4b:s7+s20], $0x40, s23, s20, $0xb8;
	[tilespmem:$0x17580] =	vst v63  }
0x2d: {  	s25 =	simm.s32 $0x200;
	s26 =	simm.s32 $0x8540  }
0x2e: {  	[tilespmem:s26], [sflag:$0x1] =	stream.indirect.gather [hbm4b:s7+s20], $0x40, s25, s20, $0xb8;
	[tilespmem:$0x17580] =	vst v63  }
0x2f: {  	s28 =	simm.s32 $0x14540  }
0x30: {  	[tilespmem:s28], [sflag:$0x3] =	stream.indirect.gather [hbm4b:s6+s30], $0x40, s29, s30, $0xb8;
	[tilespmem:$0x17580] =	vst v63  }
0x31: {  	s29 =	rddreg [dreg:$0x6]  }
0x32: {  	[tilespmem:s0], [sflag:$0x5] =	stream.linear.gather [hbm4b:s29+s4], $0x280, $0x38;
	[tilespmem:$0x17580] =	vst v63  }
0x33: {  	_ =	swait.ge [sflag:s18], $0x280  }
0x34: {  	[sflag:s18] =	ssyncset.done $0x0  }
0x35: {  	s31 =	rddreg [dreg:$0x7];
	[sflag:s18] =	ssyncadd.s32 $0xFFFFFD80  }
0x36: {  	[tilespmem:s2], [sflag:$0x5] =	stream.linear.gather [hbm4b:s31+s4], $0x20, $0x38;
	[tilespmem:$0x17580] =	vst v63  }
0x37: {  	_ =	swait.ge [sflag:s18], $0x20  }
0x38: {  	[sflag:s18] =	ssyncset.done $0x0  }
0x39: {  	s17 =	simm.s32 $0xA540;
	[sflag:s18] =	ssyncadd.s32 $0xFFFFFFE0  }
0x3a: {  	[tilespmem:s17], [sflag:$0x2] =	stream.indirect.gather [hbm4b:s7+s20], $0x40, s0, s20, $0xb8;
	[tilespmem:$0x17580] =	vst v63  }
0x3b: {  	s21 =	simm.s32 $0x300;
	s22 =	simm.s32 $0xC540  }
0x3c: {  	[tilespmem:s22], [sflag:$0x2] =	stream.indirect.gather [hbm4b:s7+s20], $0x40, s21, s20, $0xb8;
	[tilespmem:$0x17580] =	vst v63  }
0x3d: {  	s23 =	simm.s32 $0x380;
	s24 =	simm.s32 $0xE540  }
0x3e: {  	[tilespmem:s24], [sflag:$0x2] =	stream.indirect.gather [hbm4b:s7+s20], $0x40, s23, s20, $0xb8;
	[tilespmem:$0x17580] =	vst v63  }
0x3f: {  	s25 =	simm.s32 $0x400;
	s26 =	simm.s32 $0x10540  }
0x40: {  	[tilespmem:s26], [sflag:$0x2] =	stream.indirect.gather [hbm4b:s7+s20], $0x40, s25, s20, $0xb8;
	[tilespmem:$0x17580] =	vst v63  }
0x41: {  	s28 =	simm.s32 $0x480;
	s29 =	simm.s32 $0x12540  }
0x42: {  	[tilespmem:s29], [sflag:$0x2] =	stream.indirect.gather [hbm4b:s7+s20], $0x40, s28, s20, $0xb8;
	[tilespmem:$0x17580] =	vst v63  }
0x43: {  	s3 =	simm.s32 $0x0;
	s31 =	simm.s32 $0x14D40  }
0x44: {  	[tilespmem:s31], [sflag:$0x4] =	stream.indirect.gather [hbm4b:s6+s30], $0x40, s2, s30, $0xb8;
	[tilespmem:$0x17580] =	vst v63  }
.LBB2_2:
0x45: {  	_ =	swait.ge [sflag:s19], $0xA000  }
0x46: {  	[sflag:s19] =	ssyncset.done $0x0  }
0x47: {  	[sflag:s19] =	ssyncadd.s32 $0xFFFF6000  }
0x48: {  	_ =	swait.ge [sflag:s9], $0x800  }
0x49: {  	[sflag:s9] =	ssyncset.done $0x0  }
0x4a: {  	s17 =	simm.s32 $0x7C0;
	[sflag:s9] =	ssyncadd.s32 $0xFFFFF800  }
0x4b: {  	v1 =	vld [tilespmem:s17+$0x270]  }
0x4c: {  	v5 =	vld [tilespmem:s17+$0x260]  }
0x4d: {  	v16 =	vld [tilespmem:s17+$0x250]  }
0x4e: {  	v2 =	vld [tilespmem:s17+$0x230]  }
0x4f: {  	v7 =	vld [tilespmem:s17+$0x220]  }
0x50: {  	v20 =	vld [tilespmem:s17+$0x210]  }
0x51: {  	v3 =	vld [tilespmem:s17+$0x1F0]  }
0x52: {  	v9 =	vld [tilespmem:s17+$0x1E0]  }
0x53: {  	v22 =	vld [tilespmem:s17+$0x1D0]  }
0x54: {  	v4 =	vld [tilespmem:s17+$0x1B0]  }
0x55: {  	v12 =	vld [tilespmem:s17+$0x1A0]  }
0x56: {  	v27 =	vld [tilespmem:s17+$0x190]  }
0x57: {  	v6 =	vld [tilespmem:s17+$0x170]  }
0x58: {  	v14 =	vld [tilespmem:s17+$0x160]  }
0x59: {  	v28 =	vld [tilespmem:s17+$0x150]  }
0x5a: {  	v8 =	vld [tilespmem:s17+$0x130]  }
0x5b: {  	v17 =	vld [tilespmem:s17+$0x120]  }
0x5c: {  	v10 =	vld [tilespmem:s17+$0xF0]  }
0x5d: {  	v21 =	vld [tilespmem:s17+$0xE0]  }
0x5e: {  	v11 =	vld [tilespmem:s17+$0xB0]  }
0x5f: {  	v24 =	vld [tilespmem:s17+$0xA0]  }
0x60: {  	v13 =	vld [tilespmem:s17+$0x70]  }
0x61: {  	v26 =	vld [tilespmem:s17+$0x60]  }
0x62: {  	v15 =	vld [tilespmem:s17+$0x30]  }
0x63: {  	v29 =	vld [tilespmem:s17+$0x20]  }
0x64: {  	v18 =	vld [tilespmem:s17+$0xFFFFFFF0]  }
0x65: {  	v31 =	vld [tilespmem:s17+$0xFFFFFFE0]  }
0x66: {  	v19 =	vld [tilespmem:s17+$0xFFFFFFB0]  }
0x67: {  	v32 =	vld [tilespmem:s17+$0xFFFFFFA0]  }
0x68: {  	v23 =	vld [tilespmem:s17+$0xFFFFFF70]  }
0x69: {  	s21 =	simm.s32 $0x4;
	v33 =	vld [tilespmem:s17+$0xFFFFFF60]  }
0x6a: {  	v30 =	vld [tilespmem:s21+$0x0]  }
0x6b: {  	v25 =	vld [tilespmem:s17+$0xFFFFFF30]  }
0x6c: {  	v34 =	vld [tilespmem:s21+$0xFFFFFFFC]  }
0x6d: {  	v35 =	vld [tilespmem:s17+$0xFFFFFD80]  }
0x6e: {  	v36 =	vld [tilespmem:s17+$0xFFFFFDC0]  }
0x6f: {  	v37 =	vld [tilespmem:s17+$0xFFFFFF20];
	vm1 =	veq.s32 v30, $0x0  }
0x70: {  	v38 =	vld [tilespmem:s17+$0xFFFFFE00];
	vm1 =	vmand vm1, vm0  }
0x71: {  	v58 =	vld [tilespmem:s17+$0xFFFFFE40];
	vm2 =	veq.s32 v34, $0x0;
	v39 =	vsel vm1, $0x1, v0  }
0x72: {  	v59 =	vld [tilespmem:s17+$0xFFFFFE80];
	v40 =	vsel vm2, $0x1, v0;
	(xrf0) =	vadd.scan.msk.s32 $0xffff, v39  }
0x73: {  	v60 =	vld [tilespmem:s17+$0xFFFFFEC0];
	v35 =	vadd.f32 v36, v35;
	(xrf0) =	vadd.scan.msk.s32 $0xffff, v40  }
0x74: {  	v41 =	vld [tilespmem:s17+$0xFFFFFE30]  }
0x75: {  	v61 =	vld [tilespmem:s17+$0xFFFFFF00];
	v35 =	vadd.f32 v38, v35  }
0x76: {  	v43 =	vld [tilespmem:s17+$0xFFFFFF40]  }
0x77: {  	v62 =	vld [tilespmem:s17+$0xFFFFFF80];
	v34 =	vadd.f32 v58, v35  }
0x78: {  	v63 =	vld [tilespmem:s17+$0x0];
	v42, _, _ =	vpop (xrf0)  }
0x79: {  	v48 =	vld [tilespmem:s17+$0xFFFFFFC0];
	v34 =	vadd.f32 v59, v34;
	v44, _, _ =	vpop (xrf0);
	(v2sf) =	vpush v42, $0xF  }
0x7a: {  	v45 =	vld [tilespmem:s17+$0xFFFFFDD0];
	(v2sf) =	vpush v44, $0xF  }
0x7b: {  	v49 =	vld [tilespmem:s17+$0xFFFFFD90];
	v34 =	vadd.f32 v60, v34  }
0x7c: {  	v50 =	vld [tilespmem:s17+$0x40]  }
0x7d: {  	v46 =	vld [tilespmem:s17+$0xFFFFFE10];
	v34 =	vadd.f32 v61, v34  }
0x7e: {  	v51 =	vld [tilespmem:s17+$0x80]  }
0x7f: {  	v47 =	vld [tilespmem:s17+$0xFFFFFE50];
	v34 =	vadd.f32 v43, v34  }
0x80: {  	v52 =	vld [tilespmem:s17+$0xC0]  }
0x81: {  	v53 =	vld [tilespmem:s17+$0xFFFFFE90];
	v34 =	vadd.f32 v62, v34  }
0x82: {  	v54 =	vld [tilespmem:s17+$0x100]  }
0x83: {  	v55 =	vld [tilespmem:s17+$0xFFFFFED0];
	v34 =	vadd.f32 v48, v34  }
0x84: {  	v56 =	vld [tilespmem:s17+$0x140];
	v43 =	vadd.f32 v45, v49  }
0x85: {  	v30 =	vld [tilespmem:s17+$0xFFFFFEF0];
	v34 =	vadd.f32 v63, v34  }
0x86: {  	v36 =	vld [tilespmem:s17+$0xFFFFFEB0];
	v43 =	vadd.f32 v46, v43  }
0x87: {  	v39 =	vld [tilespmem:s17+$0x10];
	v34 =	vadd.f32 v50, v34  }
0x88: {  	v58 =	vld [tilespmem:s17+$0x180];
	v43 =	vadd.f32 v47, v43;
	s31 =	spop (v2sf)  }
0x89: {  	v48 =	vld [tilespmem:s17+$0xFFFFFF10];
	v34 =	vadd.f32 v51, v34;
	s22 =	spop (v2sf)  }
0x8a: {  	v59 =	vld [tilespmem:s17+$0xFFFFFF50];
	v57 =	vadd.f32 v53, v43;
	s21 =	sadd.s32 s22, s31  }
0x8b: {  	v60 =	vld [tilespmem:s17+$0x1C0];
	v34 =	vadd.f32 v52, v34;
	s23 =	scvt.s32.f32 s21  }
0x8c: {  	v42 =	vld [tilespmem:s17+$0xFFFFFDE0];
	v35 =	vadd.f32 v55, v57  }
0x8d: {  	v49 =	vld [tilespmem:s17+$0xFFFFFF90];
	v34 =	vadd.f32 v54, v34;
	v61 =	vmov s23  }
0x8e: {  	v44 =	vld [tilespmem:$0x17540];
	v35 =	vadd.f32 v48, v35;
	v46 =	vsub.f32 $2.000000000e+01, v61  }
0x8f: {  	v63 =	vld [tilespmem:s17+$0xFFFFFFD0];
	v34 =	vadd.f32 v56, v34  }
0x90: {  	v62 =	vld [tilespmem:s17+$0x200];
	v35 =	vadd.f32 v59, v35;
	v52 =	vmax.f32 v46, $1.000000000e+00  }
0x91: {  	v53 =	vld [tilespmem:s17+$0x240];
	v34 =	vadd.f32 v58, v34;
	(erf) = vrcp.f32 v52  }
0x92: {  	v54 =	vld [tilespmem:s17+$0xFFFFFDA0];
	v35 =	vadd.f32 v49, v35  }
0x93: {  	v55 =	vld [tilespmem:s17+$0x50];
	v34 =	vadd.f32 v60, v34  }
0x94: {  	v56 =	vld [tilespmem:s17+$0xFFFFFE20];
	v35 =	vadd.f32 v63, v35  }
0x95: {  	v57 =	vld [tilespmem:s17+$0x90];
	v34 =	vadd.f32 v62, v34  }
0x96: {  	v58 =	vld [tilespmem:s17+$0xFFFFFE60];
	v35 =	vadd.f32 v39, v35  }
0x97: {  	v59 =	vld [tilespmem:s17+$0xD0];
	v44 =	vmul.f32 s23, v44;
	v42 =	vadd.f32 v42, v54;
	v34 =	vadd.f32 v53, v34  }
0x98: {  	v60 =	vld [tilespmem:s17+$0xFFFFFEA0];
	v35 =	vadd.f32 v55, v35  }
0x99: {  	v61 =	vld [tilespmem:s17+$0x110];
	v42 =	vadd.f32 v56, v42;
	v34 =	vsub.f32 v34, v44  }
0x9a: {  	v62 =	vld [tilespmem:s17+$0xFFFFFEE0];
	v45 =	vpop (erf)  }
0x9b: {  	v38 =	vld [tilespmem:s17+$0xFFFFFE70];
	v35 =	vadd.f32 v57, v35;
	v42 =	vadd.f32 v58, v42;
	v34 =	vmul.f32 v45, v34  }
0x9c: {  	v49 =	vld [tilespmem:s17+$0xFFFFFDB0];
	s21 =	simm.s32 $0x15580  }
0x9d: {  	s22 =	simm.s32 $0x14560;
	v63 =	vld [tilespmem:s17+$0xFFFFFDF0];
	v35 =	vadd.f32 v59, v35;
	v42 =	vadd.f32 v60, v42;
	[tilespmem:s21+$0x0] =	vst v34  }
0x9e: {  	v34 =	vld [tilespmem:s22+$0xFFFFFFE0]  }
0x9f: {  	v35 =	vadd.f32 v61, v35;
	v50 =	vadd.f32 v62, v42;
	_ =	sdelay $0x1  }
0xa0: {  	v28 =	vadd.f32 v28, v35;
	v37 =	vadd.f32 v37, v50;
	_ =	sdelay $0x1  }
0xa1: {  	v27 =	vadd.f32 v27, v28;
	v33 =	vadd.f32 v33, v37;
	[tilespmem:s21+$0xFFFFFFC0] =	vst v34  }
0xa2: {  	v51 =	vld [tilespmem:$0x17550]  }
0xa3: {  	v22 =	vadd.f32 v22, v27;
	v32 =	vadd.f32 v32, v33;
	_ =	sdelay $0x1  }
0xa4: {  	v20 =	vadd.f32 v20, v22;
	v52 =	vadd.f32 v31, v32  }
0xa5: {  	v53 =	vadd.f32 v63, v49  }
0xa6: {  	v16 =	vadd.f32 v16, v20;
	v27 =	vadd.f32 v29, v52;
	v54 =	vmul.f32 s23, v51  }
0xa7: {  	v22 =	vadd.f32 v41, v53  }
0xa8: {  	v26 =	vadd.f32 v26, v27;
	v16 =	vsub.f32 v16, v54;
	_ =	sdelay $0x1  }
0xa9: {  	v55 =	vadd.f32 v38, v22;
	v56 =	vadd.f32 v24, v26;
	v16 =	vmul.f32 v45, v16;
	_ =	sdelay $0x1  }
0xaa: {  	v20 =	vadd.f32 v36, v55;
	v21 =	vadd.f32 v21, v56;
	[tilespmem:s21+$0x10] =	vst v16  }
0xab: {  	v16 =	vld [tilespmem:s22+$0xFFFFFFF0]  }
0xac: {  	v20 =	vadd.f32 v30, v20;
	v17 =	vadd.f32 v17, v21;
	_ =	sdelay $0x1  }
0xad: {  	v20 =	vadd.f32 v25, v20;
	v14 =	vadd.f32 v14, v17;
	_ =	sdelay $0x1  }
0xae: {  	v57 =	vadd.f32 v23, v20;
	v12 =	vadd.f32 v12, v14;
	[tilespmem:s21+$0xFFFFFFD0] =	vst v16  }
0xaf: {  	v58 =	vld [tilespmem:$0x17560]  }
0xb0: {  	v59 =	vadd.f32 v19, v57;
	v9 =	vadd.f32 v9, v12;
	_ =	sdelay $0x1  }
0xb1: {  	v60 =	vadd.f32 v18, v59;
	v7 =	vadd.f32 v7, v9;
	_ =	sdelay $0x1  }
0xb2: {  	v61 =	vadd.f32 v15, v60;
	v5 =	vadd.f32 v5, v7;
	v62 =	vmul.f32 s23, v58;
	_ =	sdelay $0x1  }
0xb3: {  	v9 =	vadd.f32 v13, v61;
	v5 =	vsub.f32 v5, v62;
	_ =	sdelay $0x1  }
0xb4: {  	v63 =	vadd.f32 v11, v9;
	v5 =	vmul.f32 v45, v5;
	_ =	sdelay $0x1  }
0xb5: {  	v7 =	vadd.f32 v10, v63;
	[tilespmem:s21+$0x20] =	vst v5  }
0xb6: {  	v5 =	vld [tilespmem:s22+$0x0]  }
0xb7: {  	v7 =	vadd.f32 v8, v7;
	_ =	sdelay $0x1  }
0xb8: {  	v6 =	vadd.f32 v6, v7;
	_ =	sdelay $0x1  }
0xb9: {  	v4 =	vadd.f32 v4, v6;
	[tilespmem:s21+$0xFFFFFFE0] =	vst v5  }
0xba: {  	v5 =	vld [tilespmem:$0x17570]  }
0xbb: {  	v3 =	vadd.f32 v3, v4;
	_ =	sdelay $0x1  }
0xbc: {  	v2 =	vadd.f32 v2, v3;
	_ =	sdelay $0x1  }
0xbd: {  	v1 =	vadd.f32 v1, v2;
	v2 =	vmul.f32 s23, v5;
	_ =	sdelay $0x1  }
0xbe: {  	v1 =	vsub.f32 v1, v2;
	_ =	sdelay $0x1  }
0xbf: {  	v1 =	vmul.f32 v1, v45;
	_ =	sdelay $0x1  }
0xc0: {  	[tilespmem:s21+$0x30] =	vst v1  }
0xc1: {  	s24 =	simm.s32 $0x15580;
	s23 =	simm.s32 $0x60;
	v1 =	vld [tilespmem:s22+$0x10]  }
.LBB2_3:
0xc2: {  	_ =	sdelay $0x1  }
0xc3: {  	s22 =	sadd.s32 $0x40, s22  }
0xc4: {  	s21 =	sadd.s32 $0x80, s21;
	s17 =	sadd.s32 $0x500, s17;
	s25 =	smov.u32 s23  }
0xc5: {  	p0 =	sne.s32 s23, $0x9C0;
	s23 =	sadd.s32 $0x50, s23;
	[tilespmem:s24+$0xFFFFFFF0] =	vst v1;
	s24 =	smov.u32 s21  }
0xc6: {  	v1 =	vld [tilespmem:s17+$0x270]  }
0xc7: {  	v4 =	vld [tilespmem:s17+$0x260]  }
0xc8: {  	v14 =	vld [tilespmem:s17+$0x250]  }
0xc9: {  	v2 =	vld [tilespmem:s17+$0x230]  }
0xca: {  	v6 =	vld [tilespmem:s17+$0x220]  }
0xcb: {  	v17 =	vld [tilespmem:s17+$0x210]  }
0xcc: {  	v3 =	vld [tilespmem:s17+$0x1F0]  }
0xcd: {  	v8 =	vld [tilespmem:s17+$0x1E0]  }
0xce: {  	v20 =	vld [tilespmem:s17+$0x1D0]  }
0xcf: {  	v5 =	vld [tilespmem:s17+$0x1B0]  }
0xd0: {  	v10 =	vld [tilespmem:s17+$0x1A0]  }
0xd1: {  	v25 =	vld [tilespmem:s17+$0x190]  }
0xd2: {  	v7 =	vld [tilespmem:s17+$0x170]  }
0xd3: {  	v13 =	vld [tilespmem:s17+$0x160]  }
0xd4: {  	v28 =	vld [tilespmem:s17+$0x150]  }
0xd5: {  	v9 =	vld [tilespmem:s17+$0x130]  }
0xd6: {  	v16 =	vld [tilespmem:s17+$0x120]  }
0xd7: {  	v11 =	vld [tilespmem:s17+$0xF0]  }
0xd8: {  	v19 =	vld [tilespmem:s17+$0xE0]  }
0xd9: {  	v12 =	vld [tilespmem:s17+$0xB0]  }
0xda: {  	v22 =	vld [tilespmem:s17+$0xA0]  }
0xdb: {  	v15 =	vld [tilespmem:s17+$0x70]  }
0xdc: {  	v24 =	vld [tilespmem:s17+$0x60]  }
0xdd: {  	v18 =	vld [tilespmem:s17+$0x30]  }
0xde: {  	v27 =	vld [tilespmem:s17+$0x20]  }
0xdf: {  	v21 =	vld [tilespmem:s17+$0xFFFFFFF0]  }
0xe0: {  	v30 =	vld [tilespmem:s17+$0xFFFFFFE0]  }
0xe1: {  	v23 =	vld [tilespmem:s17+$0xFFFFFFB0]  }
0xe2: {  	v31 =	vld [tilespmem:s17+$0xFFFFFFA0]  }
0xe3: {  	v26 =	vld [tilespmem:s17+$0xFFFFFF70]  }
0xe4: {  	v33 =	vld [tilespmem:s17+$0xFFFFFF60]  }
0xe5: {  	s25 =	sshra.s32 s25, $0x2;
	v29 =	vld [tilespmem:s17+$0xFFFFFF30]  }
0xe6: {  	v32 =	vld [tilespmem:s25+$0x0]  }
0xe7: {  	v34 =	vld [tilespmem:s25+$0xFFFFFFFC]  }
0xe8: {  	v36 =	vld [tilespmem:s17+$0xFFFFFD80]  }
0xe9: {  	v37 =	vld [tilespmem:s17+$0xFFFFFDC0]  }
0xea: {  	v35 =	vld [tilespmem:s17+$0xFFFFFF20]  }
0xeb: {  	v38 =	vld [tilespmem:s17+$0xFFFFFE00];
	vm1 =	veq.s32 v32, $0x0  }
0xec: {  	v32 =	vld [tilespmem:s17+$0xFFFFFEF0];
	vm2 =	veq.s32 v34, $0x0;
	vm1 =	vmand vm1, vm0  }
0xed: {  	v39 =	vld [tilespmem:s17+$0xFFFFFE40];
	v40 =	vsel vm2, $0x1, v0;
	v41 =	vsel vm1, $0x1, v0  }
0xee: {  	v36 =	vadd.f32 v37, v36;
	v34 =	vld [tilespmem:s17+$0xFFFFFEB0];
	(xrf0) =	vadd.scan.msk.s32 $0xffff, v41  }
0xef: {  	v41 =	vld [tilespmem:s17+$0xFFFFFE80];
	(xrf0) =	vadd.scan.msk.s32 $0xffff, v40  }
0xf0: {  	v38 =	vadd.f32 v38, v36;
	v36 =	vld [tilespmem:s17+$0xFFFFFE70]  }
0xf1: {  	v40 =	vld [tilespmem:s17+$0xFFFFFEC0]  }
0xf2: {  	v37 =	vld [tilespmem:s17+$0xFFFFFE30];
	v38 =	vadd.f32 v39, v38  }
0xf3: {  	v39 =	vld [tilespmem:s17+$0xFFFFFF00]  }
0xf4: {  	v38 =	vadd.f32 v41, v38;
	v41 =	vld [tilespmem:s17+$0x10];
	v42, _, _ =	vpop (xrf0)  }
0xf5: {  	v43 =	vld [tilespmem:s17+$0xFFFFFF40];
	v44, _, _ =	vpop (xrf0);
	(v2sf) =	vpush v42, $0xF  }
0xf6: {  	v42 =	vld [tilespmem:s17+$0xFFFFFDE0];
	v38 =	vadd.f32 v40, v38;
	(v2sf) =	vpush v44, $0xF  }
0xf7: {  	v40 =	vld [tilespmem:s17+$0xFFFFFF80]  }
0xf8: {  	v38 =	vadd.f32 v39, v38;
	v39 =	vld [tilespmem:s17+$0x0]  }
0xf9: {  	v44 =	vld [tilespmem:s17+$0xFFFFFFC0]  }
0xfa: {  	v45 =	vld [tilespmem:s17+$0xFFFFFDD0];
	v38 =	vadd.f32 v43, v38  }
0xfb: {  	v43 =	vld [tilespmem:s17+$0xFFFFFD90]  }
0xfc: {  	v38 =	vadd.f32 v40, v38;
	v40 =	vld [tilespmem:s17+$0x40]  }
0xfd: {  	v46 =	vld [tilespmem:s17+$0xFFFFFE10]  }
0xfe: {  	v38 =	vadd.f32 v44, v38;
	v44 =	vld [tilespmem:s17+$0x80]  }
0xff: {  	v47 =	vld [tilespmem:s17+$0xFFFFFE50]  }
0x100: {  	v43 =	vadd.f32 v45, v43;
	v38 =	vadd.f32 v39, v38;
	v39 =	vld [tilespmem:s17+$0xC0]  }
0x101: {  	v45 =	vld [tilespmem:s17+$0xFFFFFE90]  }
0x102: {  	v43 =	vadd.f32 v46, v43;
	v38 =	vadd.f32 v40, v38;
	v40 =	vld [tilespmem:s17+$0x100]  }
0x103: {  	v46 =	vld [tilespmem:s17+$0xFFFFFED0]  }
0x104: {  	v43 =	vadd.f32 v47, v43;
	v38 =	vadd.f32 v44, v38;
	v44 =	vld [tilespmem:$0x17540];
	s25 =	spop (v2sf)  }
0x105: {  	v47 =	vld [tilespmem:s17+$0x140];
	s26 =	spop (v2sf)  }
0x106: {  	v43 =	vadd.f32 v45, v43;
	v45 =	vld [tilespmem:s17+$0xFFFFFF10];
	v38 =	vadd.f32 v39, v38;
	s25 =	sadd.s32 s26, s25  }
0x107: {  	v39 =	vld [tilespmem:s17+$0x180];
	s25 =	scvt.s32.f32 s25  }
0x108: {  	v43 =	vadd.f32 v46, v43;
	v46 =	vld [tilespmem:s17+$0xFFFFFF50];
	v38 =	vadd.f32 v40, v38  }
0x109: {  	v40 =	vld [tilespmem:s17+$0x1C0];
	v48 =	vmov s25;
	v44 =	vmul.f32 s25, v44  }
0x10a: {  	v49 =	vld [tilespmem:s17+$0xFFFFFF90];
	v38 =	vadd.f32 v47, v38;
	v47 =	vsub.f32 $2.000000000e+01, v48  }
0x10b: {  	v43 =	vadd.f32 v45, v43;
	v45 =	vld [tilespmem:s17+$0x200]  }
0x10c: {  	v48 =	vld [tilespmem:s17+$0xFFFFFFD0];
	v38 =	vadd.f32 v39, v38;
	v39 =	vmax.f32 v47, $1.000000000e+00  }
0x10d: {  	v43 =	vadd.f32 v46, v43;
	v46 =	vld [tilespmem:s17+$0x240];
	(erf) = vrcp.f32 v39  }
0x10e: {  	v39 =	vld [tilespmem:s17+$0xFFFFFDA0];
	v38 =	vadd.f32 v40, v38  }
0x10f: {  	v40 =	vadd.f32 v49, v43;
	v43 =	vld [tilespmem:s17+$0x50]  }
0x110: {  	v47 =	vld [tilespmem:s17+$0xFFFFFE20];
	v38 =	vadd.f32 v45, v38  }
0x111: {  	v40 =	vadd.f32 v48, v40;
	v45 =	vld [tilespmem:s17+$0x90]  }
0x112: {  	v48 =	vld [tilespmem:s17+$0xFFFFFE60];
	v38 =	vadd.f32 v46, v38  }
0x113: {  	v39 =	vadd.f32 v42, v39;
	v40 =	vadd.f32 v41, v40;
	v41 =	vld [tilespmem:s17+$0xD0]  }
0x114: {  	v42 =	vld [tilespmem:s17+$0xFFFFFEA0];
	v38 =	vsub.f32 v38, v44  }
0x115: {  	v39 =	vadd.f32 v47, v39;
	v40 =	vadd.f32 v43, v40;
	v43 =	vld [tilespmem:s17+$0x110]  }
0x116: {  	v44 =	vld [tilespmem:s17+$0xFFFFFEE0];
	v46 =	vpop (erf)  }
0x117: {  	v47 =	vld [tilespmem:s17+$0xFFFFFDF0];
	v39 =	vadd.f32 v48, v39;
	v40 =	vadd.f32 v45, v40;
	v38 =	vmul.f32 v46, v38  }
0x118: {  	v45 =	vld [tilespmem:s17+$0xFFFFFDB0]  }
0x119: {  	v39 =	vadd.f32 v42, v39;
	v40 =	vadd.f32 v41, v40;
	[tilespmem:s21+$0x0] =	vst v38  }
0x11a: {  	v38 =	vld [tilespmem:s22+$0xFFFFFFE0]  }
0x11b: {  	v39 =	vadd.f32 v44, v39;
	v40 =	vadd.f32 v43, v40;
	_ =	sdelay $0x1  }
0x11c: {  	v35 =	vadd.f32 v35, v39;
	v28 =	vadd.f32 v28, v40  }
0x11d: {  	v39 =	vadd.f32 v47, v45  }
0x11e: {  	v33 =	vadd.f32 v33, v35;
	v25 =	vadd.f32 v25, v28;
	[tilespmem:s21+$0xFFFFFFC0] =	vst v38  }
0x11f: {  	v28 =	vadd.f32 v37, v39;
	v35 =	vld [tilespmem:$0x17550]  }
0x120: {  	v31 =	vadd.f32 v31, v33;
	v20 =	vadd.f32 v20, v25  }
0x121: {  	v25 =	vadd.f32 v36, v28  }
0x122: {  	v28 =	vadd.f32 v30, v31;
	v17 =	vadd.f32 v17, v20  }
0x123: {  	v20 =	vadd.f32 v34, v25  }
0x124: {  	v25 =	vadd.f32 v27, v28;
	v14 =	vadd.f32 v14, v17;
	v17 =	vmul.f32 s25, v35  }
0x125: {  	v20 =	vadd.f32 v32, v20  }
0x126: {  	v24 =	vadd.f32 v24, v25;
	v14 =	vsub.f32 v14, v17  }
0x127: {  	v17 =	vadd.f32 v29, v20  }
0x128: {  	v20 =	vadd.f32 v22, v24;
	v14 =	vmul.f32 v46, v14  }
0x129: {  	v17 =	vadd.f32 v26, v17  }
0x12a: {  	v19 =	vadd.f32 v19, v20;
	[tilespmem:s21+$0x10] =	vst v14  }
0x12b: {  	v14 =	vadd.f32 v23, v17;
	v17 =	vld [tilespmem:s22+$0xFFFFFFF0]  }
0x12c: {  	v16 =	vadd.f32 v16, v19  }
0x12d: {  	v14 =	vadd.f32 v21, v14  }
0x12e: {  	v13 =	vadd.f32 v13, v16  }
0x12f: {  	v14 =	vadd.f32 v18, v14  }
0x130: {  	v10 =	vadd.f32 v10, v13;
	[tilespmem:s21+$0xFFFFFFD0] =	vst v17  }
0x131: {  	v13 =	vadd.f32 v15, v14;
	v14 =	vld [tilespmem:$0x17560]  }
0x132: {  	v8 =	vadd.f32 v8, v10  }
0x133: {  	v10 =	vadd.f32 v12, v13  }
0x134: {  	v6 =	vadd.f32 v6, v8  }
0x135: {  	v8 =	vadd.f32 v11, v10  }
0x136: {  	v4 =	vadd.f32 v4, v6;
	v6 =	vmul.f32 s25, v14  }
0x137: {  	v8 =	vadd.f32 v9, v8  }
0x138: {  	v4 =	vsub.f32 v4, v6  }
0x139: {  	v6 =	vadd.f32 v7, v8  }
0x13a: {  	v4 =	vmul.f32 v46, v4  }
0x13b: {  	v5 =	vadd.f32 v5, v6  }
0x13c: {  	[tilespmem:s21+$0x20] =	vst v4  }
0x13d: {  	v3 =	vadd.f32 v3, v5;
	v4 =	vld [tilespmem:s22+$0x0];
	_ =	sdelay $0x1  }
0x13e: {  	v2 =	vadd.f32 v2, v3;
	_ =	sdelay $0x2  }
0x13f: {  	[tilespmem:s21+$0xFFFFFFE0] =	vst v4  }
0x140: {  	v3 =	vld [tilespmem:$0x17570];
	_ =	sdelay $0x4  }
0x141: {  	v1 =	vadd.f32 v1, v2;
	v2 =	vmul.f32 s25, v3;
	_ =	sdelay $0x1  }
0x142: {  	v1 =	vsub.f32 v1, v2  }
.Ltmp2:
0x143: {  	(pc) =	sbr.rel @p0 .LBB2_3-.Ltmp2, $3  }
0x144: {  	v1 =	vmul.f32 v1, v46;
	_ =	sdelay $0x1  }
0x145: {  	[tilespmem:s21+$0x30] =	vst v1  }
0x146: {  	v1 =	vld [tilespmem:s22+$0x10]  }
0x147: {  	_ =	sdelay $0x2  }
0x148: {  	s17 =	sshll.u32 s3, $0xA  }
0x149: {  	s17 =	sadd.s32 s17, s13;
	[tilespmem:s24+$0xFFFFFFF0] =	vst v1  }
0x14a: {  	[hbm4b:s17+s4] =	stream.linear.scatter [tilespmem:s10], [sflag:$0x5], $0x1000, $0x38;
	[tilespmem:$0x17580] =	vst v63  }
0x14b: {  	p0 =	seq.s32 s3, $0x7;
	s17 =	sshll.u32 s3, $0x6  }
0x14c: {  	s21 =	sadd.s32 @!p0 s17, s14  }
0x14d: {  	s22 =	smul.u32 @!p0 $0x14, s21  }
0x14e: {  	_ =	swait.ge [sflag:s18], $0x1000  }
0x14f: {  	[sflag:s18] =	ssyncset.done $0x0;
	s22 =	sshrl.u32 @!p0 s22, $0x3  }
0x150: {  	s23 =	simm.s32 @!p0 $0x0;
	[sflag:s18] =	ssyncadd.s32 $0xFFFFF000;
	s22 =	sadd.s32 @!p0 s5, s22  }
0x151: {  	[tilespmem:s23], [sflag:$0x5] =	stream.linear.gather @!p0 [hbm4b:s22+s23], $0x280, $0x38;
	[tilespmem:$0x17580] =	vst v63  }
0x152: {  	s22 =	simm.s32 @!p0 $0x5  }
0x153: {  	_ =	swait.ge @!p0 [sflag:s22], $0x280  }
0x154: {  	s21 =	sshrl.u32 @!p0 s21, $0x3;
	[sflag:s22] =	ssyncset.done @!p0 $0x0  }
0x155: {  	s24 =	simm.s32 @!p0 $0x500;
	s21 =	sadd.s32 @!p0 s1, s21;
	[sflag:s22] =	ssyncadd.s32 @!p0 $0xFFFFFD80  }
0x156: {  	[tilespmem:s24], [sflag:$0x5] =	stream.linear.gather @!p0 [hbm4b:s21+s23], $0x20, $0x38;
	[tilespmem:$0x17580] =	vst v63  }
0x157: {  	_ =	swait.ge @!p0 [sflag:s22], $0x20  }
0x158: {  	[sflag:s22] =	ssyncset.done @!p0 $0x0  }
0x159: {  	s21 =	simm.s32 @!p0 $0x80;
	[sflag:s22] =	ssyncadd.s32 @!p0 $0xFFFFFFE0;
	s22 =	simm.s32 @!p0 $0x540  }
0x15a: {  	[tilespmem:s22], [sflag:$0x1] =	stream.indirect.gather @!p0 [hbm4b:s7+s21], $0x40, s23, s21, $0xb8;
	[tilespmem:$0x17580] =	vst v63  }
0x15b: {  	s22 =	simm.s32 @!p0 $0x2540  }
0x15c: {  	[tilespmem:s22], [sflag:$0x1] =	stream.indirect.gather @!p0 [hbm4b:s7+s21], $0x40, s21, s21, $0xb8;
	[tilespmem:$0x17580] =	vst v63  }
0x15d: {  	s23 =	simm.s32 @!p0 $0x4540;
	s22 =	simm.s32 @!p0 $0x100  }
0x15e: {  	[tilespmem:s23], [sflag:$0x1] =	stream.indirect.gather @!p0 [hbm4b:s7+s21], $0x40, s22, s21, $0xb8;
	[tilespmem:$0x17580] =	vst v63  }
0x15f: {  	s22 =	simm.s32 @!p0 $0x180;
	s23 =	simm.s32 @!p0 $0x6540  }
0x160: {  	[tilespmem:s23], [sflag:$0x1] =	stream.indirect.gather @!p0 [hbm4b:s7+s21], $0x40, s22, s21, $0xb8;
	[tilespmem:$0x17580] =	vst v63  }
0x161: {  	s22 =	simm.s32 @!p0 $0x200;
	s23 =	simm.s32 @!p0 $0x8540  }
0x162: {  	[tilespmem:s23], [sflag:$0x1] =	stream.indirect.gather @!p0 [hbm4b:s7+s21], $0x40, s22, s21, $0xb8;
	[tilespmem:$0x17580] =	vst v63  }
0x163: {  	s21 =	simm.s32 @!p0 $0x20;
	s22 =	simm.s32 @!p0 $0x14540  }
0x164: {  	[tilespmem:s22], [sflag:$0x3] =	stream.indirect.gather @!p0 [hbm4b:s6+s21], $0x40, s24, s21, $0xb8;
	[tilespmem:$0x17580] =	vst v63  }
0x165: {  	_ =	swait.ge [sflag:s11], $0xA000  }
0x166: {  	[sflag:s11] =	ssyncset.done $0x0  }
0x167: {  	[sflag:s11] =	ssyncadd.s32 $0xFFFF6000  }
0x168: {  	_ =	swait.ge [sflag:s12], $0x800  }
0x169: {  	[sflag:s12] =	ssyncset.done $0x0  }
0x16a: {  	s24 =	simm.s32 $0x4;
	[sflag:s12] =	ssyncadd.s32 $0xFFFFF800  }
0x16b: {  	s21 =	simm.s32 $0x0;
	s22 =	sand.u32 $0x7FC, s24;
	v1 =	vld [tilespmem:$0x17540]  }
0x16c: {  	s25 =	sand.u32 $0x3FC, s21;
	v3 =	vld [tilespmem:s22+$0x280]  }
0x16d: {  	s26 =	simm.s32 $0x0;
	v6 =	vld [tilespmem:s25+$0x280]  }
0x16e: {  	v7 =	vld [tilespmem:s26+$0xA750]  }
0x16f: {  	v8 =	vld [tilespmem:s26+$0xA710]  }
0x170: {  	v9 =	vld [tilespmem:s26+$0xA940]  }
0x171: {  	v10 =	vld [tilespmem:s26+$0xA6D0]  }
0x172: {  	v11 =	vld [tilespmem:s26+$0xA900]  }
0x173: {  	v12 =	vld [tilespmem:s26+$0xA5A0]  }
0x174: {  	v13 =	vld [tilespmem:s26+$0xA690]  }
0x175: {  	v14 =	vld [tilespmem:s26+$0xA8C0]  }
0x176: {  	v15 =	vld [tilespmem:s26+$0xA650]  }
0x177: {  	v16 =	vld [tilespmem:s26+$0xA880]  }
0x178: {  	v17 =	vld [tilespmem:s26+$0xA610]  }
0x179: {  	v18 =	vld [tilespmem:s26+$0xA840]  }
0x17a: {  	v19 =	vld [tilespmem:s26+$0xA5D0]  }
0x17b: {  	v20 =	vld [tilespmem:s26+$0xA800]  }
0x17c: {  	v21 =	vld [tilespmem:s26+$0xA550]  }
0x17d: {  	v22 =	vld [tilespmem:s26+$0xA590]  }
0x17e: {  	v23 =	vld [tilespmem:s26+$0xA780]  }
0x17f: {  	v2 =	vld [tilespmem:s26+$0xA860]  }
0x180: {  	v24 =	vld [tilespmem:s26+$0xA7C0]  }
0x181: {  	v25 =	vld [tilespmem:s26+$0xA740]  }
0x182: {  	v26 =	vld [tilespmem:s26+$0xA7D0]  }
0x183: {  	v27 =	vld [tilespmem:s26+$0xA700]  }
0x184: {  	v28 =	vld [tilespmem:s26+$0xA5F0]  }
0x185: {  	v29 =	vld [tilespmem:s26+$0xA6C0]  }
0x186: {  	v30 =	vld [tilespmem:s26+$0xA630]  }
0x187: {  	v31 =	vld [tilespmem:s26+$0xA680]  }
0x188: {  	v4 =	vld [tilespmem:s26+$0xA990]  }
0x189: {  	v32 =	vld [tilespmem:s26+$0xA640]  }
0x18a: {  	v5 =	vld [tilespmem:s26+$0xA950]  }
0x18b: {  	v33 =	vld [tilespmem:s26+$0xA600]  }
0x18c: {  	v34 =	vld [tilespmem:s26+$0xA6E0]  }
0x18d: {  	v36 =	vld [tilespmem:s26+$0xA540]  }
0x18e: {  	v37 =	vld [tilespmem:s26+$0xA580]  }
0x18f: {  	v35 =	vld [tilespmem:s26+$0xA910];
	vm1 =	veq.s32 v3, $0x0  }
0x190: {  	v3 =	vld [tilespmem:s26+$0xA5C0];
	vm1 =	vmand vm1, vm0  }
0x191: {  	v38 =	vld [tilespmem:s26+$0xA9C0];
	vm2 =	veq.s32 v6, $0x0;
	v6 =	vsel vm1, $0x1, v0  }
0x192: {  	v39 =	vld [tilespmem:s26+$0xA790];
	v40 =	vsel vm2, $0x1, v0;
	(xrf0) =	vadd.scan.msk.s32 $0xffff, v6  }
0x193: {  	v55 =	vld [tilespmem:s26+$0xA560];
	v36 =	vadd.f32 v37, v36;
	(xrf0) =	vadd.scan.msk.s32 $0xffff, v40  }
0x194: {  	v41 =	vld [tilespmem:s26+$0xA5E0]  }
0x195: {  	v42 =	vld [tilespmem:s26+$0xA620];
	v3 =	vadd.f32 v3, v36  }
0x196: {  	v43 =	vld [tilespmem:s26+$0xA890]  }
0x197: {  	v57 =	vld [tilespmem:s26+$0xA660];
	v3 =	vadd.f32 v33, v3  }
0x198: {  	v58 =	vld [tilespmem:s26+$0xA6A0];
	v56, _, _ =	vpop (xrf0)  }
0x199: {  	v59 =	vld [tilespmem:s26+$0xA5B0];
	v3 =	vadd.f32 v32, v3;
	v44, _, _ =	vpop (xrf0);
	(v2sf) =	vpush v56, $0xF  }
0x19a: {  	v45 =	vld [tilespmem:s26+$0xA570];
	(v2sf) =	vpush v44, $0xF  }
0x19b: {  	v46 =	vld [tilespmem:s26+$0xA720];
	v3 =	vadd.f32 v31, v3  }
0x19c: {  	v47 =	vld [tilespmem:s26+$0xA6B0]  }
0x19d: {  	v48 =	vld [tilespmem:s26+$0xA670];
	v3 =	vadd.f32 v29, v3  }
0x19e: {  	v60 =	vld [tilespmem:s26+$0xA980]  }
0x19f: {  	v49 =	vld [tilespmem:s26+$0xA8A0];
	v3 =	vadd.f32 v27, v3  }
0x1a0: {  	v50 =	vld [tilespmem:s26+$0xA9F0]  }
0x1a1: {  	v51 =	vld [tilespmem:s26+$0xA960];
	v3 =	vadd.f32 v25, v3  }
0x1a2: {  	v53 =	vld [tilespmem:s26+$0xA870];
	v21 =	vadd.f32 v22, v21  }
0x1a3: {  	v54 =	vld [tilespmem:s26+$0xA9A0];
	v3 =	vadd.f32 v23, v3  }
0x1a4: {  	v37 =	vld [tilespmem:s26+$0xA810];
	v19 =	vadd.f32 v19, v21  }
0x1a5: {  	v22 =	vld [tilespmem:s26+$0xA7A0];
	v3 =	vadd.f32 v24, v3  }
0x1a6: {  	v52 =	vadd.f32 v59, v45;
	v59 =	vld [tilespmem:s26+$0xA970];
	v17 =	vadd.f32 v17, v19  }
0x1a7: {  	v21 =	vld [tilespmem:s26+$0xA7E0];
	v3 =	vadd.f32 v20, v3  }
0x1a8: {  	v6 =	vld [tilespmem:s26+$0xAA00];
	v15 =	vadd.f32 v15, v17;
	s29 =	spop (v2sf)  }
0x1a9: {  	v19 =	vld [tilespmem:s26+$0xA820];
	v3 =	vadd.f32 v18, v3;
	s31 =	spop (v2sf)  }
0x1aa: {  	v40 =	vadd.f32 v12, v55;
	v55 =	vld [tilespmem:s26+$0xA8B0];
	v13 =	vadd.f32 v13, v15;
	s22 =	sadd.s32 s31, s29  }
0x1ab: {  	v36 =	vld [tilespmem:s26+$0xA850];
	v3 =	vadd.f32 v16, v3;
	s28 =	scvt.s32.f32 s22  }
0x1ac: {  	v17 =	vld [tilespmem:s26+$0xA830];
	v10 =	vadd.f32 v10, v13  }
0x1ad: {  	v15 =	vld [tilespmem:s26+$0xAA20];
	v3 =	vadd.f32 v14, v3;
	v61 =	vmov s28  }
0x1ae: {  	v32 =	vld [tilespmem:s26+$0xA8D0];
	v8 =	vadd.f32 v8, v10;
	v62 =	vsub.f32 $2.000000000e+01, v61  }
0x1af: {  	v13 =	vld [tilespmem:s26+$0xA8E0];
	v10 =	vadd.f32 v41, v40;
	v3 =	vadd.f32 v11, v3  }
0x1b0: {  	v56 =	vld [tilespmem:s26+$0xA8F0];
	v63 =	vmax.f32 v62, $1.000000000e+00  }
0x1b1: {  	v29 =	vld [tilespmem:s26+$0xA6F0];
	v10 =	vadd.f32 v42, v10;
	v3 =	vadd.f32 v9, v3;
	(erf) = vrcp.f32 v63  }
0x1b2: {  	v7 =	vadd.f32 v7, v8;
	v27 =	vld [tilespmem:s26+$0xA730]  }
0x1b3: {  	v10 =	vadd.f32 v57, v10;
	v57 =	vld [tilespmem:s26+$0xA9B0];
	v3 =	vadd.f32 v60, v3  }
0x1b4: {  	v7 =	vadd.f32 v39, v7;
	v25 =	vld [tilespmem:s26+$0xA760]  }
0x1b5: {  	v10 =	vadd.f32 v58, v10;
	v58 =	vld [tilespmem:s26+$0xA930];
	v3 =	vadd.f32 v38, v3  }
0x1b6: {  	v12 =	vadd.f32 v28, v52;
	v23 =	vld [tilespmem:s26+$0xA9D0];
	v1 =	vmul.f32 s28, v1  }
0x1b7: {  	v7 =	vadd.f32 v26, v7;
	v24 =	vld [tilespmem:s26+$0xA7B0];
	v3 =	vadd.f32 v6, v3  }
0x1b8: {  	v12 =	vadd.f32 v30, v12;
	v20 =	vld [tilespmem:s26+$0xA770]  }
0x1b9: {  	v7 =	vadd.f32 v37, v7;
	v18 =	vld [tilespmem:s26+$0xA7F0];
	v3 =	vsub.f32 v3, v1  }
0x1ba: {  	v12 =	vadd.f32 v48, v12;
	v14 =	vld [tilespmem:s26+$0xAA10];
	v1 =	vpop (erf)  }
0x1bb: {  	v7 =	vadd.f32 v36, v7;
	v9 =	vld [tilespmem:s26+$0xA920];
	v60 =	vmul.f32 v1, v3  }
0x1bc: {  	v12 =	vadd.f32 v47, v12;
	v10 =	vadd.f32 v34, v10;
	s22 =	simm.s32 $0x165B0;
	v6 =	vld [tilespmem:s26+$0xA9E0]  }
0x1bd: {  	s23 =	simm.s32 $0x14D70;
	v7 =	vadd.f32 v43, v7;
	v3 =	vld [tilespmem:s26+$0xAA30];
	[tilespmem:s22+$0xFFFFFFD0] =	vst v60  }
0x1be: {  	v12 =	vadd.f32 v29, v12;
	v10 =	vadd.f32 v46, v10;
	v61 =	vld [tilespmem:s23+$0xFFFFFFD0]  }
0x1bf: {  	v7 =	vadd.f32 v32, v7  }
0x1c0: {  	v12 =	vadd.f32 v27, v12;
	v10 =	vadd.f32 v25, v10  }
0x1c1: {  	v7 =	vadd.f32 v35, v7  }
0x1c2: {  	v10 =	vadd.f32 v22, v10;
	v12 =	vadd.f32 v20, v12  }
0x1c3: {  	v5 =	vadd.f32 v5, v7;
	[tilespmem:s22+$0xFFFFFF90] =	vst v61  }
0x1c4: {  	v7 =	vadd.f32 v21, v10;
	v62 =	vadd.f32 v24, v12;
	v63 =	vld [tilespmem:$0x17550]  }
0x1c5: {  	v4 =	vadd.f32 v4, v5  }
0x1c6: {  	v5 =	vadd.f32 v19, v7;
	v7 =	vadd.f32 v18, v62  }
0x1c7: {  	v4 =	vadd.f32 v23, v4  }
0x1c8: {  	v2 =	vadd.f32 v2, v5;
	v5 =	vadd.f32 v17, v7  }
0x1c9: {  	v4 =	vadd.f32 v14, v4;
	v7 =	vmul.f32 s28, v63  }
0x1ca: {  	v2 =	vadd.f32 v49, v2;
	v5 =	vadd.f32 v53, v5  }
0x1cb: {  	v4 =	vsub.f32 v4, v7  }
0x1cc: {  	v2 =	vadd.f32 v13, v2;
	v5 =	vadd.f32 v55, v5  }
0x1cd: {  	v4 =	vmul.f32 v1, v4  }
0x1ce: {  	v2 =	vadd.f32 v9, v2;
	v5 =	vadd.f32 v56, v5  }
0x1cf: {  	[tilespmem:s22+$0xFFFFFFE0] =	vst v4  }
0x1d0: {  	v2 =	vadd.f32 v51, v2;
	v4 =	vadd.f32 v58, v5;
	v5 =	vld [tilespmem:s23+$0xFFFFFFE0];
	_ =	sdelay $0x1  }
0x1d1: {  	v2 =	vadd.f32 v54, v2;
	v4 =	vadd.f32 v59, v4;
	_ =	sdelay $0x1  }
0x1d2: {  	v2 =	vadd.f32 v6, v2;
	v6 =	vadd.f32 v57, v4  }
0x1d3: {  	[tilespmem:s22+$0xFFFFFFA0] =	vst v5  }
0x1d4: {  	s24 =	simm.s32 $0x165B0;
	s25 =	simm.s32 $0x14D70;
	s26 =	simm.s32 $0x1400;
	v4 =	vadd.f32 v15, v2;
	v2 =	vadd.f32 v50, v6;
	v5 =	vld [tilespmem:$0x17560]  }
.LBB2_5:
0x1d5: {  	_ = 	snop  }
0x1d6: {  	s21 =	sadd.s32 $0x14, s21;
	s23 =	sadd.s32 $0x40, s23;
	s22 =	sadd.s32 $0x80, s22  }
0x1d7: {  	p1 =	sne.s32 s26, $0x26C00;
	s29 =	smov.u32 s26;
	s26 =	sadd.s32 $0x1400, s26  }
0x1d8: {  	_ = 	snop  }
0x1d9: {  	v5 =	vmul.f32 s28, v5;
	_ =	sdelay $0x1  }
0x1da: {  	v4 =	vsub.f32 v4, v5;
	_ =	sdelay $0x1  }
0x1db: {  	v4 =	vmul.f32 v1, v4;
	_ =	sdelay $0x1  }
0x1dc: {  	[tilespmem:s24+$0xFFFFFFF0] =	vst v4  }
0x1dd: {  	v4 =	vld [tilespmem:s25+$0xFFFFFFF0];
	_ =	sdelay $0x4  }
0x1de: {  	[tilespmem:s24+$0xFFFFFFB0] =	vst v4  }
0x1df: {  	v4 =	vld [tilespmem:$0x17570];
	_ =	sdelay $0x3  }
0x1e0: {  	v2 =	vadd.f32 v3, v2  }
0x1e1: {  	v3 =	vmul.f32 s28, v4;
	_ =	sdelay $0x1  }
0x1e2: {  	v2 =	vsub.f32 v2, v3;
	_ =	sdelay $0x1  }
0x1e3: {  	v1 =	vmul.f32 v2, v1;
	_ =	sdelay $0x1  }
0x1e4: {  	[tilespmem:s24+$0x0] =	vst v1  }
0x1e5: {  	v1 =	vld [tilespmem:s25+$0x0];
	s25 =	smov.u32 s23;
	_ =	sdelay $0x4  }
0x1e6: {  	s28 =	sadd.s32 $0x4, s21;
	[tilespmem:s24+$0xFFFFFFC0] =	vst v1;
	s24 =	smov.u32 s22  }
0x1e7: {  	s28 =	sand.u32 $0x7FC, s28;
	v7 =	vld [tilespmem:$0x17540]  }
0x1e8: {  	s31 =	sand.u32 $0x3FC, s21;
	v2 =	vld [tilespmem:s28+$0x280]  }
0x1e9: {  	s29 =	sshra.s32 s29, $0x2;
	v3 =	vld [tilespmem:s31+$0x280]  }
0x1ea: {  	v11 =	vld [tilespmem:s29+$0xA750]  }
0x1eb: {  	v9 =	vld [tilespmem:s29+$0xA710]  }
0x1ec: {  	v1 =	vld [tilespmem:s29+$0xA940]  }
0x1ed: {  	v10 =	vld [tilespmem:s29+$0xA6D0];
	vm1 =	veq.s32 v2, $0x0  }
0x1ee: {  	v2 =	vld [tilespmem:s29+$0xA900];
	vm2 =	veq.s32 v3, $0x0;
	vm1 =	vmand vm1, vm0  }
0x1ef: {  	v12 =	vld [tilespmem:s29+$0xA5A0];
	v4 =	vsel vm2, $0x1, v0;
	v3 =	vsel vm1, $0x1, v0  }
0x1f0: {  	v13 =	vld [tilespmem:s29+$0xA690];
	(xrf0) =	vadd.scan.msk.s32 $0xffff, v3  }
0x1f1: {  	v3 =	vld [tilespmem:s29+$0xA8C0];
	(xrf0) =	vadd.scan.msk.s32 $0xffff, v4  }
0x1f2: {  	v14 =	vld [tilespmem:s29+$0xA650]  }
0x1f3: {  	v4 =	vld [tilespmem:s29+$0xA880]  }
0x1f4: {  	v15 =	vld [tilespmem:s29+$0xA610]  }
0x1f5: {  	v6 =	vld [tilespmem:s29+$0xA840]  }
0x1f6: {  	v16 =	vld [tilespmem:s29+$0xA5D0];
	v5, _, _ =	vpop (xrf0)  }
0x1f7: {  	v8 =	vld [tilespmem:s29+$0xA800];
	v17, _, _ =	vpop (xrf0);
	(v2sf) =	vpush v5, $0xF  }
0x1f8: {  	v18 =	vld [tilespmem:s29+$0xA550];
	(v2sf) =	vpush v17, $0xF  }
0x1f9: {  	v17 =	vld [tilespmem:s29+$0xA590]  }
0x1fa: {  	v19 =	vld [tilespmem:s29+$0xA780]  }
0x1fb: {  	v5 =	vld [tilespmem:s29+$0xA860]  }
0x1fc: {  	v20 =	vld [tilespmem:s29+$0xA7C0]  }
0x1fd: {  	v21 =	vld [tilespmem:s29+$0xA740]  }
0x1fe: {  	v22 =	vld [tilespmem:s29+$0xA7D0]  }
0x1ff: {  	v23 =	vld [tilespmem:s29+$0xA700]  }
0x200: {  	v24 =	vld [tilespmem:s29+$0xA5F0]  }
0x201: {  	v25 =	vld [tilespmem:s29+$0xA6C0]  }
0x202: {  	v17 =	vadd.f32 v17, v18;
	v18 =	vld [tilespmem:s29+$0xA630]  }
0x203: {  	v26 =	vld [tilespmem:s29+$0xA680]  }
0x204: {  	v16 =	vadd.f32 v16, v17;
	v17 =	vld [tilespmem:s29+$0xA990]  }
0x205: {  	v27 =	vld [tilespmem:s29+$0xA640]  }
0x206: {  	v15 =	vadd.f32 v15, v16;
	v16 =	vld [tilespmem:s29+$0xA950];
	s28 =	spop (v2sf)  }
0x207: {  	v28 =	vld [tilespmem:s29+$0xA600];
	s31 =	spop (v2sf)  }
0x208: {  	v14 =	vadd.f32 v14, v15;
	v15 =	vld [tilespmem:s29+$0xA6E0];
	s28 =	sadd.s32 s31, s28  }
0x209: {  	v29 =	vld [tilespmem:s29+$0xA910];
	s28 =	scvt.s32.f32 s28  }
0x20a: {  	v13 =	vadd.f32 v13, v14;
	v30 =	vld [tilespmem:s29+$0xA5C0]  }
0x20b: {  	v14 =	vld [tilespmem:s29+$0xA540];
	v31 =	vmov s28;
	v7 =	vmul.f32 s28, v7  }
0x20c: {  	v32 =	vld [tilespmem:s29+$0xA580];
	v31 =	vsub.f32 $2.000000000e+01, v31  }
0x20d: {  	v13 =	vadd.f32 v10, v13;
	v10 =	vld [tilespmem:s29+$0xA9C0]  }
0x20e: {  	v33 =	vld [tilespmem:s29+$0xA790];
	v31 =	vmax.f32 v31, $1.000000000e+00  }
0x20f: {  	v13 =	vadd.f32 v9, v13;
	v9 =	vld [tilespmem:s29+$0xAA00]  }
0x210: {  	v34 =	vld [tilespmem:s29+$0xA560]  }
0x211: {  	v11 =	vadd.f32 v11, v13;
	v14 =	vadd.f32 v32, v14;
	v13 =	vld [tilespmem:s29+$0xA810]  }
0x212: {  	v32 =	vld [tilespmem:s29+$0xA5E0]  }
0x213: {  	v14 =	vadd.f32 v30, v14;
	v11 =	vadd.f32 v33, v11;
	v30 =	vld [tilespmem:s29+$0xA850]  }
0x214: {  	v33 =	vld [tilespmem:s29+$0xA620]  }
0x215: {  	v14 =	vadd.f32 v28, v14;
	v11 =	vadd.f32 v22, v11;
	v22 =	vld [tilespmem:s29+$0xA890]  }
0x216: {  	v12 =	vadd.f32 v12, v34;
	v28 =	vld [tilespmem:s29+$0xA660]  }
0x217: {  	v14 =	vadd.f32 v27, v14;
	v11 =	vadd.f32 v13, v11;
	v13 =	vld [tilespmem:s29+$0xA8D0]  }
0x218: {  	v12 =	vadd.f32 v32, v12;
	v27 =	vld [tilespmem:s29+$0xA6A0]  }
0x219: {  	v32 =	vld [tilespmem:s29+$0xA5B0];
	v14 =	vadd.f32 v26, v14;
	v11 =	vadd.f32 v30, v11  }
0x21a: {  	v12 =	vadd.f32 v33, v12;
	v26 =	vld [tilespmem:s29+$0xA570]  }
0x21b: {  	v14 =	vadd.f32 v25, v14;
	v25 =	vld [tilespmem:s29+$0xA6F0];
	v11 =	vadd.f32 v22, v11  }
0x21c: {  	v12 =	vadd.f32 v28, v12;
	v22 =	vld [tilespmem:s29+$0xA720]  }
0x21d: {  	v14 =	vadd.f32 v23, v14;
	v23 =	vld [tilespmem:s29+$0xA730];
	v11 =	vadd.f32 v13, v11  }
0x21e: {  	v12 =	vadd.f32 v27, v12;
	v13 =	vld [tilespmem:s29+$0xA6B0]  }
0x21f: {  	v14 =	vadd.f32 v21, v14;
	v21 =	vld [tilespmem:s29+$0xA760];
	v11 =	vadd.f32 v29, v11  }
0x220: {  	v26 =	vadd.f32 v32, v26;
	v12 =	vadd.f32 v15, v12;
	v27 =	vld [tilespmem:s29+$0xA670]  }
0x221: {  	v14 =	vadd.f32 v19, v14;
	v11 =	vadd.f32 v16, v11;
	v15 =	vld [tilespmem:s29+$0xA9D0]  }
0x222: {  	v16 =	vadd.f32 v24, v26;
	v19 =	vld [tilespmem:s29+$0xA7A0]  }
0x223: {  	v12 =	vadd.f32 v22, v12;
	v22 =	vld [tilespmem:s29+$0xA7B0];
	v14 =	vadd.f32 v20, v14  }
0x224: {  	v16 =	vadd.f32 v18, v16;
	v11 =	vadd.f32 v17, v11;
	v18 =	vld [tilespmem:s29+$0xA7E0]  }
0x225: {  	v12 =	vadd.f32 v21, v12;
	v17 =	vld [tilespmem:s29+$0xA770];
	v8 =	vadd.f32 v8, v14  }
0x226: {  	v14 =	vadd.f32 v27, v16;
	v16 =	vld [tilespmem:s29+$0xA820]  }
0x227: {  	v12 =	vadd.f32 v19, v12;
	v19 =	vld [tilespmem:s29+$0xA7F0];
	v6 =	vadd.f32 v6, v8  }
0x228: {  	v8 =	vadd.f32 v13, v14;
	v13 =	vld [tilespmem:s29+$0xA830]  }
0x229: {  	v12 =	vadd.f32 v18, v12;
	v4 =	vadd.f32 v4, v6;
	v6 =	vld [tilespmem:s29+$0xA980]  }
0x22a: {  	v8 =	vadd.f32 v25, v8;
	v14 =	vld [tilespmem:s29+$0xA8A0]  }
0x22b: {  	v12 =	vadd.f32 v16, v12;
	v3 =	vadd.f32 v3, v4;
	v4 =	vld [tilespmem:s29+$0xAA20]  }
0x22c: {  	v8 =	vadd.f32 v23, v8;
	v16 =	vld [tilespmem:s29+$0xA8E0]  }
0x22d: {  	v5 =	vadd.f32 v5, v12;
	v2 =	vadd.f32 v2, v3;
	v12 =	vld [tilespmem:s29+$0xAA10]  }
0x22e: {  	v3 =	vadd.f32 v17, v8;
	v8 =	vld [tilespmem:s29+$0xA920];
	(erf) = vrcp.f32 v31  }
0x22f: {  	v5 =	vadd.f32 v14, v5;
	v1 =	vadd.f32 v1, v2;
	v2 =	vld [tilespmem:s29+$0xA9F0]  }
0x230: {  	v3 =	vadd.f32 v22, v3;
	v14 =	vld [tilespmem:s29+$0xA960]  }
0x231: {  	v17 =	vld [tilespmem:s29+$0xA870];
	v5 =	vadd.f32 v16, v5;
	v1 =	vadd.f32 v6, v1  }
0x232: {  	v3 =	vadd.f32 v19, v3;
	v6 =	vld [tilespmem:s29+$0xA9A0]  }
0x233: {  	v16 =	vld [tilespmem:s29+$0xA8B0];
	v5 =	vadd.f32 v8, v5;
	v1 =	vadd.f32 v10, v1  }
0x234: {  	v3 =	vadd.f32 v13, v3;
	v8 =	vld [tilespmem:s29+$0xA9E0]  }
0x235: {  	v10 =	vld [tilespmem:s29+$0xA8F0];
	v5 =	vadd.f32 v14, v5;
	v14 =	vadd.f32 v9, v1  }
0x236: {  	v3 =	vadd.f32 v17, v3;
	v9 =	vld [tilespmem:s29+$0xA9B0]  }
0x237: {  	v13 =	vld [tilespmem:s29+$0xA930];
	v5 =	vadd.f32 v6, v5;
	v6 =	vsub.f32 v14, v7;
	v1 =	vpop (erf)  }
0x238: {  	v3 =	vadd.f32 v16, v3;
	v7 =	vld [tilespmem:s29+$0xA970]  }
0x239: {  	v5 =	vadd.f32 v8, v5;
	v6 =	vmul.f32 v1, v6  }
0x23a: {  	v8 =	vadd.f32 v10, v3;
	v3 =	vld [tilespmem:s29+$0xAA30]  }
0x23b: {  	v4 =	vadd.f32 v4, v5;
	[tilespmem:s22+$0xFFFFFFD0] =	vst v6  }
0x23c: {  	v5 =	vadd.f32 v13, v8;
	v6 =	vld [tilespmem:s23+$0xFFFFFFD0];
	_ =	sdelay $0x1  }
0x23d: {  	v5 =	vadd.f32 v7, v5;
	_ =	sdelay $0x1  }
0x23e: {  	v5 =	vadd.f32 v9, v5  }
0x23f: {  	[tilespmem:s22+$0xFFFFFF90] =	vst v6  }
0x240: {  	v2 =	vadd.f32 v2, v5;
	v5 =	vld [tilespmem:$0x17550];
	_ =	sdelay $0x1  }
0x241: {  	v6 =	vadd.f32 v15, v11;
	_ =	sdelay $0x1  }
0x242: {  	v6 =	vadd.f32 v12, v6  }
0x243: {  	v5 =	vmul.f32 s28, v5;
	_ =	sdelay $0x1  }
0x244: {  	v5 =	vsub.f32 v6, v5;
	_ =	sdelay $0x1  }
0x245: {  	v5 =	vmul.f32 v1, v5;
	_ =	sdelay $0x1  }
0x246: {  	[tilespmem:s22+$0xFFFFFFE0] =	vst v5  }
0x247: {  	v5 =	vld [tilespmem:s23+$0xFFFFFFE0];
	_ =	sdelay $0x1  }
.Ltmp3:
0x248: {  	(pc) =	sbr.rel @p1 .LBB2_5-.Ltmp3, $3  }
0x249: {  	_ =	sdelay $0x1  }
0x24a: {  	[tilespmem:s22+$0xFFFFFFA0] =	vst v5  }
0x24b: {  	v5 =	vld [tilespmem:$0x17560]  }
0x24c: {  	_ =	sdelay $0x3  }
0x24d: {  	v5 =	vmul.f32 s28, v5;
	_ =	sdelay $0x1  }
0x24e: {  	v4 =	vsub.f32 v4, v5;
	_ =	sdelay $0x1  }
0x24f: {  	v4 =	vmul.f32 v1, v4;
	_ =	sdelay $0x1  }
0x250: {  	[tilespmem:s24+$0xFFFFFFF0] =	vst v4  }
0x251: {  	v4 =	vld [tilespmem:s25+$0xFFFFFFF0];
	_ =	sdelay $0x4  }
0x252: {  	[tilespmem:s24+$0xFFFFFFB0] =	vst v4  }
0x253: {  	v4 =	vld [tilespmem:$0x17570];
	_ =	sdelay $0x4  }
0x254: {  	v2 =	vadd.f32 v3, v2;
	v3 =	vmul.f32 s28, v4;
	_ =	sdelay $0x1  }
0x255: {  	v2 =	vsub.f32 v2, v3;
	_ =	sdelay $0x1  }
0x256: {  	v1 =	vmul.f32 v2, v1;
	_ =	sdelay $0x1  }
0x257: {  	[tilespmem:s24+$0x0] =	vst v1  }
0x258: {  	v1 =	vld [tilespmem:s25+$0x0]  }
0x259: {  	s21 =	sadd.s32 s17, s8  }
0x25a: {  	s21 =	sshll.u32 s21, $0x4  }
0x25b: {  	s21 =	sadd.s32 $0x200, s21  }
0x25c: {  	s22 =	rddreg [dreg:$0x2];
	s21 =	sand.u32 $0x1FFFFE00, s21  }
.Ltmp4:
0x25d: {  	s21 =	sadd.s32 s22, s21;
	[tilespmem:s24+$0xFFFFFFC0] =	vst v1;
	(pc) =	sbr.rel @p0 .LBB2_8-.Ltmp4, $4  }
0x25e: {  	[hbm4b:s21+s4] =	stream.linear.scatter [tilespmem:s16], [sflag:$0x5], $0x1000, $0x38;
	[tilespmem:$0x17580] =	vst v63  }
0x25f: {  	_ =	swait.ge [sflag:s18], $0x1000  }
0x260: {  	[sflag:s18] =	ssyncset.done $0x0  }
0x261: {  	[sflag:s18] =	ssyncadd.s32 $0xFFFFF000  }
0x262: {  	s17 =	sadd.s32 s17, s15  }
0x263: {  	s21 =	smul.u32 $0x14, s17;
	_ =	sdelay $0x1  }
0x264: {  	s21 =	sshrl.u32 s21, $0x3  }
0x265: {  	s21 =	sadd.s32 s5, s21  }
0x266: {  	[tilespmem:s0], [sflag:$0x5] =	stream.linear.gather [hbm4b:s21+s4], $0x280, $0x38;
	[tilespmem:$0x17580] =	vst v63  }
0x267: {  	_ =	swait.ge [sflag:s18], $0x280  }
0x268: {  	s17 =	sshrl.u32 s17, $0x3;
	[sflag:s18] =	ssyncset.done $0x0  }
0x269: {  	s17 =	sadd.s32 s1, s17;
	[sflag:s18] =	ssyncadd.s32 $0xFFFFFD80  }
0x26a: {  	[tilespmem:s2], [sflag:$0x5] =	stream.linear.gather [hbm4b:s17+s4], $0x20, $0x38;
	[tilespmem:$0x17580] =	vst v63  }
0x26b: {  	_ =	swait.ge [sflag:s18], $0x20  }
0x26c: {  	[sflag:s18] =	ssyncset.done $0x0  }
0x26d: {  	s31 =	simm.s32 $0xA540;
	[sflag:s18] =	ssyncadd.s32 $0xFFFFFFE0  }
0x26e: {  	[tilespmem:s31], [sflag:$0x2] =	stream.indirect.gather [hbm4b:s7+s20], $0x40, s0, s20, $0xb8;
	[tilespmem:$0x17580] =	vst v63  }
0x26f: {  	s22 =	simm.s32 $0xC540;
	s21 =	simm.s32 $0x300  }
0x270: {  	[tilespmem:s22], [sflag:$0x2] =	stream.indirect.gather [hbm4b:s7+s20], $0x40, s21, s20, $0xb8;
	[tilespmem:$0x17580] =	vst v63  }
0x271: {  	s23 =	simm.s32 $0x380;
	s24 =	simm.s32 $0xE540  }
0x272: {  	[tilespmem:s24], [sflag:$0x2] =	stream.indirect.gather [hbm4b:s7+s20], $0x40, s23, s20, $0xb8;
	[tilespmem:$0x17580] =	vst v63  }
0x273: {  	s25 =	simm.s32 $0x400;
	s26 =	simm.s32 $0x10540  }
0x274: {  	[tilespmem:s26], [sflag:$0x2] =	stream.indirect.gather [hbm4b:s7+s20], $0x40, s25, s20, $0xb8;
	[tilespmem:$0x17580] =	vst v63  }
.Ltmp5:
0x275: {  	_ = 	snop;
	(pc) =	sbr.rel .LBB2_2-.Ltmp5, $4  }
0x276: {  	s28 =	simm.s32 $0x480;
	s29 =	simm.s32 $0x12540  }
0x277: {  	[tilespmem:s29], [sflag:$0x2] =	stream.indirect.gather [hbm4b:s7+s20], $0x40, s28, s20, $0xb8;
	[tilespmem:$0x17580] =	vst v63  }
0x278: {  	s3 =	sadd.s32 $0x1, s3;
	s31 =	simm.s32 $0x14D40  }
0x279: {  	[tilespmem:s31], [sflag:$0x4] =	stream.indirect.gather [hbm4b:s6+s30], $0x40, s2, s30, $0xb8;
	[tilespmem:$0x17580] =	vst v63  }
.LBB2_9:
0x27a: {  	_ =	sfence.sel $0x180000  }
0x27b: {  	[bflag:$0x0] =	sbarrier.arrive $0xFFFF  }
0x27c: {  	_ =	strace $0x90000047  }
0x27d: {  	s0 =	stileid.u32;
	[bflag:$0x2] =	sbarrier.arrive $0xFFFF  }
0x27e: {  	p0 =	sne.s32 s0, $0x0;
	s0 =	rddreg [dreg:$0x3]  }
0x27f: {  	s0 =	sadd.s32 @!p0 $0x100000, s0  }
0x280: {  	[sflag:s0] =	ssyncadd.tile.s32 @!p0 $0x1;
	_ =	shalt  }
.Lfunc_end2:
_tile_overlayer_lowered:
.L_overlay_start_2:
0x281: {  	(tag) =	ssettag $0x2  }
0x282: {  	s0 =	rddreg [dreg:$0x0];
	s2 =	stileid.u32  }
0x283: {  	s1 =	rddreg [dreg:$0x1];
	p0 =	sne.s32 s2, $0x0  }
0x284: {  	s3 =	rddreg [dreg:$0x2];
	[bflag:$0x3] =	sbarrier.arrive $0xFFFF;
	s2 =	simm.s32 @!p0 $0x1C05  }
0x285: {  	[timem:s3], [sflag:s2] =	dma.local @!p0 [hbm:s0], s1  }
0x286: {  	s0 =	simm.s32 @!p0 $0x5  }
0x287: {  	_ =	swait.ge @!p0 [sflag:s0], s1  }
0x288: {  	s1 =	ssub.s32 @!p0 $0x0, s1;
	[sflag:s0] =	ssyncset.done @!p0 $0x0  }
0x289: {  	[sflag:s0] =	ssyncadd.s32 @!p0 s1  }
0x28a: {  	[bflag:$0x3] =	sbarrier.arrive $0xFFFF  }
0x28b: {  	_ =	shalt  }

</sc_bundles>
